<compile_context>
chip_gen: v7x
topology: tpu7x:2x2x1
jax: 0.10.2.dev20260603
libtpu: 0.0.44.dev20260713+nightly
codegen_flags: <defaults>
</compile_context>

<pallas_src>
import jax
import jax.numpy as jnp
from jax import lax
from jax.experimental import pallas as pl
from jax.experimental.pallas import tpu as pltpu
from jax.experimental.pallas import tpu_sc as plsc

BATCH = 64
SEQ = 4096
L = 16
NCHUNK = SEQ // L
MAX_MASKED = 615
KCHUNKS = (MAX_MASKED + L - 1) // L
NWORKERS = 32
ROWS_PER_W = BATCH // NWORKERS

S_SIZE = 0
S_RANK = 1
S_PREF = 2
S_SHIFT = 3
S_DONE = 4
S_KEFF = 5


def _iota16():
  return lax.iota(jnp.int32, 16)


def _scalar(x_vec):
  return lax.squeeze(lax.slice(x_vec, (0,), (1,)), (0,))


def _row_compute(o, ids_v, rand_v, key_v, cbuf_a, cbuf_b, hist, suf, out_v, st):
  lanes = _iota16()
  ones = jnp.ones((L,), jnp.int32)

  def p0_body(c, cnt):
    ids = ids_v[pl.ds(o + c * L, L)]
    rb = lax.bitcast_convert_type(rand_v[pl.ds(o + c * L, L)], jnp.int32)
    m = ids != 0
    ukey = jnp.where(m, rb + 1, 0)
    key_v[pl.ds(c * L, L)] = ukey
    bucket = jnp.right_shift(ukey, 24)
    plsc.addupdate_scatter(hist, [bucket * L + lanes], ones)
    return cnt + jnp.where(m, 1, 0)

  cnt = plsc.parallel_loop(0, NCHUNK, unroll=8,
                           carry=jnp.zeros((L,), jnp.int32))(p0_body)
  n_tok = jnp.sum(cnt)

  t_f = n_tok.astype(jnp.float32) * jnp.float32(0.15)
  t_i = t_f.astype(jnp.int32)
  target = t_i + jnp.where(t_i.astype(jnp.float32) < t_f, 1, 0)

  st[S_KEFF] = MAX_MASKED

  @pl.when(n_tok != SEQ)
  def _keff_slow():
    def keff_body(c, carry):
      run, kacc = carry
      m_i = jnp.where(key_v[pl.ds(c * L, L)] > 0, 1, 0)
      cum = plsc.cumsum(m_i) + run
      pos = lanes + c * L
      keep = jnp.where((cum <= target) & (pos < MAX_MASKED), 1, 0)
      run = run + jnp.sum(m_i)
      return run, kacc + keep

    _, kacc = plsc.parallel_loop(
        0, KCHUNKS, carry=(jnp.int32(0), jnp.zeros((L,), jnp.int32)))(
            keff_body)
    st[S_KEFF] = jnp.sum(kacc)

  st[S_SIZE] = SEQ
  st[S_RANK] = st[S_KEFF]
  st[S_PREF] = 0
  st[S_SHIFT] = 24
  st[S_DONE] = 0

  def suffix_and_search(rank):
    zeros = jnp.zeros((L,), jnp.int32)

    def suf_body(i, cum):
      b = 255 - i
      cum = cum + hist[pl.ds(b * L, L)]
      suf[pl.ds(b * L, L)] = cum
      hist[pl.ds(b * L, L)] = zeros
      return cum

    plsc.parallel_loop(0, 256, unroll=4, carry=zeros)(suf_body)

    def bs_body(i, lo):
      step = jnp.int32(128) >> i
      mid = lo + step
      s_mid = jnp.where(
          mid < 256, jnp.sum(suf[pl.ds(jnp.minimum(mid, 255) * L, L)]), 0)
      return jnp.where(s_mid >= rank, mid, lo)

    bstar = lax.fori_loop(0, 8, bs_body, jnp.int32(0))
    s_b = jnp.sum(suf[pl.ds(bstar * L, L)])
    c_above = jnp.where(
        bstar < 255, jnp.sum(suf[pl.ds(jnp.minimum(bstar + 1, 255) * L, L)]), 0)
    return bstar, c_above, s_b - c_above

  def compact(src, dst, n, shift, bsel, with_hist):
    static_n = isinstance(n, int)
    nch = (n + L - 1) // L
    nshift = jnp.broadcast_to(shift - 8, (L,))
    shift_b = jnp.broadcast_to(shift, (L,))

    def body(c, off):
      v = src[pl.ds(c * L, L)]
      byte = jnp.bitwise_and(jnp.right_shift(v, shift_b), 255)
      m = byte == bsel
      if not static_n:
        m = m & ((lanes + c * L) < n)
      plsc.store_compressed(dst.at[pl.ds(off, L)], v, mask=m)
      if with_hist:
        nbyte = jnp.bitwise_and(jnp.right_shift(v, nshift), 255)
        plsc.addupdate_scatter(hist, [nbyte * L + lanes], ones, mask=m)
      npick = plsc.all_reduce_population_count(m)
      return off + _scalar(npick)

    return plsc.parallel_loop(0, nch, unroll=4, carry=jnp.int32(0))(body)

  def level(src, dst, is_last, first=False):
    n = SEQ if first else st[S_SIZE]
    rank = st[S_RANK]
    shift = st[S_SHIFT]

    bstar, c_above, tot = suffix_and_search(rank)
    new_rank = rank - c_above
    new_pref = st[S_PREF] * 256 + bstar
    new_shift = shift - 8

    done_now = (new_rank == tot) | (new_shift < 0)
    st[S_RANK] = new_rank
    st[S_PREF] = new_pref
    st[S_SHIFT] = jnp.where(done_now, shift, new_shift)

    @pl.when(jnp.logical_not(done_now) & (tot <= L))
    def _sort_exit():
      compact(src, dst, n, shift, bstar, with_hist=False)
      vals = dst[pl.ds(0, L)]
      mvalid = lanes < tot
      sk, _, _ = plsc.sort_key_val(vals, vals, mask=mvalid, descending=True)
      dst[pl.ds(0, L)] = sk
      t_val = _scalar(dst[pl.ds(new_rank - 1, L)])
      gt_cnt = jnp.sum(jnp.where(mvalid & (vals > t_val), 1, 0))
      st[S_RANK] = new_rank - gt_cnt
      st[S_PREF] = t_val
      st[S_SHIFT] = 0
      st[S_DONE] = 1

    if not is_last:
      @pl.when(jnp.logical_not(done_now) & (tot > L))
      def _compact_next():
        st[S_SIZE] = compact(src, dst, n, shift, bstar, with_hist=True)

    @pl.when(done_now)
    def _done():
      st[S_DONE] = 1

  plan = [(key_v, cbuf_a), (cbuf_a, cbuf_b), (cbuf_b, cbuf_a),
          (cbuf_a, cbuf_b)]
  for li, (src, dst) in enumerate(plan):
    if li == 0:
      level(src, dst, is_last=False, first=True)
    else:
      @pl.when(st[S_DONE] == 0)
      def _run_level(src=src, dst=dst, last=(li == 3)):
        level(src, dst, is_last=last)

  q_shift = jnp.broadcast_to(st[S_SHIFT], (L,))
  q_pref = st[S_PREF]
  r_fin = st[S_RANK]

  def fin_body(c, run_eq):
    ukey = key_v[pl.ds(c * L, L)]
    q = jnp.right_shift(ukey, q_shift)
    gt = q > q_pref
    eq = q == q_pref
    eq_i = jnp.where(eq, 1, 0)
    rank_vec = plsc.cumsum(eq_i) + run_eq
    sel = gt | (eq & (rank_vec <= r_fin))
    out_v[pl.ds(o + c * L, L)] = jnp.where(sel, 1, 0)
    return run_eq + plsc.all_reduce_population_count(eq)

  plsc.parallel_loop(0, NCHUNK, unroll=4,
                     carry=jnp.zeros((L,), jnp.int32))(fin_body)


def _sc_kernel(ids_hbm, rand_hbm, out_hbm,
               ids_v, rand_v, key_v, cbuf_a, cbuf_b,
               hist, suf, out_v, st, sem_a, sem_b, sem_o):
  wid = lax.axis_index("s") * 2 + lax.axis_index("c")
  base0 = (wid * ROWS_PER_W) * SEQ

  cp_i0 = pltpu.async_copy(
      ids_hbm.at[pl.ds(base0, SEQ)], ids_v.at[pl.ds(0, SEQ)], sem_a)
  cp_r0 = pltpu.async_copy(
      rand_hbm.at[pl.ds(base0, SEQ)], rand_v.at[pl.ds(0, SEQ)], sem_a)
  cp_i1 = pltpu.async_copy(
      ids_hbm.at[pl.ds(base0 + SEQ, SEQ)], ids_v.at[pl.ds(SEQ, SEQ)], sem_b)
  cp_r1 = pltpu.async_copy(
      rand_hbm.at[pl.ds(base0 + SEQ, SEQ)], rand_v.at[pl.ds(SEQ, SEQ)], sem_b)

  def z_body(b):
    hist[pl.ds(b * L, L)] = jnp.zeros((L,), jnp.int32)

  plsc.parallel_loop(0, 256, unroll=4)(z_body)

  cp_i0.wait()
  cp_r0.wait()

  def row_body(i, _):
    @pl.when(i == 1)
    def _wait_row1():
      cp_i1.wait()
      cp_r1.wait()

    o = i * SEQ
    _row_compute(o, ids_v, rand_v, key_v, cbuf_a, cbuf_b, hist, suf, out_v,
                 st)
    pltpu.async_copy(out_v.at[pl.ds(o, SEQ)],
                     out_hbm.at[pl.ds(base0 + o, SEQ)], sem_o)
    return 0

  lax.fori_loop(0, ROWS_PER_W, row_body, 0)

  pltpu.make_async_copy(out_v.at[pl.ds(0, SEQ)],
                        out_hbm.at[pl.ds(base0, SEQ)], sem_o).wait()
  pltpu.make_async_copy(out_v.at[pl.ds(SEQ, SEQ)],
                        out_hbm.at[pl.ds(base0 + SEQ, SEQ)], sem_o).wait()


@jax.jit
def kernel(input_ids, rand):
  mesh = plsc.VectorSubcoreMesh(
      core_axis_name="c", subcore_axis_name="s", num_cores=2, num_subcores=16)
  run = pl.kernel(
      _sc_kernel,
      out_type=jax.ShapeDtypeStruct((BATCH * SEQ,), jnp.int32),
      mesh=mesh,
      compiler_params=pltpu.CompilerParams(needs_layout_passes=False),
      scratch_types=[
          pltpu.VMEM((2 * SEQ,), jnp.int32),
          pltpu.VMEM((2 * SEQ,), jnp.float32),
          pltpu.VMEM((SEQ,), jnp.int32),
          pltpu.VMEM((SEQ + L,), jnp.int32),
          pltpu.VMEM((SEQ + L,), jnp.int32),
          pltpu.VMEM((256 * L,), jnp.int32),
          pltpu.VMEM((256 * L,), jnp.int32),
          pltpu.VMEM((2 * SEQ,), jnp.int32),
          pltpu.SMEM((8,), jnp.int32),
          pltpu.SemaphoreType.DMA,
          pltpu.SemaphoreType.DMA,
          pltpu.SemaphoreType.DMA,
      ],
  )
  ids_flat = input_ids.reshape(BATCH * SEQ).astype(jnp.int32)
  rand_flat = rand.reshape(BATCH * SEQ)
  out = run(ids_flat, rand_flat)
  return out.reshape(BATCH, SEQ).astype(jnp.bool_)

# --- scband reference (transcript-rebuilt; emitter-appended) ---
"""Pipeline reference for scband-mlm-56873956934189 (READ-ONLY COPY).

The authoritative reference and input builder live on the scoring server;
editing this copy changes nothing except your own understanding.
"""

import math
import jax, jax.numpy as jnp
import numpy as np

MASK_PROB = 0.15
PAD_TOKEN_ID = 0
MASK_TOKEN_ID = 2
MASK_IGNORE_TOKEN_IDS = [PAD_TOKEN_ID]
BATCH = 64
SEQ_LEN = 4096
VOCAB = 30522


def setup_inputs(seed: int = 0) -> dict:
    key = jax.random.key(seed)
    k1, k2 = jax.random.split(key)
    input_ids = jax.random.randint(k1, (BATCH, SEQ_LEN), 0, VOCAB, dtype=jnp.int64 if jax.config.jax_enable_x64 else jnp.int32)
    # internal randomness of torch.rand materialized for determinism
    rand = jax.random.uniform(k2, (BATCH, SEQ_LEN), dtype=jnp.float32)
    return {"input_ids": input_ids, "rand": rand}


def _mask_with_tokens(t, token_ids):
    no_mask = jnp.zeros(t.shape, dtype=bool)
    for tid in token_ids:
        no_mask = no_mask | (t == tid)
    return no_mask


def reference(input_ids, rand):
    # MLM.forward: build no-mask for ignore tokens, then sample subset with prob
    no_mask = _mask_with_tokens(input_ids, MASK_IGNORE_TOKEN_IDS)
    mask = ~no_mask  # candidate positions

    batch, seq_len = mask.shape
    max_masked = math.ceil(MASK_PROB * seq_len)
    num_tokens = jnp.sum(mask, axis=-1, keepdims=True)

    mask_excess = jnp.cumsum(mask.astype(jnp.int32), axis=-1) > jnp.ceil(num_tokens.astype(jnp.float32) * MASK_PROB)
    mask_excess = mask_excess[:, :max_masked]

    rand_masked = jnp.where(mask, rand, jnp.float32(-1e9))
    _, sampled_indices = jax.lax.top_k(rand_masked, max_masked)
    sampled_indices = jnp.where(mask_excess, 0, sampled_indices + 1)

    new_mask = jnp.zeros((batch, seq_len + 1), dtype=jnp.float32)
    rows = jnp.arange(batch)[:, None]
    new_mask = new_mask.at[rows, sampled_indices].set(1.0)
    return new_mask[:, 1:].astype(bool)

if __name__ == "__main__":
    import jax
    _d = setup_inputs()
    print(jax.jit(kernel)(*tuple(_d.values())))

</pallas_src>

<mosaic_0001>
#map = affine_map<(d0, d1) -> (0)>
module attributes {stable_mosaic.version = 14 : i64} {
  func.func @_sc_kernel(%arg0: i32, %arg1: i32, %arg2: memref<262144xi32, #tpu.memory_space<hbm>>, %arg3: memref<262144xf32, #tpu.memory_space<hbm>>, %arg4: memref<262144xi32, #tpu.memory_space<hbm>>, %arg5: memref<8192xi32, #tpu.memory_space<vmem>>, %arg6: memref<8192xf32, #tpu.memory_space<vmem>>, %arg7: memref<4096xi32, #tpu.memory_space<vmem>>, %arg8: memref<4112xi32, #tpu.memory_space<vmem>>, %arg9: memref<4112xi32, #tpu.memory_space<vmem>>, %arg10: memref<4096xi32, #tpu.memory_space<vmem>>, %arg11: memref<4096xi32, #tpu.memory_space<vmem>>, %arg12: memref<8192xi32, #tpu.memory_space<vmem>>, %arg13: memref<8xi32, #tpu.memory_space<smem>>, %arg14: memref<!tpu.dma_semaphore, #tpu.memory_space<semaphore_mem>>, %arg15: memref<!tpu.dma_semaphore, #tpu.memory_space<semaphore_mem>>, %arg16: memref<!tpu.dma_semaphore, #tpu.memory_space<semaphore_mem>>) attributes {dimension_semantics = [#tpu.dimension_semantics<core_parallel>, #tpu.dimension_semantics<subcore_parallel>], iteration_bounds = array<i64: 2, 16>, scalar_prefetch = 0 : i64, scratch_operands = 12 : i64, tpu.core_type = #tpu.core_type<sc_vector_subcore>, window_params = [{transform_indices = #map}, {transform_indices = #map}, {transform_indices = #map}]} {
    %mul3A = arith.constant 2 : i32
    %mul3A_0 = arith.muli %arg1, %mul3A : i32
    %add3A = arith.addi %mul3A_0, %arg0 : i32
    %mul3A_1 = arith.constant 2 : i32
    %mul3A_2 = arith.muli %add3A, %mul3A_1 : i32
    %mul3A_3 = arith.constant 4096 : i32
    %mul3A_4 = arith.muli %mul3A_2, %mul3A_3 : i32
    %dma_start3A = arith.constant 0 : i32
    %dma_start3A_5 = tpu.memref_slice %arg5[%dma_start3A] : memref<8192xi32, #tpu.memory_space<vmem>> -> memref<4096xi32, #tpu.memory_space<vmem>>
    %dma_start3A_6 = tpu.memref_slice %arg2[%mul3A_4] : memref<262144xi32, #tpu.memory_space<hbm>> -> memref<4096xi32, #tpu.memory_space<hbm>>
    %dma_start3A_7 = arith.constant 0 : i32
    %dma_start3A_8 = tpu.memref_slice %arg5[%dma_start3A_7] : memref<8192xi32, #tpu.memory_space<vmem>> -> memref<4096xi32, #tpu.memory_space<vmem>>
    %dma_start3A_9 = tpu.memref_slice %arg2[%mul3A_4] : memref<262144xi32, #tpu.memory_space<hbm>> -> memref<4096xi32, #tpu.memory_space<hbm>>
    tpu.enqueue_dma source(%dma_start3A_9 : memref<4096xi32, #tpu.memory_space<hbm>>) target(%dma_start3A_8 : memref<4096xi32, #tpu.memory_space<vmem>>) target_semaphore(%arg14 : memref<!tpu.dma_semaphore, #tpu.memory_space<semaphore_mem>>)
    %dma_start3A_10 = arith.constant 0 : i32
    %dma_start3A_11 = tpu.memref_slice %arg6[%dma_start3A_10] : memref<8192xf32, #tpu.memory_space<vmem>> -> memref<4096xf32, #tpu.memory_space<vmem>>
    %dma_start3A_12 = tpu.memref_slice %arg3[%mul3A_4] : memref<262144xf32, #tpu.memory_space<hbm>> -> memref<4096xf32, #tpu.memory_space<hbm>>
    %dma_start3A_13 = arith.constant 0 : i32
    %dma_start3A_14 = tpu.memref_slice %arg6[%dma_start3A_13] : memref<8192xf32, #tpu.memory_space<vmem>> -> memref<4096xf32, #tpu.memory_space<vmem>>
    %dma_start3A_15 = tpu.memref_slice %arg3[%mul3A_4] : memref<262144xf32, #tpu.memory_space<hbm>> -> memref<4096xf32, #tpu.memory_space<hbm>>
    tpu.enqueue_dma source(%dma_start3A_15 : memref<4096xf32, #tpu.memory_space<hbm>>) target(%dma_start3A_14 : memref<4096xf32, #tpu.memory_space<vmem>>) target_semaphore(%arg14 : memref<!tpu.dma_semaphore, #tpu.memory_space<semaphore_mem>>)
    %add3A_16 = arith.constant 4096 : i32
    %add3A_17 = arith.addi %mul3A_4, %add3A_16 : i32
    %dma_start3A_18 = arith.constant 4096 : i32
    %dma_start3A_19 = tpu.memref_slice %arg5[%dma_start3A_18] : memref<8192xi32, #tpu.memory_space<vmem>> -> memref<4096xi32, #tpu.memory_space<vmem>>
    %dma_start3A_20 = tpu.memref_slice %arg2[%add3A_17] : memref<262144xi32, #tpu.memory_space<hbm>> -> memref<4096xi32, #tpu.memory_space<hbm>>
    %dma_start3A_21 = arith.constant 4096 : i32
    %dma_start3A_22 = tpu.memref_slice %arg5[%dma_start3A_21] : memref<8192xi32, #tpu.memory_space<vmem>> -> memref<4096xi32, #tpu.memory_space<vmem>>
    %dma_start3A_23 = tpu.memref_slice %arg2[%add3A_17] : memref<262144xi32, #tpu.memory_space<hbm>> -> memref<4096xi32, #tpu.memory_space<hbm>>
    tpu.enqueue_dma source(%dma_start3A_23 : memref<4096xi32, #tpu.memory_space<hbm>>) target(%dma_start3A_22 : memref<4096xi32, #tpu.memory_space<vmem>>) target_semaphore(%arg15 : memref<!tpu.dma_semaphore, #tpu.memory_space<semaphore_mem>>)
    %add3A_24 = arith.constant 4096 : i32
    %add3A_25 = arith.addi %mul3A_4, %add3A_24 : i32
    %dma_start3A_26 = arith.constant 4096 : i32
    %dma_start3A_27 = tpu.memref_slice %arg6[%dma_start3A_26] : memref<8192xf32, #tpu.memory_space<vmem>> -> memref<4096xf32, #tpu.memory_space<vmem>>
    %dma_start3A_28 = tpu.memref_slice %arg3[%add3A_25] : memref<262144xf32, #tpu.memory_space<hbm>> -> memref<4096xf32, #tpu.memory_space<hbm>>
    %dma_start3A_29 = arith.constant 4096 : i32
    %dma_start3A_30 = tpu.memref_slice %arg6[%dma_start3A_29] : memref<8192xf32, #tpu.memory_space<vmem>> -> memref<4096xf32, #tpu.memory_space<vmem>>
    %dma_start3A_31 = tpu.memref_slice %arg3[%add3A_25] : memref<262144xf32, #tpu.memory_space<hbm>> -> memref<4096xf32, #tpu.memory_space<hbm>>
    tpu.enqueue_dma source(%dma_start3A_31 : memref<4096xf32, #tpu.memory_space<hbm>>) target(%dma_start3A_30 : memref<4096xf32, #tpu.memory_space<vmem>>) target_semaphore(%arg15 : memref<!tpu.dma_semaphore, #tpu.memory_space<semaphore_mem>>)
    %parallel_loop3A = arith.constant 0 : i32
    %parallel_loop3A_32 = arith.constant 256 : i32
    %parallel_loop3A_33 = arith.constant 1 : i32
    scf.for %parallel_loop3A_65 = %parallel_loop3A to %parallel_loop3A_32 step %parallel_loop3A_33  : i32 {
      %parallel_loop3A_66 = arith.constant 0 : i32
      %parallel_loop3A_67 = vector.broadcast %parallel_loop3A_66 : i32 to vector<16xi32>
      %parallel_loop3A_68 = arith.constant 16 : i32
      %parallel_loop3A_69 = arith.muli %parallel_loop3A_65, %parallel_loop3A_68 : i32
      %parallel_loop3A_70 = arith.index_cast %parallel_loop3A_69 : i32 to index
      %parallel_loop3A_71 = tpu.vector_load %arg10[%parallel_loop3A_70] {strides = array<i32>} : memref<4096xi32, #tpu.memory_space<vmem>>, vector<16xi32>,
      tpu.vector_store %arg10[%parallel_loop3A_70], %parallel_loop3A_67 {strides = array<i32>} : memref<4096xi32, #tpu.memory_space<vmem>>, vector<16xi32>,
    } {sc.loop_unroll_factor = 4 : i64, sc.parallel_access}
    %dma_wait3A = arith.constant 0 : i32
    %dma_wait3A_34 = tpu.memref_slice %arg5[%dma_wait3A] : memref<8192xi32, #tpu.memory_space<vmem>> -> memref<4096xi32, #tpu.memory_space<vmem>>
    %dma_wait3A_35 = tpu.memref_slice %arg2[%mul3A_4] : memref<262144xi32, #tpu.memory_space<hbm>> -> memref<4096xi32, #tpu.memory_space<hbm>>
    %dma_wait3A_36 = arith.constant 0 : i32
    %dma_wait3A_37 = tpu.memref_slice %arg5[%dma_wait3A_36] : memref<8192xi32, #tpu.memory_space<vmem>> -> memref<4096xi32, #tpu.memory_space<vmem>>
    %dma_wait3A_38 = tpu.memref_slice %arg2[%mul3A_4] : memref<262144xi32, #tpu.memory_space<hbm>> -> memref<4096xi32, #tpu.memory_space<hbm>>
    tpu.wait_dma2 semaphore(%arg14 : memref<!tpu.dma_semaphore, #tpu.memory_space<semaphore_mem>>) src(%dma_wait3A_38 : memref<4096xi32, #tpu.memory_space<hbm>>) dst(%dma_wait3A_37 : memref<4096xi32, #tpu.memory_space<vmem>>)
    %dma_wait3A_39 = arith.constant 0 : i32
    %dma_wait3A_40 = tpu.memref_slice %arg6[%dma_wait3A_39] : memref<8192xf32, #tpu.memory_space<vmem>> -> memref<4096xf32, #tpu.memory_space<vmem>>
    %dma_wait3A_41 = tpu.memref_slice %arg3[%mul3A_4] : memref<262144xf32, #tpu.memory_space<hbm>> -> memref<4096xf32, #tpu.memory_space<hbm>>
    %dma_wait3A_42 = arith.constant 0 : i32
    %dma_wait3A_43 = tpu.memref_slice %arg6[%dma_wait3A_42] : memref<8192xf32, #tpu.memory_space<vmem>> -> memref<4096xf32, #tpu.memory_space<vmem>>
    %dma_wait3A_44 = tpu.memref_slice %arg3[%mul3A_4] : memref<262144xf32, #tpu.memory_space<hbm>> -> memref<4096xf32, #tpu.memory_space<hbm>>
    tpu.wait_dma2 semaphore(%arg14 : memref<!tpu.dma_semaphore, #tpu.memory_space<semaphore_mem>>) src(%dma_wait3A_44 : memref<4096xf32, #tpu.memory_space<hbm>>) dst(%dma_wait3A_43 : memref<4096xf32, #tpu.memory_space<vmem>>)
    %scan3A = arith.constant 0 : i32
    %scan3A_45 = arith.constant 0 : i32
    %scan3A_46 = arith.constant 2 : i32
    %scan3A_47 = arith.addi %scan3A_45, %scan3A_46 : i32
    %scan3A_48 = arith.constant 1 : i32
    %scan3A_49 = scf.for %scan3A_65 = %scan3A_45 to %scan3A_47 step %scan3A_48 iter_args(%scan3A_66 = %scan3A) -> (i32)  : i32 {
      %eq3A = arith.constant 1 : i32
      %eq3A_67 = arith.cmpi eq, %scan3A_65, %eq3A : i32
      %convert_element_type3A = arith.extui %eq3A_67 : i1 to i32
      %cond3A = arith.constant 0 : i32
      %cond3A_68 = arith.cmpi ne, %convert_element_type3A, %cond3A : i32
      scf.if %cond3A_68 {
        %dma_wait3A_241 = arith.constant 4096 : i32
        %dma_wait3A_242 = tpu.memref_slice %arg5[%dma_wait3A_241] : memref<8192xi32, #tpu.memory_space<vmem>> -> memref<4096xi32, #tpu.memory_space<vmem>>
        %dma_wait3A_243 = tpu.memref_slice %arg2[%add3A_17] : memref<262144xi32, #tpu.memory_space<hbm>> -> memref<4096xi32, #tpu.memory_space<hbm>>
        %dma_wait3A_244 = arith.constant 4096 : i32
        %dma_wait3A_245 = tpu.memref_slice %arg5[%dma_wait3A_244] : memref<8192xi32, #tpu.memory_space<vmem>> -> memref<4096xi32, #tpu.memory_space<vmem>>
        %dma_wait3A_246 = tpu.memref_slice %arg2[%add3A_17] : memref<262144xi32, #tpu.memory_space<hbm>> -> memref<4096xi32, #tpu.memory_space<hbm>>
        tpu.wait_dma2 semaphore(%arg15 : memref<!tpu.dma_semaphore, #tpu.memory_space<semaphore_mem>>) src(%dma_wait3A_246 : memref<4096xi32, #tpu.memory_space<hbm>>) dst(%dma_wait3A_245 : memref<4096xi32, #tpu.memory_space<vmem>>)
        %dma_wait3A_247 = arith.constant 4096 : i32
        %dma_wait3A_248 = tpu.memref_slice %arg6[%dma_wait3A_247] : memref<8192xf32, #tpu.memory_space<vmem>> -> memref<4096xf32, #tpu.memory_space<vmem>>
        %dma_wait3A_249 = tpu.memref_slice %arg3[%add3A_25] : memref<262144xf32, #tpu.memory_space<hbm>> -> memref<4096xf32, #tpu.memory_space<hbm>>
        %dma_wait3A_250 = arith.constant 4096 : i32
        %dma_wait3A_251 = tpu.memref_slice %arg6[%dma_wait3A_250] : memref<8192xf32, #tpu.memory_space<vmem>> -> memref<4096xf32, #tpu.memory_space<vmem>>
        %dma_wait3A_252 = tpu.memref_slice %arg3[%add3A_25] : memref<262144xf32, #tpu.memory_space<hbm>> -> memref<4096xf32, #tpu.memory_space<hbm>>
        tpu.wait_dma2 semaphore(%arg15 : memref<!tpu.dma_semaphore, #tpu.memory_space<semaphore_mem>>) src(%dma_wait3A_252 : memref<4096xf32, #tpu.memory_space<hbm>>) dst(%dma_wait3A_251 : memref<4096xf32, #tpu.memory_space<vmem>>)
      } else {
      }
      %mul3A_69 = arith.constant 4096 : i32
      %mul3A_70 = arith.muli %scan3A_65, %mul3A_69 : i32
      %iota3A = tpu.iota {dimensions = array<i32: 0>} : vector<16xi32>
      %broadcast_in_dim3A = arith.constant 1 : i32
      %broadcast_in_dim3A_71 = vector.broadcast %broadcast_in_dim3A : i32 to vector<16xi32>
      %broadcast_in_dim3A_72 = arith.constant 0 : i32
      %broadcast_in_dim3A_73 = vector.broadcast %broadcast_in_dim3A_72 : i32 to vector<16xi32>
      %parallel_loop3A_74 = arith.constant 0 : i32
      %parallel_loop3A_75 = arith.constant 256 : i32
      %parallel_loop3A_76 = arith.constant 1 : i32
      %parallel_loop3A_77 = scf.for %parallel_loop3A_241 = %parallel_loop3A_74 to %parallel_loop3A_75 step %parallel_loop3A_76 iter_args(%parallel_loop3A_242 = %broadcast_in_dim3A_73) -> (vector<16xi32>)  : i32 {
        %parallel_loop3A_243 = arith.constant 16 : i32
        %parallel_loop3A_244 = arith.muli %parallel_loop3A_241, %parallel_loop3A_243 : i32
        %parallel_loop3A_245 = arith.addi %mul3A_70, %parallel_loop3A_244 : i32
        %parallel_loop3A_246 = arith.index_cast %parallel_loop3A_245 : i32 to index
        %parallel_loop3A_247 = tpu.vector_load %arg5[%parallel_loop3A_246] {strides = array<i32>} : memref<8192xi32, #tpu.memory_space<vmem>>, vector<16xi32>,
        %parallel_loop3A_248 = arith.constant 16 : i32
        %parallel_loop3A_249 = arith.muli %parallel_loop3A_241, %parallel_loop3A_248 : i32
        %parallel_loop3A_250 = arith.addi %mul3A_70, %parallel_loop3A_249 : i32
        %parallel_loop3A_251 = arith.index_cast %parallel_loop3A_250 : i32 to index
        %parallel_loop3A_252 = tpu.vector_load %arg6[%parallel_loop3A_251] {strides = array<i32>} : memref<8192xf32, #tpu.memory_space<vmem>>, vector<16xf32>,
        %parallel_loop3A_253 = tpu.bitcast %parallel_loop3A_252 : vector<16xf32> -> vector<16xi32>
        %parallel_loop3A_254 = arith.constant 0 : i32
        %parallel_loop3A_255 = vector.broadcast %parallel_loop3A_254 : i32 to vector<16xi32>
        %parallel_loop3A_256 = arith.cmpi ne, %parallel_loop3A_247, %parallel_loop3A_255 : vector<16xi32>
        %parallel_loop3A_257 = arith.constant 1 : i32
        %parallel_loop3A_258 = vector.broadcast %parallel_loop3A_257 : i32 to vector<16xi32>
        %parallel_loop3A_259 = arith.addi %parallel_loop3A_253, %parallel_loop3A_258 : vector<16xi32>
        %parallel_loop3A_260 = arith.constant 0 : i32
        %parallel_loop3A_261 = vector.broadcast %parallel_loop3A_260 : i32 to vector<16xi32>
        %parallel_loop3A_262 = arith.select %parallel_loop3A_256, %parallel_loop3A_259, %parallel_loop3A_261 : vector<16xi1>, vector<16xi32>
        %parallel_loop3A_263 = arith.constant 16 : i32
        %parallel_loop3A_264 = arith.muli %parallel_loop3A_241, %parallel_loop3A_263 : i32
        %parallel_loop3A_265 = arith.index_cast %parallel_loop3A_264 : i32 to index
        %parallel_loop3A_266 = tpu.vector_load %arg7[%parallel_loop3A_265] {strides = array<i32>} : memref<4096xi32, #tpu.memory_space<vmem>>, vector<16xi32>,
        tpu.vector_store %arg7[%parallel_loop3A_265], %parallel_loop3A_262 {strides = array<i32>} : memref<4096xi32, #tpu.memory_space<vmem>>, vector<16xi32>,
        %parallel_loop3A_267 = arith.constant 24 : i32
        %parallel_loop3A_268 = vector.broadcast %parallel_loop3A_267 : i32 to vector<16xi32>
        %parallel_loop3A_269 = arith.shrsi %parallel_loop3A_262, %parallel_loop3A_268 : vector<16xi32>
        %parallel_loop3A_270 = arith.constant 16 : i32
        %parallel_loop3A_271 = vector.broadcast %parallel_loop3A_270 : i32 to vector<16xi32>
        %parallel_loop3A_272 = arith.muli %parallel_loop3A_269, %parallel_loop3A_271 : vector<16xi32>
        %parallel_loop3A_273 = arith.addi %parallel_loop3A_272, %iota3A : vector<16xi32>
        tpu.vector_store_idx %arg10[%parallel_loop3A_273], %broadcast_in_dim3A_71 {add = true} : memref<4096xi32, #tpu.memory_space<vmem>>[vector<16xi32>], vector<16xi32>,
        %parallel_loop3A_274 = arith.constant 1 : i32
        %parallel_loop3A_275 = arith.constant 0 : i32
        %parallel_loop3A_276 = vector.broadcast %parallel_loop3A_274 : i32 to vector<16xi32>
        %parallel_loop3A_277 = vector.broadcast %parallel_loop3A_275 : i32 to vector<16xi32>
        %parallel_loop3A_278 = arith.select %parallel_loop3A_256, %parallel_loop3A_276, %parallel_loop3A_277 : vector<16xi1>, vector<16xi32>
        %parallel_loop3A_279 = arith.addi %parallel_loop3A_242, %parallel_loop3A_278 : vector<16xi32>
        scf.yield %parallel_loop3A_279 : vector<16xi32>
      } {sc.loop_unroll_factor = 8 : i64, sc.parallel_access}
      %reduce_sum3A = arith.constant true
      %reduce_sum3A_78 = vector.broadcast %reduce_sum3A : i1 to vector<16xi1>
      %reduce_sum3A_79 = tpu.scan <sum>, %parallel_loop3A_77 masked %reduce_sum3A_78 : vector<16xi32>, vector<16xi1> -> vector<16xi32>
      %reduce_sum3A_80 = vector.extract %reduce_sum3A_79[15] : i32 from vector<16xi32>
      %convert_element_type3A_81 = arith.sitofp %reduce_sum3A_80 : i32 to f32
      %mul3A_82 = arith.constant 1.500000e-01 : f32
      %mul3A_83 = arith.mulf %convert_element_type3A_81, %mul3A_82 : f32
      %convert_element_type3A_84 = arith.fptosi %mul3A_83 : f32 to i32
      %convert_element_type3A_85 = arith.sitofp %convert_element_type3A_84 : i32 to f32
      %lt3A = arith.cmpf olt, %convert_element_type3A_85, %mul3A_83 : f32
      %jit3A = arith.constant 1 : i32
      %jit3A_86 = arith.constant 0 : i32
      %select_n3A = arith.select %lt3A, %jit3A, %jit3A_86 : i32
      %add3A_87 = arith.addi %convert_element_type3A_84, %select_n3A : i32
      %swap3A = arith.constant 615 : i32
      %swap3A_88 = arith.constant 5 : i32
      %swap3A_89 = arith.index_cast %swap3A_88 : i32 to index
      %swap3A_90 = memref.load %arg13[%swap3A_89] : memref<8xi32, #tpu.memory_space<smem>>
      memref.store %swap3A, %arg13[%swap3A_89] : memref<8xi32, #tpu.memory_space<smem>>
      %ne3A = arith.constant 4096 : i32
      %ne3A_91 = arith.cmpi ne, %reduce_sum3A_80, %ne3A : i32
      %convert_element_type3A_92 = arith.extui %ne3A_91 : i1 to i32
      %cond3A_93 = arith.constant 0 : i32
      %cond3A_94 = arith.cmpi ne, %convert_element_type3A_92, %cond3A_93 : i32
      scf.if %cond3A_94 {
        %broadcast_in_dim3A_241 = arith.constant 0 : i32
        %broadcast_in_dim3A_242 = vector.broadcast %broadcast_in_dim3A_241 : i32 to vector<16xi32>
        %parallel_loop3A_243 = arith.constant 0 : i32
        %parallel_loop3A_244 = arith.constant 39 : i32
        %parallel_loop3A_245 = arith.constant 1 : i32
        %parallel_loop3A_246 = arith.constant 0 : i32
        %parallel_loop3A_247:2 = scf.for %parallel_loop3A_255 = %parallel_loop3A_243 to %parallel_loop3A_244 step %parallel_loop3A_245 iter_args(%parallel_loop3A_256 = %parallel_loop3A_246, %parallel_loop3A_257 = %broadcast_in_dim3A_242) -> (i32, vector<16xi32>)  : i32 {
          %parallel_loop3A_258 = arith.constant 16 : i32
          %parallel_loop3A_259 = arith.muli %parallel_loop3A_255, %parallel_loop3A_258 : i32
          %parallel_loop3A_260 = arith.index_cast %parallel_loop3A_259 : i32 to index
          %parallel_loop3A_261 = tpu.vector_load %arg7[%parallel_loop3A_260] {strides = array<i32>} : memref<4096xi32, #tpu.memory_space<vmem>>, vector<16xi32>,
          %parallel_loop3A_262 = arith.constant 0 : i32
          %parallel_loop3A_263 = vector.broadcast %parallel_loop3A_262 : i32 to vector<16xi32>
          %parallel_loop3A_264 = arith.cmpi sgt, %parallel_loop3A_261, %parallel_loop3A_263 : vector<16xi32>
          %parallel_loop3A_265 = arith.constant 1 : i32
          %parallel_loop3A_266 = arith.constant 0 : i32
          %parallel_loop3A_267 = vector.broadcast %parallel_loop3A_265 : i32 to vector<16xi32>
          %parallel_loop3A_268 = vector.broadcast %parallel_loop3A_266 : i32 to vector<16xi32>
          %parallel_loop3A_269 = arith.select %parallel_loop3A_264, %parallel_loop3A_267, %parallel_loop3A_268 : vector<16xi1>, vector<16xi32>
          %parallel_loop3A_270 = arith.constant true
          %parallel_loop3A_271 = vector.broadcast %parallel_loop3A_270 : i1 to vector<16xi1>
          %parallel_loop3A_272 = tpu.scan <sum>, %parallel_loop3A_269 masked %parallel_loop3A_271 : vector<16xi32>, vector<16xi1> -> vector<16xi32>
          %parallel_loop3A_273 = vector.broadcast %parallel_loop3A_256 : i32 to vector<16xi32>
          %parallel_loop3A_274 = arith.addi %parallel_loop3A_272, %parallel_loop3A_273 : vector<16xi32>
          %parallel_loop3A_275 = arith.constant 16 : i32
          %parallel_loop3A_276 = arith.muli %parallel_loop3A_255, %parallel_loop3A_275 : i32
          %parallel_loop3A_277 = vector.broadcast %parallel_loop3A_276 : i32 to vector<16xi32>
          %parallel_loop3A_278 = arith.addi %iota3A, %parallel_loop3A_277 : vector<16xi32>
          %parallel_loop3A_279 = vector.broadcast %add3A_87 : i32 to vector<16xi32>
          %parallel_loop3A_280 = arith.cmpi sle, %parallel_loop3A_274, %parallel_loop3A_279 : vector<16xi32>
          %parallel_loop3A_281 = arith.constant 615 : i32
          %parallel_loop3A_282 = vector.broadcast %parallel_loop3A_281 : i32 to vector<16xi32>
          %parallel_loop3A_283 = arith.cmpi slt, %parallel_loop3A_278, %parallel_loop3A_282 : vector<16xi32>
          %parallel_loop3A_284 = arith.andi %parallel_loop3A_280, %parallel_loop3A_283 : vector<16xi1>
          %parallel_loop3A_285 = arith.constant 1 : i32
          %parallel_loop3A_286 = arith.constant 0 : i32
          %parallel_loop3A_287 = vector.broadcast %parallel_loop3A_285 : i32 to vector<16xi32>
          %parallel_loop3A_288 = vector.broadcast %parallel_loop3A_286 : i32 to vector<16xi32>
          %parallel_loop3A_289 = arith.select %parallel_loop3A_284, %parallel_loop3A_287, %parallel_loop3A_288 : vector<16xi1>, vector<16xi32>
          %parallel_loop3A_290 = arith.constant true
          %parallel_loop3A_291 = vector.broadcast %parallel_loop3A_290 : i1 to vector<16xi1>
          %parallel_loop3A_292 = tpu.scan <sum>, %parallel_loop3A_269 masked %parallel_loop3A_291 : vector<16xi32>, vector<16xi1> -> vector<16xi32>
          %parallel_loop3A_293 = vector.extract %parallel_loop3A_292[15] : i32 from vector<16xi32>
          %parallel_loop3A_294 = arith.addi %parallel_loop3A_256, %parallel_loop3A_293 : i32
          %parallel_loop3A_295 = arith.addi %parallel_loop3A_257, %parallel_loop3A_289 : vector<16xi32>
          scf.yield %parallel_loop3A_294, %parallel_loop3A_295 : i32, vector<16xi32>
        } {sc.loop_unroll_factor = 1 : i64, sc.parallel_access}
        %reduce_sum3A_248 = arith.constant true
        %reduce_sum3A_249 = vector.broadcast %reduce_sum3A_248 : i1 to vector<16xi1>
        %reduce_sum3A_250 = tpu.scan <sum>, %parallel_loop3A_247#1 masked %reduce_sum3A_249 : vector<16xi32>, vector<16xi1> -> vector<16xi32>
        %reduce_sum3A_251 = vector.extract %reduce_sum3A_250[15] : i32 from vector<16xi32>
        %swap3A_252 = arith.constant 5 : i32
        %swap3A_253 = arith.index_cast %swap3A_252 : i32 to index
        %swap3A_254 = memref.load %arg13[%swap3A_253] : memref<8xi32, #tpu.memory_space<smem>>
        memref.store %reduce_sum3A_251, %arg13[%swap3A_253] : memref<8xi32, #tpu.memory_space<smem>>
      } else {
      }
      %swap3A_95 = arith.constant 4096 : i32
      %swap3A_96 = arith.constant 0 : i32
      %swap3A_97 = arith.index_cast %swap3A_96 : i32 to index
      %swap3A_98 = memref.load %arg13[%swap3A_97] : memref<8xi32, #tpu.memory_space<smem>>
      memref.store %swap3A_95, %arg13[%swap3A_97] : memref<8xi32, #tpu.memory_space<smem>>
      %get3A = arith.constant 5 : i32
      %get3A_99 = arith.index_cast %get3A : i32 to index
      %get3A_100 = memref.load %arg13[%get3A_99] : memref<8xi32, #tpu.memory_space<smem>>
      %swap3A_101 = arith.constant 1 : i32
      %swap3A_102 = arith.index_cast %swap3A_101 : i32 to index
      %swap3A_103 = memref.load %arg13[%swap3A_102] : memref<8xi32, #tpu.memory_space<smem>>
      memref.store %get3A_100, %arg13[%swap3A_102] : memref<8xi32, #tpu.memory_space<smem>>
      %swap3A_104 = arith.constant 0 : i32
      %swap3A_105 = arith.constant 2 : i32
      %swap3A_106 = arith.index_cast %swap3A_105 : i32 to index
      %swap3A_107 = memref.load %arg13[%swap3A_106] : memref<8xi32, #tpu.memory_space<smem>>
      memref.store %swap3A_104, %arg13[%swap3A_106] : memref<8xi32, #tpu.memory_space<smem>>
      %swap3A_108 = arith.constant 24 : i32
      %swap3A_109 = arith.constant 3 : i32
      %swap3A_110 = arith.index_cast %swap3A_109 : i32 to index
      %swap3A_111 = memref.load %arg13[%swap3A_110] : memref<8xi32, #tpu.memory_space<smem>>
      memref.store %swap3A_108, %arg13[%swap3A_110] : memref<8xi32, #tpu.memory_space<smem>>
      %swap3A_112 = arith.constant 0 : i32
      %swap3A_113 = arith.constant 4 : i32
      %swap3A_114 = arith.index_cast %swap3A_113 : i32 to index
      %swap3A_115 = memref.load %arg13[%swap3A_114] : memref<8xi32, #tpu.memory_space<smem>>
      memref.store %swap3A_112, %arg13[%swap3A_114] : memref<8xi32, #tpu.memory_space<smem>>
      %get3A_116 = arith.constant 1 : i32
      %get3A_117 = arith.index_cast %get3A_116 : i32 to index
      %get3A_118 = memref.load %arg13[%get3A_117] : memref<8xi32, #tpu.memory_space<smem>>
      %get3A_119 = arith.constant 3 : i32
      %get3A_120 = arith.index_cast %get3A_119 : i32 to index
      %get3A_121 = memref.load %arg13[%get3A_120] : memref<8xi32, #tpu.memory_space<smem>>
      %broadcast_in_dim3A_122 = arith.constant 0 : i32
      %broadcast_in_dim3A_123 = vector.broadcast %broadcast_in_dim3A_122 : i32 to vector<16xi32>
      %parallel_loop3A_124 = arith.constant 0 : i32
      %parallel_loop3A_125 = arith.constant 256 : i32
      %parallel_loop3A_126 = arith.constant 1 : i32
      %parallel_loop3A_127 = scf.for %parallel_loop3A_241 = %parallel_loop3A_124 to %parallel_loop3A_125 step %parallel_loop3A_126 iter_args(%parallel_loop3A_242 = %broadcast_in_dim3A_123) -> (vector<16xi32>)  : i32 {
        %parallel_loop3A_243 = arith.constant 255 : i32
        %parallel_loop3A_244 = arith.subi %parallel_loop3A_243, %parallel_loop3A_241 : i32
        %parallel_loop3A_245 = arith.constant 16 : i32
        %parallel_loop3A_246 = arith.muli %parallel_loop3A_244, %parallel_loop3A_245 : i32
        %parallel_loop3A_247 = arith.index_cast %parallel_loop3A_246 : i32 to index
        %parallel_loop3A_248 = tpu.vector_load %arg10[%parallel_loop3A_247] {strides = array<i32>} : memref<4096xi32, #tpu.memory_space<vmem>>, vector<16xi32>,
        %parallel_loop3A_249 = arith.addi %parallel_loop3A_242, %parallel_loop3A_248 : vector<16xi32>
        %parallel_loop3A_250 = arith.constant 16 : i32
        %parallel_loop3A_251 = arith.muli %parallel_loop3A_244, %parallel_loop3A_250 : i32
        %parallel_loop3A_252 = arith.index_cast %parallel_loop3A_251 : i32 to index
        %parallel_loop3A_253 = tpu.vector_load %arg11[%parallel_loop3A_252] {strides = array<i32>} : memref<4096xi32, #tpu.memory_space<vmem>>, vector<16xi32>,
        tpu.vector_store %arg11[%parallel_loop3A_252], %parallel_loop3A_249 {strides = array<i32>} : memref<4096xi32, #tpu.memory_space<vmem>>, vector<16xi32>,
        %parallel_loop3A_254 = arith.constant 16 : i32
        %parallel_loop3A_255 = arith.muli %parallel_loop3A_244, %parallel_loop3A_254 : i32
        %parallel_loop3A_256 = arith.index_cast %parallel_loop3A_255 : i32 to index
        %parallel_loop3A_257 = tpu.vector_load %arg10[%parallel_loop3A_256] {strides = array<i32>} : memref<4096xi32, #tpu.memory_space<vmem>>, vector<16xi32>,
        tpu.vector_store %arg10[%parallel_loop3A_256], %broadcast_in_dim3A_123 {strides = array<i32>} : memref<4096xi32, #tpu.memory_space<vmem>>, vector<16xi32>,
        scf.yield %parallel_loop3A_249 : vector<16xi32>
      } {sc.loop_unroll_factor = 4 : i64, sc.parallel_access}
      %scan3A_128 = arith.constant 0 : i32
      %scan3A_129 = arith.constant 0 : i32
      %scan3A_130 = arith.constant 8 : i32
      %scan3A_131 = arith.addi %scan3A_129, %scan3A_130 : i32
      %scan3A_132 = arith.constant 1 : i32
      %scan3A_133 = scf.for %scan3A_241 = %scan3A_129 to %scan3A_131 step %scan3A_132 iter_args(%scan3A_242 = %scan3A_128) -> (i32)  : i32 {
        %shift_right_arithmetic3A = arith.constant 128 : i32
        %shift_right_arithmetic3A_243 = arith.shrsi %shift_right_arithmetic3A, %scan3A_241 : i32
        %add3A_244 = arith.addi %scan3A_242, %shift_right_arithmetic3A_243 : i32
        %lt3A_245 = arith.constant 256 : i32
        %lt3A_246 = arith.cmpi slt, %add3A_244, %lt3A_245 : i32
        %min3A_247 = arith.constant 255 : i32
        %min3A_248 = arith.minsi %add3A_244, %min3A_247 : i32
        %mul3A_249 = arith.constant 16 : i32
        %mul3A_250 = arith.muli %min3A_248, %mul3A_249 : i32
        %get3A_251 = arith.index_cast %mul3A_250 : i32 to index
        %get3A_252 = tpu.vector_load %arg11[%get3A_251] {strides = array<i32>} : memref<4096xi32, #tpu.memory_space<vmem>>, vector<16xi32>,
        %reduce_sum3A_253 = arith.constant true
        %reduce_sum3A_254 = vector.broadcast %reduce_sum3A_253 : i1 to vector<16xi1>
        %reduce_sum3A_255 = tpu.scan <sum>, %get3A_252 masked %reduce_sum3A_254 : vector<16xi32>, vector<16xi1> -> vector<16xi32>
        %reduce_sum3A_256 = vector.extract %reduce_sum3A_255[15] : i32 from vector<16xi32>
        %jit3A_257 = arith.constant 0 : i32
        %select_n3A_258 = arith.select %lt3A_246, %reduce_sum3A_256, %jit3A_257 : i32
        %ge3A = arith.cmpi sge, %select_n3A_258, %get3A_118 : i32
        %select_n3A_259 = arith.select %ge3A, %add3A_244, %scan3A_242 : i32
        scf.yield %select_n3A_259 : i32
      }
      %scan3A_134 = arith.constant 8 : i32
      %mul3A_135 = arith.constant 16 : i32
      %mul3A_136 = arith.muli %scan3A_133, %mul3A_135 : i32
      %get3A_137 = arith.index_cast %mul3A_136 : i32 to index
      %get3A_138 = tpu.vector_load %arg11[%get3A_137] {strides = array<i32>} : memref<4096xi32, #tpu.memory_space<vmem>>, vector<16xi32>,
      %reduce_sum3A_139 = arith.constant true
      %reduce_sum3A_140 = vector.broadcast %reduce_sum3A_139 : i1 to vector<16xi1>
      %reduce_sum3A_141 = tpu.scan <sum>, %get3A_138 masked %reduce_sum3A_140 : vector<16xi32>, vector<16xi1> -> vector<16xi32>
      %reduce_sum3A_142 = vector.extract %reduce_sum3A_141[15] : i32 from vector<16xi32>
      %lt3A_143 = arith.constant 255 : i32
      %lt3A_144 = arith.cmpi slt, %scan3A_133, %lt3A_143 : i32
      %add3A_145 = arith.constant 1 : i32
      %add3A_146 = arith.addi %scan3A_133, %add3A_145 : i32
      %min3A = arith.constant 255 : i32
      %min3A_147 = arith.minsi %add3A_146, %min3A : i32
      %mul3A_148 = arith.constant 16 : i32
      %mul3A_149 = arith.muli %min3A_147, %mul3A_148 : i32
      %get3A_150 = arith.index_cast %mul3A_149 : i32 to index
      %get3A_151 = tpu.vector_load %arg11[%get3A_150] {strides = array<i32>} : memref<4096xi32, #tpu.memory_space<vmem>>, vector<16xi32>,
      %reduce_sum3A_152 = arith.constant true
      %reduce_sum3A_153 = vector.broadcast %reduce_sum3A_152 : i1 to vector<16xi1>
      %reduce_sum3A_154 = tpu.scan <sum>, %get3A_151 masked %reduce_sum3A_153 : vector<16xi32>, vector<16xi1> -> vector<16xi32>
      %reduce_sum3A_155 = vector.extract %reduce_sum3A_154[15] : i32 from vector<16xi32>
      %jit3A_156 = arith.constant 0 : i32
      %select_n3A_157 = arith.select %lt3A_144, %reduce_sum3A_155, %jit3A_156 : i32
      %sub3A = arith.subi %reduce_sum3A_142, %select_n3A_157 : i32
      %sub3A_158 = arith.subi %get3A_118, %select_n3A_157 : i32
      %get3A_159 = arith.constant 2 : i32
      %get3A_160 = arith.index_cast %get3A_159 : i32 to index
      %get3A_161 = memref.load %arg13[%get3A_160] : memref<8xi32, #tpu.memory_space<smem>>
      %mul3A_162 = arith.constant 256 : i32
      %mul3A_163 = arith.muli %get3A_161, %mul3A_162 : i32
      %add3A_164 = arith.addi %mul3A_163, %scan3A_133 : i32
      %sub3A_165 = arith.constant 8 : i32
      %sub3A_166 = arith.subi %get3A_121, %sub3A_165 : i32
      %eq3A_167 = arith.cmpi eq, %sub3A_158, %sub3A : i32
      %lt3A_168 = arith.constant 0 : i32
      %lt3A_169 = arith.cmpi slt, %sub3A_166, %lt3A_168 : i32
      %or3A = arith.ori %eq3A_167, %lt3A_169 : i1
      %swap3A_170 = arith.constant 1 : i32
      %swap3A_171 = arith.index_cast %swap3A_170 : i32 to index
      %swap3A_172 = memref.load %arg13[%swap3A_171] : memref<8xi32, #tpu.memory_space<smem>>
      memref.store %sub3A_158, %arg13[%swap3A_171] : memref<8xi32, #tpu.memory_space<smem>>
      %swap3A_173 = arith.constant 2 : i32
      %swap3A_174 = arith.index_cast %swap3A_173 : i32 to index
      %swap3A_175 = memref.load %arg13[%swap3A_174] : memref<8xi32, #tpu.memory_space<smem>>
      memref.store %add3A_164, %arg13[%swap3A_174] : memref<8xi32, #tpu.memory_space<smem>>
      %select_n3A_176 = arith.select %or3A, %get3A_121, %sub3A_166 : i32
      %swap3A_177 = arith.constant 3 : i32
      %swap3A_178 = arith.index_cast %swap3A_177 : i32 to index
      %swap3A_179 = memref.load %arg13[%swap3A_178] : memref<8xi32, #tpu.memory_space<smem>>
      memref.store %select_n3A_176, %arg13[%swap3A_178] : memref<8xi32, #tpu.memory_space<smem>>
      %not3A = arith.constant true
      %not3A_180 = arith.xori %or3A, %not3A : i1
      %le3A = arith.constant 16 : i32
      %le3A_181 = arith.cmpi sle, %sub3A, %le3A : i32
      %and3A = arith.andi %not3A_180, %le3A_181 : i1
      %convert_element_type3A_182 = arith.extui %and3A : i1 to i32
      %cond3A_183 = arith.constant 0 : i32
      %cond3A_184 = arith.cmpi ne, %convert_element_type3A_182, %cond3A_183 : i32
      scf.if %cond3A_184 {
        %sub3A_241 = arith.constant 8 : i32
        %sub3A_242 = arith.subi %get3A_121, %sub3A_241 : i32
        %broadcast_in_dim3A_243 = vector.broadcast %sub3A_242 : i32 to vector<16xi32>
        %broadcast_in_dim3A_244 = vector.broadcast %get3A_121 : i32 to vector<16xi32>
        %parallel_loop3A_245 = arith.constant 0 : i32
        %parallel_loop3A_246 = arith.constant 256 : i32
        %parallel_loop3A_247 = arith.constant 1 : i32
        %parallel_loop3A_248 = arith.constant 0 : i32
        %parallel_loop3A_249 = scf.for %parallel_loop3A_293 = %parallel_loop3A_245 to %parallel_loop3A_246 step %parallel_loop3A_247 iter_args(%parallel_loop3A_294 = %parallel_loop3A_248) -> (i32)  : i32 {
          %parallel_loop3A_295 = arith.constant 16 : i32
          %parallel_loop3A_296 = arith.muli %parallel_loop3A_293, %parallel_loop3A_295 : i32
          %parallel_loop3A_297 = arith.index_cast %parallel_loop3A_296 : i32 to index
          %parallel_loop3A_298 = tpu.vector_load %arg7[%parallel_loop3A_297] {strides = array<i32>} : memref<4096xi32, #tpu.memory_space<vmem>>, vector<16xi32>,
          %parallel_loop3A_299 = arith.shrsi %parallel_loop3A_298, %broadcast_in_dim3A_244 : vector<16xi32>
          %parallel_loop3A_300 = arith.constant 255 : i32
          %parallel_loop3A_301 = vector.broadcast %parallel_loop3A_300 : i32 to vector<16xi32>
          %parallel_loop3A_302 = arith.andi %parallel_loop3A_299, %parallel_loop3A_301 : vector<16xi32>
          %parallel_loop3A_303 = vector.broadcast %scan3A_133 : i32 to vector<16xi32>
          %parallel_loop3A_304 = arith.cmpi eq, %parallel_loop3A_302, %parallel_loop3A_303 : vector<16xi32>
          %parallel_loop3A_305 = arith.index_cast %parallel_loop3A_294 : i32 to index
          %parallel_loop3A_306 = tpu.vector_load %arg8[%parallel_loop3A_305] masked %parallel_loop3A_304 {strides = array<i32>} : memref<4112xi32, #tpu.memory_space<vmem>>, vector<16xi32>, vector<16xi1>
          tpu.vector_store %arg8[%parallel_loop3A_305], %parallel_loop3A_298 masked %parallel_loop3A_304 {strides = array<i32>} : memref<4112xi32, #tpu.memory_space<vmem>>, vector<16xi32>, vector<16xi1>
          %parallel_loop3A_307 = tpu.all_reduce %parallel_loop3A_304 {dim = 0 : i64, kind = #tpu.reduction_kind<sum>} : vector<16xi1> -> vector<16xi32>
          %parallel_loop3A_308 = vector.extract_strided_slice %parallel_loop3A_307 {offsets = [0], sizes = [1], strides = [1]} : vector<16xi32> to vector<1xi32>
          %parallel_loop3A_309 = vector.extract %parallel_loop3A_308[0] : i32 from vector<1xi32>
          %parallel_loop3A_310 = arith.addi %parallel_loop3A_294, %parallel_loop3A_309 : i32
          scf.yield %parallel_loop3A_310 : i32
        } {sc.loop_unroll_factor = 4 : i64, sc.parallel_access}
        %get3A_250 = arith.constant 0 : index
        %get3A_251 = tpu.vector_load %arg8[%get3A_250] {strides = array<i32>} : memref<4112xi32, #tpu.memory_space<vmem>>, vector<16xi32>,
        %lt3A_252 = vector.broadcast %sub3A : i32 to vector<16xi32>
        %lt3A_253 = arith.cmpi slt, %iota3A, %lt3A_252 : vector<16xi32>
        %masked_sort3A = arith.constant -2147483648 : i32
        %masked_sort3A_254 = vector.broadcast %masked_sort3A : i32 to vector<16xi32>
        %masked_sort3A_255 = arith.xori %get3A_251, %masked_sort3A_254 : vector<16xi32>
        %masked_sort3A_256, %masked_sort3A_257, %masked_sort3A_258 = tpu.sort %masked_sort3A_255, %get3A_251 masked %lt3A_253 {descending = true} : (vector<16xi32>, vector<16xi32>, vector<16xi1>) -> (vector<16xi1>, vector<16xi32>, vector<16xi32>)
        %masked_sort3A_259 = arith.xori %masked_sort3A_257, %masked_sort3A_254 : vector<16xi32>
        %swap3A_260 = arith.constant 0 : index
        %swap3A_261 = tpu.vector_load %arg8[%swap3A_260] {strides = array<i32>} : memref<4112xi32, #tpu.memory_space<vmem>>, vector<16xi32>,
        tpu.vector_store %arg8[%swap3A_260], %masked_sort3A_259 {strides = array<i32>} : memref<4112xi32, #tpu.memory_space<vmem>>, vector<16xi32>,
        %sub3A_262 = arith.constant 1 : i32
        %sub3A_263 = arith.subi %sub3A_158, %sub3A_262 : i32
        %get3A_264 = arith.index_cast %sub3A_263 : i32 to index
        %get3A_265 = tpu.vector_load %arg8[%get3A_264] {strides = array<i32>} : memref<4112xi32, #tpu.memory_space<vmem>>, vector<16xi32>,
        %slice3A = vector.extract_strided_slice %get3A_265 {offsets = [0], sizes = [1], strides = [1]} : vector<16xi32> to vector<1xi32>
        %squeeze3A = vector.extract %slice3A[0] : i32 from vector<1xi32>
        %gt3A_266 = vector.broadcast %squeeze3A : i32 to vector<16xi32>
        %gt3A_267 = arith.cmpi sgt, %get3A_251, %gt3A_266 : vector<16xi32>
        %and3A_268 = arith.andi %lt3A_253, %gt3A_267 : vector<16xi1>
        %jit3A_269 = arith.constant 1 : i32
        %jit3A_270 = arith.constant 0 : i32
        %broadcast_in_dim3A_271 = vector.broadcast %jit3A_269 : i32 to vector<16xi32>
        %broadcast_in_dim3A_272 = vector.broadcast %jit3A_270 : i32 to vector<16xi32>
        %select_n3A_273 = arith.select %and3A_268, %broadcast_in_dim3A_271, %broadcast_in_dim3A_272 : vector<16xi1>, vector<16xi32>
        %reduce_sum3A_274 = arith.constant true
        %reduce_sum3A_275 = vector.broadcast %reduce_sum3A_274 : i1 to vector<16xi1>
        %reduce_sum3A_276 = tpu.scan <sum>, %select_n3A_273 masked %reduce_sum3A_275 : vector<16xi32>, vector<16xi1> -> vector<16xi32>
        %reduce_sum3A_277 = vector.extract %reduce_sum3A_276[15] : i32 from vector<16xi32>
        %sub3A_278 = arith.subi %sub3A_158, %reduce_sum3A_277 : i32
        %swap3A_279 = arith.constant 1 : i32
        %swap3A_280 = arith.index_cast %swap3A_279 : i32 to index
        %swap3A_281 = memref.load %arg13[%swap3A_280] : memref<8xi32, #tpu.memory_space<smem>>
        memref.store %sub3A_278, %arg13[%swap3A_280] : memref<8xi32, #tpu.memory_space<smem>>
        %swap3A_282 = arith.constant 2 : i32
        %swap3A_283 = arith.index_cast %swap3A_282 : i32 to index
        %swap3A_284 = memref.load %arg13[%swap3A_283] : memref<8xi32, #tpu.memory_space<smem>>
        memref.store %squeeze3A, %arg13[%swap3A_283] : memref<8xi32, #tpu.memory_space<smem>>
        %swap3A_285 = arith.constant 0 : i32
        %swap3A_286 = arith.constant 3 : i32
        %swap3A_287 = arith.index_cast %swap3A_286 : i32 to index
        %swap3A_288 = memref.load %arg13[%swap3A_287] : memref<8xi32, #tpu.memory_space<smem>>
        memref.store %swap3A_285, %arg13[%swap3A_287] : memref<8xi32, #tpu.memory_space<smem>>
        %swap3A_289 = arith.constant 1 : i32
        %swap3A_290 = arith.constant 4 : i32
        %swap3A_291 = arith.index_cast %swap3A_290 : i32 to index
        %swap3A_292 = memref.load %arg13[%swap3A_291] : memref<8xi32, #tpu.memory_space<smem>>
        memref.store %swap3A_289, %arg13[%swap3A_291] : memref<8xi32, #tpu.memory_space<smem>>
      } else {
      }
      %not3A_185 = arith.constant true
      %not3A_186 = arith.xori %or3A, %not3A_185 : i1
      %gt3A = arith.constant 16 : i32
      %gt3A_187 = arith.cmpi sgt, %sub3A, %gt3A : i32
      %and3A_188 = arith.andi %not3A_186, %gt3A_187 : i1
      %convert_element_type3A_189 = arith.extui %and3A_188 : i1 to i32
      %cond3A_190 = arith.constant 0 : i32
      %cond3A_191 = arith.cmpi ne, %convert_element_type3A_189, %cond3A_190 : i32
      scf.if %cond3A_191 {
        %sub3A_241 = arith.constant 8 : i32
        %sub3A_242 = arith.subi %get3A_121, %sub3A_241 : i32
        %broadcast_in_dim3A_243 = vector.broadcast %sub3A_242 : i32 to vector<16xi32>
        %broadcast_in_dim3A_244 = vector.broadcast %get3A_121 : i32 to vector<16xi32>
        %parallel_loop3A_245 = arith.constant 0 : i32
        %parallel_loop3A_246 = arith.constant 256 : i32
        %parallel_loop3A_247 = arith.constant 1 : i32
        %parallel_loop3A_248 = arith.constant 0 : i32
        %parallel_loop3A_249 = scf.for %parallel_loop3A_253 = %parallel_loop3A_245 to %parallel_loop3A_246 step %parallel_loop3A_247 iter_args(%parallel_loop3A_254 = %parallel_loop3A_248) -> (i32)  : i32 {
          %parallel_loop3A_255 = arith.constant 16 : i32
          %parallel_loop3A_256 = arith.muli %parallel_loop3A_253, %parallel_loop3A_255 : i32
          %parallel_loop3A_257 = arith.index_cast %parallel_loop3A_256 : i32 to index
          %parallel_loop3A_258 = tpu.vector_load %arg7[%parallel_loop3A_257] {strides = array<i32>} : memref<4096xi32, #tpu.memory_space<vmem>>, vector<16xi32>,
          %parallel_loop3A_259 = arith.shrsi %parallel_loop3A_258, %broadcast_in_dim3A_244 : vector<16xi32>
          %parallel_loop3A_260 = arith.constant 255 : i32
          %parallel_loop3A_261 = vector.broadcast %parallel_loop3A_260 : i32 to vector<16xi32>
          %parallel_loop3A_262 = arith.andi %parallel_loop3A_259, %parallel_loop3A_261 : vector<16xi32>
          %parallel_loop3A_263 = vector.broadcast %scan3A_133 : i32 to vector<16xi32>
          %parallel_loop3A_264 = arith.cmpi eq, %parallel_loop3A_262, %parallel_loop3A_263 : vector<16xi32>
          %parallel_loop3A_265 = arith.index_cast %parallel_loop3A_254 : i32 to index
          %parallel_loop3A_266 = tpu.vector_load %arg8[%parallel_loop3A_265] masked %parallel_loop3A_264 {strides = array<i32>} : memref<4112xi32, #tpu.memory_space<vmem>>, vector<16xi32>, vector<16xi1>
          tpu.vector_store %arg8[%parallel_loop3A_265], %parallel_loop3A_258 masked %parallel_loop3A_264 {strides = array<i32>} : memref<4112xi32, #tpu.memory_space<vmem>>, vector<16xi32>, vector<16xi1>
          %parallel_loop3A_267 = arith.shrsi %parallel_loop3A_258, %broadcast_in_dim3A_243 : vector<16xi32>
          %parallel_loop3A_268 = arith.constant 255 : i32
          %parallel_loop3A_269 = vector.broadcast %parallel_loop3A_268 : i32 to vector<16xi32>
          %parallel_loop3A_270 = arith.andi %parallel_loop3A_267, %parallel_loop3A_269 : vector<16xi32>
          %parallel_loop3A_271 = arith.constant 16 : i32
          %parallel_loop3A_272 = vector.broadcast %parallel_loop3A_271 : i32 to vector<16xi32>
          %parallel_loop3A_273 = arith.muli %parallel_loop3A_270, %parallel_loop3A_272 : vector<16xi32>
          %parallel_loop3A_274 = arith.addi %parallel_loop3A_273, %iota3A : vector<16xi32>
          tpu.vector_store_idx %arg10[%parallel_loop3A_274], %broadcast_in_dim3A_71 masked %parallel_loop3A_264 {add = true} : memref<4096xi32, #tpu.memory_space<vmem>>[vector<16xi32>], vector<16xi32>, vector<16xi1>
          %parallel_loop3A_275 = tpu.all_reduce %parallel_loop3A_264 {dim = 0 : i64, kind = #tpu.reduction_kind<sum>} : vector<16xi1> -> vector<16xi32>
          %parallel_loop3A_276 = vector.extract_strided_slice %parallel_loop3A_275 {offsets = [0], sizes = [1], strides = [1]} : vector<16xi32> to vector<1xi32>
          %parallel_loop3A_277 = vector.extract %parallel_loop3A_276[0] : i32 from vector<1xi32>
          %parallel_loop3A_278 = arith.addi %parallel_loop3A_254, %parallel_loop3A_277 : i32
          scf.yield %parallel_loop3A_278 : i32
        } {sc.loop_unroll_factor = 4 : i64, sc.parallel_access}
        %swap3A_250 = arith.constant 0 : i32
        %swap3A_251 = arith.index_cast %swap3A_250 : i32 to index
        %swap3A_252 = memref.load %arg13[%swap3A_251] : memref<8xi32, #tpu.memory_space<smem>>
        memref.store %parallel_loop3A_249, %arg13[%swap3A_251] : memref<8xi32, #tpu.memory_space<smem>>
      } else {
      }
      %convert_element_type3A_192 = arith.extui %or3A : i1 to i32
      %cond3A_193 = arith.constant 0 : i32
      %cond3A_194 = arith.cmpi ne, %convert_element_type3A_192, %cond3A_193 : i32
      scf.if %cond3A_194 {
        %swap3A_241 = arith.constant 1 : i32
        %swap3A_242 = arith.constant 4 : i32
        %swap3A_243 = arith.index_cast %swap3A_242 : i32 to index
        %swap3A_244 = memref.load %arg13[%swap3A_243] : memref<8xi32, #tpu.memory_space<smem>>
        memref.store %swap3A_241, %arg13[%swap3A_243] : memref<8xi32, #tpu.memory_space<smem>>
      } else {
      }
      %get3A_195 = arith.constant 4 : i32
      %get3A_196 = arith.index_cast %get3A_195 : i32 to index
      %get3A_197 = memref.load %arg13[%get3A_196] : memref<8xi32, #tpu.memory_space<smem>>
      %eq3A_198 = arith.constant 0 : i32
      %eq3A_199 = arith.cmpi eq, %get3A_197, %eq3A_198 : i32
      %convert_element_type3A_200 = arith.extui %eq3A_199 : i1 to i32
      %cond3A_201 = arith.constant 0 : i32
      %cond3A_202 = arith.cmpi ne, %convert_element_type3A_200, %cond3A_201 : i32
      scf.if %cond3A_202 {
        %get3A_241 = arith.constant 0 : i32
        %get3A_242 = arith.index_cast %get3A_241 : i32 to index
        %get3A_243 = memref.load %arg13[%get3A_242] : memref<8xi32, #tpu.memory_space<smem>>
        %get3A_244 = arith.constant 1 : i32
        %get3A_245 = arith.index_cast %get3A_244 : i32 to index
        %get3A_246 = memref.load %arg13[%get3A_245] : memref<8xi32, #tpu.memory_space<smem>>
        %get3A_247 = arith.constant 3 : i32
        %get3A_248 = arith.index_cast %get3A_247 : i32 to index
        %get3A_249 = memref.load %arg13[%get3A_248] : memref<8xi32, #tpu.memory_space<smem>>
        %broadcast_in_dim3A_250 = arith.constant 0 : i32
        %broadcast_in_dim3A_251 = vector.broadcast %broadcast_in_dim3A_250 : i32 to vector<16xi32>
        %parallel_loop3A_252 = arith.constant 0 : i32
        %parallel_loop3A_253 = arith.constant 256 : i32
        %parallel_loop3A_254 = arith.constant 1 : i32
        %parallel_loop3A_255 = scf.for %parallel_loop3A_330 = %parallel_loop3A_252 to %parallel_loop3A_253 step %parallel_loop3A_254 iter_args(%parallel_loop3A_331 = %broadcast_in_dim3A_251) -> (vector<16xi32>)  : i32 {
          %parallel_loop3A_332 = arith.constant 255 : i32
          %parallel_loop3A_333 = arith.subi %parallel_loop3A_332, %parallel_loop3A_330 : i32
          %parallel_loop3A_334 = arith.constant 16 : i32
          %parallel_loop3A_335 = arith.muli %parallel_loop3A_333, %parallel_loop3A_334 : i32
          %parallel_loop3A_336 = arith.index_cast %parallel_loop3A_335 : i32 to index
          %parallel_loop3A_337 = tpu.vector_load %arg10[%parallel_loop3A_336] {strides = array<i32>} : memref<4096xi32, #tpu.memory_space<vmem>>, vector<16xi32>,
          %parallel_loop3A_338 = arith.addi %parallel_loop3A_331, %parallel_loop3A_337 : vector<16xi32>
          %parallel_loop3A_339 = arith.constant 16 : i32
          %parallel_loop3A_340 = arith.muli %parallel_loop3A_333, %parallel_loop3A_339 : i32
          %parallel_loop3A_341 = arith.index_cast %parallel_loop3A_340 : i32 to index
          %parallel_loop3A_342 = tpu.vector_load %arg11[%parallel_loop3A_341] {strides = array<i32>} : memref<4096xi32, #tpu.memory_space<vmem>>, vector<16xi32>,
          tpu.vector_store %arg11[%parallel_loop3A_341], %parallel_loop3A_338 {strides = array<i32>} : memref<4096xi32, #tpu.memory_space<vmem>>, vector<16xi32>,
          %parallel_loop3A_343 = arith.constant 16 : i32
          %parallel_loop3A_344 = arith.muli %parallel_loop3A_333, %parallel_loop3A_343 : i32
          %parallel_loop3A_345 = arith.index_cast %parallel_loop3A_344 : i32 to index
          %parallel_loop3A_346 = tpu.vector_load %arg10[%parallel_loop3A_345] {strides = array<i32>} : memref<4096xi32, #tpu.memory_space<vmem>>, vector<16xi32>,
          tpu.vector_store %arg10[%parallel_loop3A_345], %broadcast_in_dim3A_251 {strides = array<i32>} : memref<4096xi32, #tpu.memory_space<vmem>>, vector<16xi32>,
          scf.yield %parallel_loop3A_338 : vector<16xi32>
        } {sc.loop_unroll_factor = 4 : i64, sc.parallel_access}
        %scan3A_256 = arith.constant 0 : i32
        %scan3A_257 = arith.constant 0 : i32
        %scan3A_258 = arith.constant 8 : i32
        %scan3A_259 = arith.addi %scan3A_257, %scan3A_258 : i32
        %scan3A_260 = arith.constant 1 : i32
        %scan3A_261 = scf.for %scan3A_330 = %scan3A_257 to %scan3A_259 step %scan3A_260 iter_args(%scan3A_331 = %scan3A_256) -> (i32)  : i32 {
          %shift_right_arithmetic3A = arith.constant 128 : i32
          %shift_right_arithmetic3A_332 = arith.shrsi %shift_right_arithmetic3A, %scan3A_330 : i32
          %add3A_333 = arith.addi %scan3A_331, %shift_right_arithmetic3A_332 : i32
          %lt3A_334 = arith.constant 256 : i32
          %lt3A_335 = arith.cmpi slt, %add3A_333, %lt3A_334 : i32
          %min3A_336 = arith.constant 255 : i32
          %min3A_337 = arith.minsi %add3A_333, %min3A_336 : i32
          %mul3A_338 = arith.constant 16 : i32
          %mul3A_339 = arith.muli %min3A_337, %mul3A_338 : i32
          %get3A_340 = arith.index_cast %mul3A_339 : i32 to index
          %get3A_341 = tpu.vector_load %arg11[%get3A_340] {strides = array<i32>} : memref<4096xi32, #tpu.memory_space<vmem>>, vector<16xi32>,
          %reduce_sum3A_342 = arith.constant true
          %reduce_sum3A_343 = vector.broadcast %reduce_sum3A_342 : i1 to vector<16xi1>
          %reduce_sum3A_344 = tpu.scan <sum>, %get3A_341 masked %reduce_sum3A_343 : vector<16xi32>, vector<16xi1> -> vector<16xi32>
          %reduce_sum3A_345 = vector.extract %reduce_sum3A_344[15] : i32 from vector<16xi32>
          %jit3A_346 = arith.constant 0 : i32
          %select_n3A_347 = arith.select %lt3A_335, %reduce_sum3A_345, %jit3A_346 : i32
          %ge3A = arith.cmpi sge, %select_n3A_347, %get3A_246 : i32
          %select_n3A_348 = arith.select %ge3A, %add3A_333, %scan3A_331 : i32
          scf.yield %select_n3A_348 : i32
        }
        %scan3A_262 = arith.constant 8 : i32
        %mul3A_263 = arith.constant 16 : i32
        %mul3A_264 = arith.muli %scan3A_261, %mul3A_263 : i32
        %get3A_265 = arith.index_cast %mul3A_264 : i32 to index
        %get3A_266 = tpu.vector_load %arg11[%get3A_265] {strides = array<i32>} : memref<4096xi32, #tpu.memory_space<vmem>>, vector<16xi32>,
        %reduce_sum3A_267 = arith.constant true
        %reduce_sum3A_268 = vector.broadcast %reduce_sum3A_267 : i1 to vector<16xi1>
        %reduce_sum3A_269 = tpu.scan <sum>, %get3A_266 masked %reduce_sum3A_268 : vector<16xi32>, vector<16xi1> -> vector<16xi32>
        %reduce_sum3A_270 = vector.extract %reduce_sum3A_269[15] : i32 from vector<16xi32>
        %lt3A_271 = arith.constant 255 : i32
        %lt3A_272 = arith.cmpi slt, %scan3A_261, %lt3A_271 : i32
        %add3A_273 = arith.constant 1 : i32
        %add3A_274 = arith.addi %scan3A_261, %add3A_273 : i32
        %min3A_275 = arith.constant 255 : i32
        %min3A_276 = arith.minsi %add3A_274, %min3A_275 : i32
        %mul3A_277 = arith.constant 16 : i32
        %mul3A_278 = arith.muli %min3A_276, %mul3A_277 : i32
        %get3A_279 = arith.index_cast %mul3A_278 : i32 to index
        %get3A_280 = tpu.vector_load %arg11[%get3A_279] {strides = array<i32>} : memref<4096xi32, #tpu.memory_space<vmem>>, vector<16xi32>,
        %reduce_sum3A_281 = arith.constant true
        %reduce_sum3A_282 = vector.broadcast %reduce_sum3A_281 : i1 to vector<16xi1>
        %reduce_sum3A_283 = tpu.scan <sum>, %get3A_280 masked %reduce_sum3A_282 : vector<16xi32>, vector<16xi1> -> vector<16xi32>
        %reduce_sum3A_284 = vector.extract %reduce_sum3A_283[15] : i32 from vector<16xi32>
        %jit3A_285 = arith.constant 0 : i32
        %select_n3A_286 = arith.select %lt3A_272, %reduce_sum3A_284, %jit3A_285 : i32
        %sub3A_287 = arith.subi %reduce_sum3A_270, %select_n3A_286 : i32
        %sub3A_288 = arith.subi %get3A_246, %select_n3A_286 : i32
        %get3A_289 = arith.constant 2 : i32
        %get3A_290 = arith.index_cast %get3A_289 : i32 to index
        %get3A_291 = memref.load %arg13[%get3A_290] : memref<8xi32, #tpu.memory_space<smem>>
        %mul3A_292 = arith.constant 256 : i32
        %mul3A_293 = arith.muli %get3A_291, %mul3A_292 : i32
        %add3A_294 = arith.addi %mul3A_293, %scan3A_261 : i32
        %sub3A_295 = arith.constant 8 : i32
        %sub3A_296 = arith.subi %get3A_249, %sub3A_295 : i32
        %eq3A_297 = arith.cmpi eq, %sub3A_288, %sub3A_287 : i32
        %lt3A_298 = arith.constant 0 : i32
        %lt3A_299 = arith.cmpi slt, %sub3A_296, %lt3A_298 : i32
        %or3A_300 = arith.ori %eq3A_297, %lt3A_299 : i1
        %swap3A_301 = arith.constant 1 : i32
        %swap3A_302 = arith.index_cast %swap3A_301 : i32 to index
        %swap3A_303 = memref.load %arg13[%swap3A_302] : memref<8xi32, #tpu.memory_space<smem>>
        memref.store %sub3A_288, %arg13[%swap3A_302] : memref<8xi32, #tpu.memory_space<smem>>
        %swap3A_304 = arith.constant 2 : i32
        %swap3A_305 = arith.index_cast %swap3A_304 : i32 to index
        %swap3A_306 = memref.load %arg13[%swap3A_305] : memref<8xi32, #tpu.memory_space<smem>>
        memref.store %add3A_294, %arg13[%swap3A_305] : memref<8xi32, #tpu.memory_space<smem>>
        %select_n3A_307 = arith.select %or3A_300, %get3A_249, %sub3A_296 : i32
        %swap3A_308 = arith.constant 3 : i32
        %swap3A_309 = arith.index_cast %swap3A_308 : i32 to index
        %swap3A_310 = memref.load %arg13[%swap3A_309] : memref<8xi32, #tpu.memory_space<smem>>
        memref.store %select_n3A_307, %arg13[%swap3A_309] : memref<8xi32, #tpu.memory_space<smem>>
        %not3A_311 = arith.constant true
        %not3A_312 = arith.xori %or3A_300, %not3A_311 : i1
        %le3A_313 = arith.constant 16 : i32
        %le3A_314 = arith.cmpi sle, %sub3A_287, %le3A_313 : i32
        %and3A_315 = arith.andi %not3A_312, %le3A_314 : i1
        %convert_element_type3A_316 = arith.extui %and3A_315 : i1 to i32
        %cond3A_317 = arith.constant 0 : i32
        %cond3A_318 = arith.cmpi ne, %convert_element_type3A_316, %cond3A_317 : i32
        scf.if %cond3A_318 {
          %add3A_330 = arith.constant 16 : i32
          %add3A_331 = arith.addi %get3A_243, %add3A_330 : i32
          %sub3A_332 = arith.constant 1 : i32
          %sub3A_333 = arith.subi %add3A_331, %sub3A_332 : i32
          %jit3A_334 = arith.constant 16 : i32
          %div3A = arith.divsi %sub3A_333, %jit3A_334 : i32
          %sign3A = arith.constant 0 : i32
          %sign3A_335 = arith.cmpi sgt, %sub3A_333, %sign3A : i32
          %sign3A_336 = arith.extui %sign3A_335 : i1 to i32
          %sign3A_337 = arith.constant 0 : i32
          %sign3A_338 = arith.cmpi slt, %sub3A_333, %sign3A_337 : i32
          %sign3A_339 = arith.extui %sign3A_338 : i1 to i32
          %sign3A_340 = arith.subi %sign3A_336, %sign3A_339 : i32
          %sign3A_341 = arith.constant 0 : i32
          %sign3A_342 = arith.cmpi sgt, %jit3A_334, %sign3A_341 : i32
          %sign3A_343 = arith.extui %sign3A_342 : i1 to i32
          %sign3A_344 = arith.constant 0 : i32
          %sign3A_345 = arith.cmpi slt, %jit3A_334, %sign3A_344 : i32
          %sign3A_346 = arith.extui %sign3A_345 : i1 to i32
          %sign3A_347 = arith.subi %sign3A_343, %sign3A_346 : i32
          %ne3A_348 = arith.cmpi ne, %sign3A_340, %sign3A_347 : i32
          %rem3A = arith.remsi %sub3A_333, %jit3A_334 : i32
          %ne3A_349 = arith.constant 0 : i32
          %ne3A_350 = arith.cmpi ne, %rem3A, %ne3A_349 : i32
          %and3A_351 = arith.andi %ne3A_348, %ne3A_350 : i1
          %sub3A_352 = arith.constant 1 : i32
          %sub3A_353 = arith.subi %div3A, %sub3A_352 : i32
          %select_n3A_354 = arith.select %and3A_351, %sub3A_353, %div3A : i32
          %sub3A_355 = arith.constant 8 : i32
          %sub3A_356 = arith.subi %get3A_249, %sub3A_355 : i32
          %broadcast_in_dim3A_357 = vector.broadcast %sub3A_356 : i32 to vector<16xi32>
          %broadcast_in_dim3A_358 = vector.broadcast %get3A_249 : i32 to vector<16xi32>
          %parallel_loop3A_359 = arith.constant 0 : i32
          %parallel_loop3A_360 = arith.constant 1 : i32
          %parallel_loop3A_361 = arith.constant 0 : i32
          %parallel_loop3A_362 = scf.for %parallel_loop3A_406 = %parallel_loop3A_359 to %select_n3A_354 step %parallel_loop3A_360 iter_args(%parallel_loop3A_407 = %parallel_loop3A_361) -> (i32)  : i32 {
            %parallel_loop3A_408 = arith.constant 16 : i32
            %parallel_loop3A_409 = arith.muli %parallel_loop3A_406, %parallel_loop3A_408 : i32
            %parallel_loop3A_410 = arith.index_cast %parallel_loop3A_409 : i32 to index
            %parallel_loop3A_411 = tpu.vector_load %arg8[%parallel_loop3A_410] {strides = array<i32>} : memref<4112xi32, #tpu.memory_space<vmem>>, vector<16xi32>,
            %parallel_loop3A_412 = arith.shrsi %parallel_loop3A_411, %broadcast_in_dim3A_358 : vector<16xi32>
            %parallel_loop3A_413 = arith.constant 255 : i32
            %parallel_loop3A_414 = vector.broadcast %parallel_loop3A_413 : i32 to vector<16xi32>
            %parallel_loop3A_415 = arith.andi %parallel_loop3A_412, %parallel_loop3A_414 : vector<16xi32>
            %parallel_loop3A_416 = vector.broadcast %scan3A_261 : i32 to vector<16xi32>
            %parallel_loop3A_417 = arith.cmpi eq, %parallel_loop3A_415, %parallel_loop3A_416 : vector<16xi32>
            %parallel_loop3A_418 = arith.constant 16 : i32
            %parallel_loop3A_419 = arith.muli %parallel_loop3A_406, %parallel_loop3A_418 : i32
            %parallel_loop3A_420 = vector.broadcast %parallel_loop3A_419 : i32 to vector<16xi32>
            %parallel_loop3A_421 = arith.addi %iota3A, %parallel_loop3A_420 : vector<16xi32>
            %parallel_loop3A_422 = vector.broadcast %get3A_243 : i32 to vector<16xi32>
            %parallel_loop3A_423 = arith.cmpi slt, %parallel_loop3A_421, %parallel_loop3A_422 : vector<16xi32>
            %parallel_loop3A_424 = arith.andi %parallel_loop3A_417, %parallel_loop3A_423 : vector<16xi1>
            %parallel_loop3A_425 = arith.index_cast %parallel_loop3A_407 : i32 to index
            %parallel_loop3A_426 = tpu.vector_load %arg9[%parallel_loop3A_425] masked %parallel_loop3A_424 {strides = array<i32>} : memref<4112xi32, #tpu.memory_space<vmem>>, vector<16xi32>, vector<16xi1>
            tpu.vector_store %arg9[%parallel_loop3A_425], %parallel_loop3A_411 masked %parallel_loop3A_424 {strides = array<i32>} : memref<4112xi32, #tpu.memory_space<vmem>>, vector<16xi32>, vector<16xi1>
            %parallel_loop3A_427 = tpu.all_reduce %parallel_loop3A_424 {dim = 0 : i64, kind = #tpu.reduction_kind<sum>} : vector<16xi1> -> vector<16xi32>
            %parallel_loop3A_428 = vector.extract_strided_slice %parallel_loop3A_427 {offsets = [0], sizes = [1], strides = [1]} : vector<16xi32> to vector<1xi32>
            %parallel_loop3A_429 = vector.extract %parallel_loop3A_428[0] : i32 from vector<1xi32>
            %parallel_loop3A_430 = arith.addi %parallel_loop3A_407, %parallel_loop3A_429 : i32
            scf.yield %parallel_loop3A_430 : i32
          } {sc.loop_unroll_factor = 4 : i64, sc.parallel_access}
          %get3A_363 = arith.constant 0 : index
          %get3A_364 = tpu.vector_load %arg9[%get3A_363] {strides = array<i32>} : memref<4112xi32, #tpu.memory_space<vmem>>, vector<16xi32>,
          %lt3A_365 = vector.broadcast %sub3A_287 : i32 to vector<16xi32>
          %lt3A_366 = arith.cmpi slt, %iota3A, %lt3A_365 : vector<16xi32>
          %masked_sort3A = arith.constant -2147483648 : i32
          %masked_sort3A_367 = vector.broadcast %masked_sort3A : i32 to vector<16xi32>
          %masked_sort3A_368 = arith.xori %get3A_364, %masked_sort3A_367 : vector<16xi32>
          %masked_sort3A_369, %masked_sort3A_370, %masked_sort3A_371 = tpu.sort %masked_sort3A_368, %get3A_364 masked %lt3A_366 {descending = true} : (vector<16xi32>, vector<16xi32>, vector<16xi1>) -> (vector<16xi1>, vector<16xi32>, vector<16xi32>)
          %masked_sort3A_372 = arith.xori %masked_sort3A_370, %masked_sort3A_367 : vector<16xi32>
          %swap3A_373 = arith.constant 0 : index
          %swap3A_374 = tpu.vector_load %arg9[%swap3A_373] {strides = array<i32>} : memref<4112xi32, #tpu.memory_space<vmem>>, vector<16xi32>,
          tpu.vector_store %arg9[%swap3A_373], %masked_sort3A_372 {strides = array<i32>} : memref<4112xi32, #tpu.memory_space<vmem>>, vector<16xi32>,
          %sub3A_375 = arith.constant 1 : i32
          %sub3A_376 = arith.subi %sub3A_288, %sub3A_375 : i32
          %get3A_377 = arith.index_cast %sub3A_376 : i32 to index
          %get3A_378 = tpu.vector_load %arg9[%get3A_377] {strides = array<i32>} : memref<4112xi32, #tpu.memory_space<vmem>>, vector<16xi32>,
          %slice3A = vector.extract_strided_slice %get3A_378 {offsets = [0], sizes = [1], strides = [1]} : vector<16xi32> to vector<1xi32>
          %squeeze3A = vector.extract %slice3A[0] : i32 from vector<1xi32>
          %gt3A_379 = vector.broadcast %squeeze3A : i32 to vector<16xi32>
          %gt3A_380 = arith.cmpi sgt, %get3A_364, %gt3A_379 : vector<16xi32>
          %and3A_381 = arith.andi %lt3A_366, %gt3A_380 : vector<16xi1>
          %jit3A_382 = arith.constant 1 : i32
          %jit3A_383 = arith.constant 0 : i32
          %broadcast_in_dim3A_384 = vector.broadcast %jit3A_382 : i32 to vector<16xi32>
          %broadcast_in_dim3A_385 = vector.broadcast %jit3A_383 : i32 to vector<16xi32>
          %select_n3A_386 = arith.select %and3A_381, %broadcast_in_dim3A_384, %broadcast_in_dim3A_385 : vector<16xi1>, vector<16xi32>
          %reduce_sum3A_387 = arith.constant true
          %reduce_sum3A_388 = vector.broadcast %reduce_sum3A_387 : i1 to vector<16xi1>
          %reduce_sum3A_389 = tpu.scan <sum>, %select_n3A_386 masked %reduce_sum3A_388 : vector<16xi32>, vector<16xi1> -> vector<16xi32>
          %reduce_sum3A_390 = vector.extract %reduce_sum3A_389[15] : i32 from vector<16xi32>
          %sub3A_391 = arith.subi %sub3A_288, %reduce_sum3A_390 : i32
          %swap3A_392 = arith.constant 1 : i32
          %swap3A_393 = arith.index_cast %swap3A_392 : i32 to index
          %swap3A_394 = memref.load %arg13[%swap3A_393] : memref<8xi32, #tpu.memory_space<smem>>
          memref.store %sub3A_391, %arg13[%swap3A_393] : memref<8xi32, #tpu.memory_space<smem>>
          %swap3A_395 = arith.constant 2 : i32
          %swap3A_396 = arith.index_cast %swap3A_395 : i32 to index
          %swap3A_397 = memref.load %arg13[%swap3A_396] : memref<8xi32, #tpu.memory_space<smem>>
          memref.store %squeeze3A, %arg13[%swap3A_396] : memref<8xi32, #tpu.memory_space<smem>>
          %swap3A_398 = arith.constant 0 : i32
          %swap3A_399 = arith.constant 3 : i32
          %swap3A_400 = arith.index_cast %swap3A_399 : i32 to index
          %swap3A_401 = memref.load %arg13[%swap3A_400] : memref<8xi32, #tpu.memory_space<smem>>
          memref.store %swap3A_398, %arg13[%swap3A_400] : memref<8xi32, #tpu.memory_space<smem>>
          %swap3A_402 = arith.constant 1 : i32
          %swap3A_403 = arith.constant 4 : i32
          %swap3A_404 = arith.index_cast %swap3A_403 : i32 to index
          %swap3A_405 = memref.load %arg13[%swap3A_404] : memref<8xi32, #tpu.memory_space<smem>>
          memref.store %swap3A_402, %arg13[%swap3A_404] : memref<8xi32, #tpu.memory_space<smem>>
        } else {
        }
        %not3A_319 = arith.constant true
        %not3A_320 = arith.xori %or3A_300, %not3A_319 : i1
        %gt3A_321 = arith.constant 16 : i32
        %gt3A_322 = arith.cmpi sgt, %sub3A_287, %gt3A_321 : i32
        %and3A_323 = arith.andi %not3A_320, %gt3A_322 : i1
        %convert_element_type3A_324 = arith.extui %and3A_323 : i1 to i32
        %cond3A_325 = arith.constant 0 : i32
        %cond3A_326 = arith.cmpi ne, %convert_element_type3A_324, %cond3A_325 : i32
        scf.if %cond3A_326 {
          %add3A_330 = arith.constant 16 : i32
          %add3A_331 = arith.addi %get3A_243, %add3A_330 : i32
          %sub3A_332 = arith.constant 1 : i32
          %sub3A_333 = arith.subi %add3A_331, %sub3A_332 : i32
          %jit3A_334 = arith.constant 16 : i32
          %div3A = arith.divsi %sub3A_333, %jit3A_334 : i32
          %sign3A = arith.constant 0 : i32
          %sign3A_335 = arith.cmpi sgt, %sub3A_333, %sign3A : i32
          %sign3A_336 = arith.extui %sign3A_335 : i1 to i32
          %sign3A_337 = arith.constant 0 : i32
          %sign3A_338 = arith.cmpi slt, %sub3A_333, %sign3A_337 : i32
          %sign3A_339 = arith.extui %sign3A_338 : i1 to i32
          %sign3A_340 = arith.subi %sign3A_336, %sign3A_339 : i32
          %sign3A_341 = arith.constant 0 : i32
          %sign3A_342 = arith.cmpi sgt, %jit3A_334, %sign3A_341 : i32
          %sign3A_343 = arith.extui %sign3A_342 : i1 to i32
          %sign3A_344 = arith.constant 0 : i32
          %sign3A_345 = arith.cmpi slt, %jit3A_334, %sign3A_344 : i32
          %sign3A_346 = arith.extui %sign3A_345 : i1 to i32
          %sign3A_347 = arith.subi %sign3A_343, %sign3A_346 : i32
          %ne3A_348 = arith.cmpi ne, %sign3A_340, %sign3A_347 : i32
          %rem3A = arith.remsi %sub3A_333, %jit3A_334 : i32
          %ne3A_349 = arith.constant 0 : i32
          %ne3A_350 = arith.cmpi ne, %rem3A, %ne3A_349 : i32
          %and3A_351 = arith.andi %ne3A_348, %ne3A_350 : i1
          %sub3A_352 = arith.constant 1 : i32
          %sub3A_353 = arith.subi %div3A, %sub3A_352 : i32
          %select_n3A_354 = arith.select %and3A_351, %sub3A_353, %div3A : i32
          %sub3A_355 = arith.constant 8 : i32
          %sub3A_356 = arith.subi %get3A_249, %sub3A_355 : i32
          %broadcast_in_dim3A_357 = vector.broadcast %sub3A_356 : i32 to vector<16xi32>
          %broadcast_in_dim3A_358 = vector.broadcast %get3A_249 : i32 to vector<16xi32>
          %parallel_loop3A_359 = arith.constant 0 : i32
          %parallel_loop3A_360 = arith.constant 1 : i32
          %parallel_loop3A_361 = arith.constant 0 : i32
          %parallel_loop3A_362 = scf.for %parallel_loop3A_366 = %parallel_loop3A_359 to %select_n3A_354 step %parallel_loop3A_360 iter_args(%parallel_loop3A_367 = %parallel_loop3A_361) -> (i32)  : i32 {
            %parallel_loop3A_368 = arith.constant 16 : i32
            %parallel_loop3A_369 = arith.muli %parallel_loop3A_366, %parallel_loop3A_368 : i32
            %parallel_loop3A_370 = arith.index_cast %parallel_loop3A_369 : i32 to index
            %parallel_loop3A_371 = tpu.vector_load %arg8[%parallel_loop3A_370] {strides = array<i32>} : memref<4112xi32, #tpu.memory_space<vmem>>, vector<16xi32>,
            %parallel_loop3A_372 = arith.shrsi %parallel_loop3A_371, %broadcast_in_dim3A_358 : vector<16xi32>
            %parallel_loop3A_373 = arith.constant 255 : i32
            %parallel_loop3A_374 = vector.broadcast %parallel_loop3A_373 : i32 to vector<16xi32>
            %parallel_loop3A_375 = arith.andi %parallel_loop3A_372, %parallel_loop3A_374 : vector<16xi32>
            %parallel_loop3A_376 = vector.broadcast %scan3A_261 : i32 to vector<16xi32>
            %parallel_loop3A_377 = arith.cmpi eq, %parallel_loop3A_375, %parallel_loop3A_376 : vector<16xi32>
            %parallel_loop3A_378 = arith.constant 16 : i32
            %parallel_loop3A_379 = arith.muli %parallel_loop3A_366, %parallel_loop3A_378 : i32
            %parallel_loop3A_380 = vector.broadcast %parallel_loop3A_379 : i32 to vector<16xi32>
            %parallel_loop3A_381 = arith.addi %iota3A, %parallel_loop3A_380 : vector<16xi32>
            %parallel_loop3A_382 = vector.broadcast %get3A_243 : i32 to vector<16xi32>
            %parallel_loop3A_383 = arith.cmpi slt, %parallel_loop3A_381, %parallel_loop3A_382 : vector<16xi32>
            %parallel_loop3A_384 = arith.andi %parallel_loop3A_377, %parallel_loop3A_383 : vector<16xi1>
            %parallel_loop3A_385 = arith.index_cast %parallel_loop3A_367 : i32 to index
            %parallel_loop3A_386 = tpu.vector_load %arg9[%parallel_loop3A_385] masked %parallel_loop3A_384 {strides = array<i32>} : memref<4112xi32, #tpu.memory_space<vmem>>, vector<16xi32>, vector<16xi1>
            tpu.vector_store %arg9[%parallel_loop3A_385], %parallel_loop3A_371 masked %parallel_loop3A_384 {strides = array<i32>} : memref<4112xi32, #tpu.memory_space<vmem>>, vector<16xi32>, vector<16xi1>
            %parallel_loop3A_387 = arith.shrsi %parallel_loop3A_371, %broadcast_in_dim3A_357 : vector<16xi32>
            %parallel_loop3A_388 = arith.constant 255 : i32
            %parallel_loop3A_389 = vector.broadcast %parallel_loop3A_388 : i32 to vector<16xi32>
            %parallel_loop3A_390 = arith.andi %parallel_loop3A_387, %parallel_loop3A_389 : vector<16xi32>
            %parallel_loop3A_391 = arith.constant 16 : i32
            %parallel_loop3A_392 = vector.broadcast %parallel_loop3A_391 : i32 to vector<16xi32>
            %parallel_loop3A_393 = arith.muli %parallel_loop3A_390, %parallel_loop3A_392 : vector<16xi32>
            %parallel_loop3A_394 = arith.addi %parallel_loop3A_393, %iota3A : vector<16xi32>
            tpu.vector_store_idx %arg10[%parallel_loop3A_394], %broadcast_in_dim3A_71 masked %parallel_loop3A_384 {add = true} : memref<4096xi32, #tpu.memory_space<vmem>>[vector<16xi32>], vector<16xi32>, vector<16xi1>
            %parallel_loop3A_395 = tpu.all_reduce %parallel_loop3A_384 {dim = 0 : i64, kind = #tpu.reduction_kind<sum>} : vector<16xi1> -> vector<16xi32>
            %parallel_loop3A_396 = vector.extract_strided_slice %parallel_loop3A_395 {offsets = [0], sizes = [1], strides = [1]} : vector<16xi32> to vector<1xi32>
            %parallel_loop3A_397 = vector.extract %parallel_loop3A_396[0] : i32 from vector<1xi32>
            %parallel_loop3A_398 = arith.addi %parallel_loop3A_367, %parallel_loop3A_397 : i32
            scf.yield %parallel_loop3A_398 : i32
          } {sc.loop_unroll_factor = 4 : i64, sc.parallel_access}
          %swap3A_363 = arith.constant 0 : i32
          %swap3A_364 = arith.index_cast %swap3A_363 : i32 to index
          %swap3A_365 = memref.load %arg13[%swap3A_364] : memref<8xi32, #tpu.memory_space<smem>>
          memref.store %parallel_loop3A_362, %arg13[%swap3A_364] : memref<8xi32, #tpu.memory_space<smem>>
        } else {
        }
        %convert_element_type3A_327 = arith.extui %or3A_300 : i1 to i32
        %cond3A_328 = arith.constant 0 : i32
        %cond3A_329 = arith.cmpi ne, %convert_element_type3A_327, %cond3A_328 : i32
        scf.if %cond3A_329 {
          %swap3A_330 = arith.constant 1 : i32
          %swap3A_331 = arith.constant 4 : i32
          %swap3A_332 = arith.index_cast %swap3A_331 : i32 to index
          %swap3A_333 = memref.load %arg13[%swap3A_332] : memref<8xi32, #tpu.memory_space<smem>>
          memref.store %swap3A_330, %arg13[%swap3A_332] : memref<8xi32, #tpu.memory_space<smem>>
        } else {
        }
      } else {
      }
      %get3A_203 = arith.constant 4 : i32
      %get3A_204 = arith.index_cast %get3A_203 : i32 to index
      %get3A_205 = memref.load %arg13[%get3A_204] : memref<8xi32, #tpu.memory_space<smem>>
      %eq3A_206 = arith.constant 0 : i32
      %eq3A_207 = arith.cmpi eq, %get3A_205, %eq3A_206 : i32
      %convert_element_type3A_208 = arith.extui %eq3A_207 : i1 to i32
      %cond3A_209 = arith.constant 0 : i32
      %cond3A_210 = arith.cmpi ne, %convert_element_type3A_208, %cond3A_209 : i32
      scf.if %cond3A_210 {
        %get3A_241 = arith.constant 0 : i32
        %get3A_242 = arith.index_cast %get3A_241 : i32 to index
        %get3A_243 = memref.load %arg13[%get3A_242] : memref<8xi32, #tpu.memory_space<smem>>
        %get3A_244 = arith.constant 1 : i32
        %get3A_245 = arith.index_cast %get3A_244 : i32 to index
        %get3A_246 = memref.load %arg13[%get3A_245] : memref<8xi32, #tpu.memory_space<smem>>
        %get3A_247 = arith.constant 3 : i32
        %get3A_248 = arith.index_cast %get3A_247 : i32 to index
        %get3A_249 = memref.load %arg13[%get3A_248] : memref<8xi32, #tpu.memory_space<smem>>
        %broadcast_in_dim3A_250 = arith.constant 0 : i32
        %broadcast_in_dim3A_251 = vector.broadcast %broadcast_in_dim3A_250 : i32 to vector<16xi32>
        %parallel_loop3A_252 = arith.constant 0 : i32
        %parallel_loop3A_253 = arith.constant 256 : i32
        %parallel_loop3A_254 = arith.constant 1 : i32
        %parallel_loop3A_255 = scf.for %parallel_loop3A_330 = %parallel_loop3A_252 to %parallel_loop3A_253 step %parallel_loop3A_254 iter_args(%parallel_loop3A_331 = %broadcast_in_dim3A_251) -> (vector<16xi32>)  : i32 {
          %parallel_loop3A_332 = arith.constant 255 : i32
          %parallel_loop3A_333 = arith.subi %parallel_loop3A_332, %parallel_loop3A_330 : i32
          %parallel_loop3A_334 = arith.constant 16 : i32
          %parallel_loop3A_335 = arith.muli %parallel_loop3A_333, %parallel_loop3A_334 : i32
          %parallel_loop3A_336 = arith.index_cast %parallel_loop3A_335 : i32 to index
          %parallel_loop3A_337 = tpu.vector_load %arg10[%parallel_loop3A_336] {strides = array<i32>} : memref<4096xi32, #tpu.memory_space<vmem>>, vector<16xi32>,
          %parallel_loop3A_338 = arith.addi %parallel_loop3A_331, %parallel_loop3A_337 : vector<16xi32>
          %parallel_loop3A_339 = arith.constant 16 : i32
          %parallel_loop3A_340 = arith.muli %parallel_loop3A_333, %parallel_loop3A_339 : i32
          %parallel_loop3A_341 = arith.index_cast %parallel_loop3A_340 : i32 to index
          %parallel_loop3A_342 = tpu.vector_load %arg11[%parallel_loop3A_341] {strides = array<i32>} : memref<4096xi32, #tpu.memory_space<vmem>>, vector<16xi32>,
          tpu.vector_store %arg11[%parallel_loop3A_341], %parallel_loop3A_338 {strides = array<i32>} : memref<4096xi32, #tpu.memory_space<vmem>>, vector<16xi32>,
          %parallel_loop3A_343 = arith.constant 16 : i32
          %parallel_loop3A_344 = arith.muli %parallel_loop3A_333, %parallel_loop3A_343 : i32
          %parallel_loop3A_345 = arith.index_cast %parallel_loop3A_344 : i32 to index
          %parallel_loop3A_346 = tpu.vector_load %arg10[%parallel_loop3A_345] {strides = array<i32>} : memref<4096xi32, #tpu.memory_space<vmem>>, vector<16xi32>,
          tpu.vector_store %arg10[%parallel_loop3A_345], %broadcast_in_dim3A_251 {strides = array<i32>} : memref<4096xi32, #tpu.memory_space<vmem>>, vector<16xi32>,
          scf.yield %parallel_loop3A_338 : vector<16xi32>
        } {sc.loop_unroll_factor = 4 : i64, sc.parallel_access}
        %scan3A_256 = arith.constant 0 : i32
        %scan3A_257 = arith.constant 0 : i32
        %scan3A_258 = arith.constant 8 : i32
        %scan3A_259 = arith.addi %scan3A_257, %scan3A_258 : i32
        %scan3A_260 = arith.constant 1 : i32
        %scan3A_261 = scf.for %scan3A_330 = %scan3A_257 to %scan3A_259 step %scan3A_260 iter_args(%scan3A_331 = %scan3A_256) -> (i32)  : i32 {
          %shift_right_arithmetic3A = arith.constant 128 : i32
          %shift_right_arithmetic3A_332 = arith.shrsi %shift_right_arithmetic3A, %scan3A_330 : i32
          %add3A_333 = arith.addi %scan3A_331, %shift_right_arithmetic3A_332 : i32
          %lt3A_334 = arith.constant 256 : i32
          %lt3A_335 = arith.cmpi slt, %add3A_333, %lt3A_334 : i32
          %min3A_336 = arith.constant 255 : i32
          %min3A_337 = arith.minsi %add3A_333, %min3A_336 : i32
          %mul3A_338 = arith.constant 16 : i32
          %mul3A_339 = arith.muli %min3A_337, %mul3A_338 : i32
          %get3A_340 = arith.index_cast %mul3A_339 : i32 to index
          %get3A_341 = tpu.vector_load %arg11[%get3A_340] {strides = array<i32>} : memref<4096xi32, #tpu.memory_space<vmem>>, vector<16xi32>,
          %reduce_sum3A_342 = arith.constant true
          %reduce_sum3A_343 = vector.broadcast %reduce_sum3A_342 : i1 to vector<16xi1>
          %reduce_sum3A_344 = tpu.scan <sum>, %get3A_341 masked %reduce_sum3A_343 : vector<16xi32>, vector<16xi1> -> vector<16xi32>
          %reduce_sum3A_345 = vector.extract %reduce_sum3A_344[15] : i32 from vector<16xi32>
          %jit3A_346 = arith.constant 0 : i32
          %select_n3A_347 = arith.select %lt3A_335, %reduce_sum3A_345, %jit3A_346 : i32
          %ge3A = arith.cmpi sge, %select_n3A_347, %get3A_246 : i32
          %select_n3A_348 = arith.select %ge3A, %add3A_333, %scan3A_331 : i32
          scf.yield %select_n3A_348 : i32
        }
        %scan3A_262 = arith.constant 8 : i32
        %mul3A_263 = arith.constant 16 : i32
        %mul3A_264 = arith.muli %scan3A_261, %mul3A_263 : i32
        %get3A_265 = arith.index_cast %mul3A_264 : i32 to index
        %get3A_266 = tpu.vector_load %arg11[%get3A_265] {strides = array<i32>} : memref<4096xi32, #tpu.memory_space<vmem>>, vector<16xi32>,
        %reduce_sum3A_267 = arith.constant true
        %reduce_sum3A_268 = vector.broadcast %reduce_sum3A_267 : i1 to vector<16xi1>
        %reduce_sum3A_269 = tpu.scan <sum>, %get3A_266 masked %reduce_sum3A_268 : vector<16xi32>, vector<16xi1> -> vector<16xi32>
        %reduce_sum3A_270 = vector.extract %reduce_sum3A_269[15] : i32 from vector<16xi32>
        %lt3A_271 = arith.constant 255 : i32
        %lt3A_272 = arith.cmpi slt, %scan3A_261, %lt3A_271 : i32
        %add3A_273 = arith.constant 1 : i32
        %add3A_274 = arith.addi %scan3A_261, %add3A_273 : i32
        %min3A_275 = arith.constant 255 : i32
        %min3A_276 = arith.minsi %add3A_274, %min3A_275 : i32
        %mul3A_277 = arith.constant 16 : i32
        %mul3A_278 = arith.muli %min3A_276, %mul3A_277 : i32
        %get3A_279 = arith.index_cast %mul3A_278 : i32 to index
        %get3A_280 = tpu.vector_load %arg11[%get3A_279] {strides = array<i32>} : memref<4096xi32, #tpu.memory_space<vmem>>, vector<16xi32>,
        %reduce_sum3A_281 = arith.constant true
        %reduce_sum3A_282 = vector.broadcast %reduce_sum3A_281 : i1 to vector<16xi1>
        %reduce_sum3A_283 = tpu.scan <sum>, %get3A_280 masked %reduce_sum3A_282 : vector<16xi32>, vector<16xi1> -> vector<16xi32>
        %reduce_sum3A_284 = vector.extract %reduce_sum3A_283[15] : i32 from vector<16xi32>
        %jit3A_285 = arith.constant 0 : i32
        %select_n3A_286 = arith.select %lt3A_272, %reduce_sum3A_284, %jit3A_285 : i32
        %sub3A_287 = arith.subi %reduce_sum3A_270, %select_n3A_286 : i32
        %sub3A_288 = arith.subi %get3A_246, %select_n3A_286 : i32
        %get3A_289 = arith.constant 2 : i32
        %get3A_290 = arith.index_cast %get3A_289 : i32 to index
        %get3A_291 = memref.load %arg13[%get3A_290] : memref<8xi32, #tpu.memory_space<smem>>
        %mul3A_292 = arith.constant 256 : i32
        %mul3A_293 = arith.muli %get3A_291, %mul3A_292 : i32
        %add3A_294 = arith.addi %mul3A_293, %scan3A_261 : i32
        %sub3A_295 = arith.constant 8 : i32
        %sub3A_296 = arith.subi %get3A_249, %sub3A_295 : i32
        %eq3A_297 = arith.cmpi eq, %sub3A_288, %sub3A_287 : i32
        %lt3A_298 = arith.constant 0 : i32
        %lt3A_299 = arith.cmpi slt, %sub3A_296, %lt3A_298 : i32
        %or3A_300 = arith.ori %eq3A_297, %lt3A_299 : i1
        %swap3A_301 = arith.constant 1 : i32
        %swap3A_302 = arith.index_cast %swap3A_301 : i32 to index
        %swap3A_303 = memref.load %arg13[%swap3A_302] : memref<8xi32, #tpu.memory_space<smem>>
        memref.store %sub3A_288, %arg13[%swap3A_302] : memref<8xi32, #tpu.memory_space<smem>>
        %swap3A_304 = arith.constant 2 : i32
        %swap3A_305 = arith.index_cast %swap3A_304 : i32 to index
        %swap3A_306 = memref.load %arg13[%swap3A_305] : memref<8xi32, #tpu.memory_space<smem>>
        memref.store %add3A_294, %arg13[%swap3A_305] : memref<8xi32, #tpu.memory_space<smem>>
        %select_n3A_307 = arith.select %or3A_300, %get3A_249, %sub3A_296 : i32
        %swap3A_308 = arith.constant 3 : i32
        %swap3A_309 = arith.index_cast %swap3A_308 : i32 to index
        %swap3A_310 = memref.load %arg13[%swap3A_309] : memref<8xi32, #tpu.memory_space<smem>>
        memref.store %select_n3A_307, %arg13[%swap3A_309] : memref<8xi32, #tpu.memory_space<smem>>
        %not3A_311 = arith.constant true
        %not3A_312 = arith.xori %or3A_300, %not3A_311 : i1
        %le3A_313 = arith.constant 16 : i32
        %le3A_314 = arith.cmpi sle, %sub3A_287, %le3A_313 : i32
        %and3A_315 = arith.andi %not3A_312, %le3A_314 : i1
        %convert_element_type3A_316 = arith.extui %and3A_315 : i1 to i32
        %cond3A_317 = arith.constant 0 : i32
        %cond3A_318 = arith.cmpi ne, %convert_element_type3A_316, %cond3A_317 : i32
        scf.if %cond3A_318 {
          %add3A_330 = arith.constant 16 : i32
          %add3A_331 = arith.addi %get3A_243, %add3A_330 : i32
          %sub3A_332 = arith.constant 1 : i32
          %sub3A_333 = arith.subi %add3A_331, %sub3A_332 : i32
          %jit3A_334 = arith.constant 16 : i32
          %div3A = arith.divsi %sub3A_333, %jit3A_334 : i32
          %sign3A = arith.constant 0 : i32
          %sign3A_335 = arith.cmpi sgt, %sub3A_333, %sign3A : i32
          %sign3A_336 = arith.extui %sign3A_335 : i1 to i32
          %sign3A_337 = arith.constant 0 : i32
          %sign3A_338 = arith.cmpi slt, %sub3A_333, %sign3A_337 : i32
          %sign3A_339 = arith.extui %sign3A_338 : i1 to i32
          %sign3A_340 = arith.subi %sign3A_336, %sign3A_339 : i32
          %sign3A_341 = arith.constant 0 : i32
          %sign3A_342 = arith.cmpi sgt, %jit3A_334, %sign3A_341 : i32
          %sign3A_343 = arith.extui %sign3A_342 : i1 to i32
          %sign3A_344 = arith.constant 0 : i32
          %sign3A_345 = arith.cmpi slt, %jit3A_334, %sign3A_344 : i32
          %sign3A_346 = arith.extui %sign3A_345 : i1 to i32
          %sign3A_347 = arith.subi %sign3A_343, %sign3A_346 : i32
          %ne3A_348 = arith.cmpi ne, %sign3A_340, %sign3A_347 : i32
          %rem3A = arith.remsi %sub3A_333, %jit3A_334 : i32
          %ne3A_349 = arith.constant 0 : i32
          %ne3A_350 = arith.cmpi ne, %rem3A, %ne3A_349 : i32
          %and3A_351 = arith.andi %ne3A_348, %ne3A_350 : i1
          %sub3A_352 = arith.constant 1 : i32
          %sub3A_353 = arith.subi %div3A, %sub3A_352 : i32
          %select_n3A_354 = arith.select %and3A_351, %sub3A_353, %div3A : i32
          %sub3A_355 = arith.constant 8 : i32
          %sub3A_356 = arith.subi %get3A_249, %sub3A_355 : i32
          %broadcast_in_dim3A_357 = vector.broadcast %sub3A_356 : i32 to vector<16xi32>
          %broadcast_in_dim3A_358 = vector.broadcast %get3A_249 : i32 to vector<16xi32>
          %parallel_loop3A_359 = arith.constant 0 : i32
          %parallel_loop3A_360 = arith.constant 1 : i32
          %parallel_loop3A_361 = arith.constant 0 : i32
          %parallel_loop3A_362 = scf.for %parallel_loop3A_406 = %parallel_loop3A_359 to %select_n3A_354 step %parallel_loop3A_360 iter_args(%parallel_loop3A_407 = %parallel_loop3A_361) -> (i32)  : i32 {
            %parallel_loop3A_408 = arith.constant 16 : i32
            %parallel_loop3A_409 = arith.muli %parallel_loop3A_406, %parallel_loop3A_408 : i32
            %parallel_loop3A_410 = arith.index_cast %parallel_loop3A_409 : i32 to index
            %parallel_loop3A_411 = tpu.vector_load %arg9[%parallel_loop3A_410] {strides = array<i32>} : memref<4112xi32, #tpu.memory_space<vmem>>, vector<16xi32>,
            %parallel_loop3A_412 = arith.shrsi %parallel_loop3A_411, %broadcast_in_dim3A_358 : vector<16xi32>
            %parallel_loop3A_413 = arith.constant 255 : i32
            %parallel_loop3A_414 = vector.broadcast %parallel_loop3A_413 : i32 to vector<16xi32>
            %parallel_loop3A_415 = arith.andi %parallel_loop3A_412, %parallel_loop3A_414 : vector<16xi32>
            %parallel_loop3A_416 = vector.broadcast %scan3A_261 : i32 to vector<16xi32>
            %parallel_loop3A_417 = arith.cmpi eq, %parallel_loop3A_415, %parallel_loop3A_416 : vector<16xi32>
            %parallel_loop3A_418 = arith.constant 16 : i32
            %parallel_loop3A_419 = arith.muli %parallel_loop3A_406, %parallel_loop3A_418 : i32
            %parallel_loop3A_420 = vector.broadcast %parallel_loop3A_419 : i32 to vector<16xi32>
            %parallel_loop3A_421 = arith.addi %iota3A, %parallel_loop3A_420 : vector<16xi32>
            %parallel_loop3A_422 = vector.broadcast %get3A_243 : i32 to vector<16xi32>
            %parallel_loop3A_423 = arith.cmpi slt, %parallel_loop3A_421, %parallel_loop3A_422 : vector<16xi32>
            %parallel_loop3A_424 = arith.andi %parallel_loop3A_417, %parallel_loop3A_423 : vector<16xi1>
            %parallel_loop3A_425 = arith.index_cast %parallel_loop3A_407 : i32 to index
            %parallel_loop3A_426 = tpu.vector_load %arg8[%parallel_loop3A_425] masked %parallel_loop3A_424 {strides = array<i32>} : memref<4112xi32, #tpu.memory_space<vmem>>, vector<16xi32>, vector<16xi1>
            tpu.vector_store %arg8[%parallel_loop3A_425], %parallel_loop3A_411 masked %parallel_loop3A_424 {strides = array<i32>} : memref<4112xi32, #tpu.memory_space<vmem>>, vector<16xi32>, vector<16xi1>
            %parallel_loop3A_427 = tpu.all_reduce %parallel_loop3A_424 {dim = 0 : i64, kind = #tpu.reduction_kind<sum>} : vector<16xi1> -> vector<16xi32>
            %parallel_loop3A_428 = vector.extract_strided_slice %parallel_loop3A_427 {offsets = [0], sizes = [1], strides = [1]} : vector<16xi32> to vector<1xi32>
            %parallel_loop3A_429 = vector.extract %parallel_loop3A_428[0] : i32 from vector<1xi32>
            %parallel_loop3A_430 = arith.addi %parallel_loop3A_407, %parallel_loop3A_429 : i32
            scf.yield %parallel_loop3A_430 : i32
          } {sc.loop_unroll_factor = 4 : i64, sc.parallel_access}
          %get3A_363 = arith.constant 0 : index
          %get3A_364 = tpu.vector_load %arg8[%get3A_363] {strides = array<i32>} : memref<4112xi32, #tpu.memory_space<vmem>>, vector<16xi32>,
          %lt3A_365 = vector.broadcast %sub3A_287 : i32 to vector<16xi32>
          %lt3A_366 = arith.cmpi slt, %iota3A, %lt3A_365 : vector<16xi32>
          %masked_sort3A = arith.constant -2147483648 : i32
          %masked_sort3A_367 = vector.broadcast %masked_sort3A : i32 to vector<16xi32>
          %masked_sort3A_368 = arith.xori %get3A_364, %masked_sort3A_367 : vector<16xi32>
          %masked_sort3A_369, %masked_sort3A_370, %masked_sort3A_371 = tpu.sort %masked_sort3A_368, %get3A_364 masked %lt3A_366 {descending = true} : (vector<16xi32>, vector<16xi32>, vector<16xi1>) -> (vector<16xi1>, vector<16xi32>, vector<16xi32>)
          %masked_sort3A_372 = arith.xori %masked_sort3A_370, %masked_sort3A_367 : vector<16xi32>
          %swap3A_373 = arith.constant 0 : index
          %swap3A_374 = tpu.vector_load %arg8[%swap3A_373] {strides = array<i32>} : memref<4112xi32, #tpu.memory_space<vmem>>, vector<16xi32>,
          tpu.vector_store %arg8[%swap3A_373], %masked_sort3A_372 {strides = array<i32>} : memref<4112xi32, #tpu.memory_space<vmem>>, vector<16xi32>,
          %sub3A_375 = arith.constant 1 : i32
          %sub3A_376 = arith.subi %sub3A_288, %sub3A_375 : i32
          %get3A_377 = arith.index_cast %sub3A_376 : i32 to index
          %get3A_378 = tpu.vector_load %arg8[%get3A_377] {strides = array<i32>} : memref<4112xi32, #tpu.memory_space<vmem>>, vector<16xi32>,
          %slice3A = vector.extract_strided_slice %get3A_378 {offsets = [0], sizes = [1], strides = [1]} : vector<16xi32> to vector<1xi32>
          %squeeze3A = vector.extract %slice3A[0] : i32 from vector<1xi32>
          %gt3A_379 = vector.broadcast %squeeze3A : i32 to vector<16xi32>
          %gt3A_380 = arith.cmpi sgt, %get3A_364, %gt3A_379 : vector<16xi32>
          %and3A_381 = arith.andi %lt3A_366, %gt3A_380 : vector<16xi1>
          %jit3A_382 = arith.constant 1 : i32
          %jit3A_383 = arith.constant 0 : i32
          %broadcast_in_dim3A_384 = vector.broadcast %jit3A_382 : i32 to vector<16xi32>
          %broadcast_in_dim3A_385 = vector.broadcast %jit3A_383 : i32 to vector<16xi32>
          %select_n3A_386 = arith.select %and3A_381, %broadcast_in_dim3A_384, %broadcast_in_dim3A_385 : vector<16xi1>, vector<16xi32>
          %reduce_sum3A_387 = arith.constant true
          %reduce_sum3A_388 = vector.broadcast %reduce_sum3A_387 : i1 to vector<16xi1>
          %reduce_sum3A_389 = tpu.scan <sum>, %select_n3A_386 masked %reduce_sum3A_388 : vector<16xi32>, vector<16xi1> -> vector<16xi32>
          %reduce_sum3A_390 = vector.extract %reduce_sum3A_389[15] : i32 from vector<16xi32>
          %sub3A_391 = arith.subi %sub3A_288, %reduce_sum3A_390 : i32
          %swap3A_392 = arith.constant 1 : i32
          %swap3A_393 = arith.index_cast %swap3A_392 : i32 to index
          %swap3A_394 = memref.load %arg13[%swap3A_393] : memref<8xi32, #tpu.memory_space<smem>>
          memref.store %sub3A_391, %arg13[%swap3A_393] : memref<8xi32, #tpu.memory_space<smem>>
          %swap3A_395 = arith.constant 2 : i32
          %swap3A_396 = arith.index_cast %swap3A_395 : i32 to index
          %swap3A_397 = memref.load %arg13[%swap3A_396] : memref<8xi32, #tpu.memory_space<smem>>
          memref.store %squeeze3A, %arg13[%swap3A_396] : memref<8xi32, #tpu.memory_space<smem>>
          %swap3A_398 = arith.constant 0 : i32
          %swap3A_399 = arith.constant 3 : i32
          %swap3A_400 = arith.index_cast %swap3A_399 : i32 to index
          %swap3A_401 = memref.load %arg13[%swap3A_400] : memref<8xi32, #tpu.memory_space<smem>>
          memref.store %swap3A_398, %arg13[%swap3A_400] : memref<8xi32, #tpu.memory_space<smem>>
          %swap3A_402 = arith.constant 1 : i32
          %swap3A_403 = arith.constant 4 : i32
          %swap3A_404 = arith.index_cast %swap3A_403 : i32 to index
          %swap3A_405 = memref.load %arg13[%swap3A_404] : memref<8xi32, #tpu.memory_space<smem>>
          memref.store %swap3A_402, %arg13[%swap3A_404] : memref<8xi32, #tpu.memory_space<smem>>
        } else {
        }
        %not3A_319 = arith.constant true
        %not3A_320 = arith.xori %or3A_300, %not3A_319 : i1
        %gt3A_321 = arith.constant 16 : i32
        %gt3A_322 = arith.cmpi sgt, %sub3A_287, %gt3A_321 : i32
        %and3A_323 = arith.andi %not3A_320, %gt3A_322 : i1
        %convert_element_type3A_324 = arith.extui %and3A_323 : i1 to i32
        %cond3A_325 = arith.constant 0 : i32
        %cond3A_326 = arith.cmpi ne, %convert_element_type3A_324, %cond3A_325 : i32
        scf.if %cond3A_326 {
          %add3A_330 = arith.constant 16 : i32
          %add3A_331 = arith.addi %get3A_243, %add3A_330 : i32
          %sub3A_332 = arith.constant 1 : i32
          %sub3A_333 = arith.subi %add3A_331, %sub3A_332 : i32
          %jit3A_334 = arith.constant 16 : i32
          %div3A = arith.divsi %sub3A_333, %jit3A_334 : i32
          %sign3A = arith.constant 0 : i32
          %sign3A_335 = arith.cmpi sgt, %sub3A_333, %sign3A : i32
          %sign3A_336 = arith.extui %sign3A_335 : i1 to i32
          %sign3A_337 = arith.constant 0 : i32
          %sign3A_338 = arith.cmpi slt, %sub3A_333, %sign3A_337 : i32
          %sign3A_339 = arith.extui %sign3A_338 : i1 to i32
          %sign3A_340 = arith.subi %sign3A_336, %sign3A_339 : i32
          %sign3A_341 = arith.constant 0 : i32
          %sign3A_342 = arith.cmpi sgt, %jit3A_334, %sign3A_341 : i32
          %sign3A_343 = arith.extui %sign3A_342 : i1 to i32
          %sign3A_344 = arith.constant 0 : i32
          %sign3A_345 = arith.cmpi slt, %jit3A_334, %sign3A_344 : i32
          %sign3A_346 = arith.extui %sign3A_345 : i1 to i32
          %sign3A_347 = arith.subi %sign3A_343, %sign3A_346 : i32
          %ne3A_348 = arith.cmpi ne, %sign3A_340, %sign3A_347 : i32
          %rem3A = arith.remsi %sub3A_333, %jit3A_334 : i32
          %ne3A_349 = arith.constant 0 : i32
          %ne3A_350 = arith.cmpi ne, %rem3A, %ne3A_349 : i32
          %and3A_351 = arith.andi %ne3A_348, %ne3A_350 : i1
          %sub3A_352 = arith.constant 1 : i32
          %sub3A_353 = arith.subi %div3A, %sub3A_352 : i32
          %select_n3A_354 = arith.select %and3A_351, %sub3A_353, %div3A : i32
          %sub3A_355 = arith.constant 8 : i32
          %sub3A_356 = arith.subi %get3A_249, %sub3A_355 : i32
          %broadcast_in_dim3A_357 = vector.broadcast %sub3A_356 : i32 to vector<16xi32>
          %broadcast_in_dim3A_358 = vector.broadcast %get3A_249 : i32 to vector<16xi32>
          %parallel_loop3A_359 = arith.constant 0 : i32
          %parallel_loop3A_360 = arith.constant 1 : i32
          %parallel_loop3A_361 = arith.constant 0 : i32
          %parallel_loop3A_362 = scf.for %parallel_loop3A_366 = %parallel_loop3A_359 to %select_n3A_354 step %parallel_loop3A_360 iter_args(%parallel_loop3A_367 = %parallel_loop3A_361) -> (i32)  : i32 {
            %parallel_loop3A_368 = arith.constant 16 : i32
            %parallel_loop3A_369 = arith.muli %parallel_loop3A_366, %parallel_loop3A_368 : i32
            %parallel_loop3A_370 = arith.index_cast %parallel_loop3A_369 : i32 to index
            %parallel_loop3A_371 = tpu.vector_load %arg9[%parallel_loop3A_370] {strides = array<i32>} : memref<4112xi32, #tpu.memory_space<vmem>>, vector<16xi32>,
            %parallel_loop3A_372 = arith.shrsi %parallel_loop3A_371, %broadcast_in_dim3A_358 : vector<16xi32>
            %parallel_loop3A_373 = arith.constant 255 : i32
            %parallel_loop3A_374 = vector.broadcast %parallel_loop3A_373 : i32 to vector<16xi32>
            %parallel_loop3A_375 = arith.andi %parallel_loop3A_372, %parallel_loop3A_374 : vector<16xi32>
            %parallel_loop3A_376 = vector.broadcast %scan3A_261 : i32 to vector<16xi32>
            %parallel_loop3A_377 = arith.cmpi eq, %parallel_loop3A_375, %parallel_loop3A_376 : vector<16xi32>
            %parallel_loop3A_378 = arith.constant 16 : i32
            %parallel_loop3A_379 = arith.muli %parallel_loop3A_366, %parallel_loop3A_378 : i32
            %parallel_loop3A_380 = vector.broadcast %parallel_loop3A_379 : i32 to vector<16xi32>
            %parallel_loop3A_381 = arith.addi %iota3A, %parallel_loop3A_380 : vector<16xi32>
            %parallel_loop3A_382 = vector.broadcast %get3A_243 : i32 to vector<16xi32>
            %parallel_loop3A_383 = arith.cmpi slt, %parallel_loop3A_381, %parallel_loop3A_382 : vector<16xi32>
            %parallel_loop3A_384 = arith.andi %parallel_loop3A_377, %parallel_loop3A_383 : vector<16xi1>
            %parallel_loop3A_385 = arith.index_cast %parallel_loop3A_367 : i32 to index
            %parallel_loop3A_386 = tpu.vector_load %arg8[%parallel_loop3A_385] masked %parallel_loop3A_384 {strides = array<i32>} : memref<4112xi32, #tpu.memory_space<vmem>>, vector<16xi32>, vector<16xi1>
            tpu.vector_store %arg8[%parallel_loop3A_385], %parallel_loop3A_371 masked %parallel_loop3A_384 {strides = array<i32>} : memref<4112xi32, #tpu.memory_space<vmem>>, vector<16xi32>, vector<16xi1>
            %parallel_loop3A_387 = arith.shrsi %parallel_loop3A_371, %broadcast_in_dim3A_357 : vector<16xi32>
            %parallel_loop3A_388 = arith.constant 255 : i32
            %parallel_loop3A_389 = vector.broadcast %parallel_loop3A_388 : i32 to vector<16xi32>
            %parallel_loop3A_390 = arith.andi %parallel_loop3A_387, %parallel_loop3A_389 : vector<16xi32>
            %parallel_loop3A_391 = arith.constant 16 : i32
            %parallel_loop3A_392 = vector.broadcast %parallel_loop3A_391 : i32 to vector<16xi32>
            %parallel_loop3A_393 = arith.muli %parallel_loop3A_390, %parallel_loop3A_392 : vector<16xi32>
            %parallel_loop3A_394 = arith.addi %parallel_loop3A_393, %iota3A : vector<16xi32>
            tpu.vector_store_idx %arg10[%parallel_loop3A_394], %broadcast_in_dim3A_71 masked %parallel_loop3A_384 {add = true} : memref<4096xi32, #tpu.memory_space<vmem>>[vector<16xi32>], vector<16xi32>, vector<16xi1>
            %parallel_loop3A_395 = tpu.all_reduce %parallel_loop3A_384 {dim = 0 : i64, kind = #tpu.reduction_kind<sum>} : vector<16xi1> -> vector<16xi32>
            %parallel_loop3A_396 = vector.extract_strided_slice %parallel_loop3A_395 {offsets = [0], sizes = [1], strides = [1]} : vector<16xi32> to vector<1xi32>
            %parallel_loop3A_397 = vector.extract %parallel_loop3A_396[0] : i32 from vector<1xi32>
            %parallel_loop3A_398 = arith.addi %parallel_loop3A_367, %parallel_loop3A_397 : i32
            scf.yield %parallel_loop3A_398 : i32
          } {sc.loop_unroll_factor = 4 : i64, sc.parallel_access}
          %swap3A_363 = arith.constant 0 : i32
          %swap3A_364 = arith.index_cast %swap3A_363 : i32 to index
          %swap3A_365 = memref.load %arg13[%swap3A_364] : memref<8xi32, #tpu.memory_space<smem>>
          memref.store %parallel_loop3A_362, %arg13[%swap3A_364] : memref<8xi32, #tpu.memory_space<smem>>
        } else {
        }
        %convert_element_type3A_327 = arith.extui %or3A_300 : i1 to i32
        %cond3A_328 = arith.constant 0 : i32
        %cond3A_329 = arith.cmpi ne, %convert_element_type3A_327, %cond3A_328 : i32
        scf.if %cond3A_329 {
          %swap3A_330 = arith.constant 1 : i32
          %swap3A_331 = arith.constant 4 : i32
          %swap3A_332 = arith.index_cast %swap3A_331 : i32 to index
          %swap3A_333 = memref.load %arg13[%swap3A_332] : memref<8xi32, #tpu.memory_space<smem>>
          memref.store %swap3A_330, %arg13[%swap3A_332] : memref<8xi32, #tpu.memory_space<smem>>
        } else {
        }
      } else {
      }
      %get3A_211 = arith.constant 4 : i32
      %get3A_212 = arith.index_cast %get3A_211 : i32 to index
      %get3A_213 = memref.load %arg13[%get3A_212] : memref<8xi32, #tpu.memory_space<smem>>
      %eq3A_214 = arith.constant 0 : i32
      %eq3A_215 = arith.cmpi eq, %get3A_213, %eq3A_214 : i32
      %convert_element_type3A_216 = arith.extui %eq3A_215 : i1 to i32
      %cond3A_217 = arith.constant 0 : i32
      %cond3A_218 = arith.cmpi ne, %convert_element_type3A_216, %cond3A_217 : i32
      scf.if %cond3A_218 {
        %get3A_241 = arith.constant 0 : i32
        %get3A_242 = arith.index_cast %get3A_241 : i32 to index
        %get3A_243 = memref.load %arg13[%get3A_242] : memref<8xi32, #tpu.memory_space<smem>>
        %get3A_244 = arith.constant 1 : i32
        %get3A_245 = arith.index_cast %get3A_244 : i32 to index
        %get3A_246 = memref.load %arg13[%get3A_245] : memref<8xi32, #tpu.memory_space<smem>>
        %get3A_247 = arith.constant 3 : i32
        %get3A_248 = arith.index_cast %get3A_247 : i32 to index
        %get3A_249 = memref.load %arg13[%get3A_248] : memref<8xi32, #tpu.memory_space<smem>>
        %broadcast_in_dim3A_250 = arith.constant 0 : i32
        %broadcast_in_dim3A_251 = vector.broadcast %broadcast_in_dim3A_250 : i32 to vector<16xi32>
        %parallel_loop3A_252 = arith.constant 0 : i32
        %parallel_loop3A_253 = arith.constant 256 : i32
        %parallel_loop3A_254 = arith.constant 1 : i32
        %parallel_loop3A_255 = scf.for %parallel_loop3A_322 = %parallel_loop3A_252 to %parallel_loop3A_253 step %parallel_loop3A_254 iter_args(%parallel_loop3A_323 = %broadcast_in_dim3A_251) -> (vector<16xi32>)  : i32 {
          %parallel_loop3A_324 = arith.constant 255 : i32
          %parallel_loop3A_325 = arith.subi %parallel_loop3A_324, %parallel_loop3A_322 : i32
          %parallel_loop3A_326 = arith.constant 16 : i32
          %parallel_loop3A_327 = arith.muli %parallel_loop3A_325, %parallel_loop3A_326 : i32
          %parallel_loop3A_328 = arith.index_cast %parallel_loop3A_327 : i32 to index
          %parallel_loop3A_329 = tpu.vector_load %arg10[%parallel_loop3A_328] {strides = array<i32>} : memref<4096xi32, #tpu.memory_space<vmem>>, vector<16xi32>,
          %parallel_loop3A_330 = arith.addi %parallel_loop3A_323, %parallel_loop3A_329 : vector<16xi32>
          %parallel_loop3A_331 = arith.constant 16 : i32
          %parallel_loop3A_332 = arith.muli %parallel_loop3A_325, %parallel_loop3A_331 : i32
          %parallel_loop3A_333 = arith.index_cast %parallel_loop3A_332 : i32 to index
          %parallel_loop3A_334 = tpu.vector_load %arg11[%parallel_loop3A_333] {strides = array<i32>} : memref<4096xi32, #tpu.memory_space<vmem>>, vector<16xi32>,
          tpu.vector_store %arg11[%parallel_loop3A_333], %parallel_loop3A_330 {strides = array<i32>} : memref<4096xi32, #tpu.memory_space<vmem>>, vector<16xi32>,
          %parallel_loop3A_335 = arith.constant 16 : i32
          %parallel_loop3A_336 = arith.muli %parallel_loop3A_325, %parallel_loop3A_335 : i32
          %parallel_loop3A_337 = arith.index_cast %parallel_loop3A_336 : i32 to index
          %parallel_loop3A_338 = tpu.vector_load %arg10[%parallel_loop3A_337] {strides = array<i32>} : memref<4096xi32, #tpu.memory_space<vmem>>, vector<16xi32>,
          tpu.vector_store %arg10[%parallel_loop3A_337], %broadcast_in_dim3A_251 {strides = array<i32>} : memref<4096xi32, #tpu.memory_space<vmem>>, vector<16xi32>,
          scf.yield %parallel_loop3A_330 : vector<16xi32>
        } {sc.loop_unroll_factor = 4 : i64, sc.parallel_access}
        %scan3A_256 = arith.constant 0 : i32
        %scan3A_257 = arith.constant 0 : i32
        %scan3A_258 = arith.constant 8 : i32
        %scan3A_259 = arith.addi %scan3A_257, %scan3A_258 : i32
        %scan3A_260 = arith.constant 1 : i32
        %scan3A_261 = scf.for %scan3A_322 = %scan3A_257 to %scan3A_259 step %scan3A_260 iter_args(%scan3A_323 = %scan3A_256) -> (i32)  : i32 {
          %shift_right_arithmetic3A = arith.constant 128 : i32
          %shift_right_arithmetic3A_324 = arith.shrsi %shift_right_arithmetic3A, %scan3A_322 : i32
          %add3A_325 = arith.addi %scan3A_323, %shift_right_arithmetic3A_324 : i32
          %lt3A_326 = arith.constant 256 : i32
          %lt3A_327 = arith.cmpi slt, %add3A_325, %lt3A_326 : i32
          %min3A_328 = arith.constant 255 : i32
          %min3A_329 = arith.minsi %add3A_325, %min3A_328 : i32
          %mul3A_330 = arith.constant 16 : i32
          %mul3A_331 = arith.muli %min3A_329, %mul3A_330 : i32
          %get3A_332 = arith.index_cast %mul3A_331 : i32 to index
          %get3A_333 = tpu.vector_load %arg11[%get3A_332] {strides = array<i32>} : memref<4096xi32, #tpu.memory_space<vmem>>, vector<16xi32>,
          %reduce_sum3A_334 = arith.constant true
          %reduce_sum3A_335 = vector.broadcast %reduce_sum3A_334 : i1 to vector<16xi1>
          %reduce_sum3A_336 = tpu.scan <sum>, %get3A_333 masked %reduce_sum3A_335 : vector<16xi32>, vector<16xi1> -> vector<16xi32>
          %reduce_sum3A_337 = vector.extract %reduce_sum3A_336[15] : i32 from vector<16xi32>
          %jit3A_338 = arith.constant 0 : i32
          %select_n3A_339 = arith.select %lt3A_327, %reduce_sum3A_337, %jit3A_338 : i32
          %ge3A = arith.cmpi sge, %select_n3A_339, %get3A_246 : i32
          %select_n3A_340 = arith.select %ge3A, %add3A_325, %scan3A_323 : i32
          scf.yield %select_n3A_340 : i32
        }
        %scan3A_262 = arith.constant 8 : i32
        %mul3A_263 = arith.constant 16 : i32
        %mul3A_264 = arith.muli %scan3A_261, %mul3A_263 : i32
        %get3A_265 = arith.index_cast %mul3A_264 : i32 to index
        %get3A_266 = tpu.vector_load %arg11[%get3A_265] {strides = array<i32>} : memref<4096xi32, #tpu.memory_space<vmem>>, vector<16xi32>,
        %reduce_sum3A_267 = arith.constant true
        %reduce_sum3A_268 = vector.broadcast %reduce_sum3A_267 : i1 to vector<16xi1>
        %reduce_sum3A_269 = tpu.scan <sum>, %get3A_266 masked %reduce_sum3A_268 : vector<16xi32>, vector<16xi1> -> vector<16xi32>
        %reduce_sum3A_270 = vector.extract %reduce_sum3A_269[15] : i32 from vector<16xi32>
        %lt3A_271 = arith.constant 255 : i32
        %lt3A_272 = arith.cmpi slt, %scan3A_261, %lt3A_271 : i32
        %add3A_273 = arith.constant 1 : i32
        %add3A_274 = arith.addi %scan3A_261, %add3A_273 : i32
        %min3A_275 = arith.constant 255 : i32
        %min3A_276 = arith.minsi %add3A_274, %min3A_275 : i32
        %mul3A_277 = arith.constant 16 : i32
        %mul3A_278 = arith.muli %min3A_276, %mul3A_277 : i32
        %get3A_279 = arith.index_cast %mul3A_278 : i32 to index
        %get3A_280 = tpu.vector_load %arg11[%get3A_279] {strides = array<i32>} : memref<4096xi32, #tpu.memory_space<vmem>>, vector<16xi32>,
        %reduce_sum3A_281 = arith.constant true
        %reduce_sum3A_282 = vector.broadcast %reduce_sum3A_281 : i1 to vector<16xi1>
        %reduce_sum3A_283 = tpu.scan <sum>, %get3A_280 masked %reduce_sum3A_282 : vector<16xi32>, vector<16xi1> -> vector<16xi32>
        %reduce_sum3A_284 = vector.extract %reduce_sum3A_283[15] : i32 from vector<16xi32>
        %jit3A_285 = arith.constant 0 : i32
        %select_n3A_286 = arith.select %lt3A_272, %reduce_sum3A_284, %jit3A_285 : i32
        %sub3A_287 = arith.subi %reduce_sum3A_270, %select_n3A_286 : i32
        %sub3A_288 = arith.subi %get3A_246, %select_n3A_286 : i32
        %get3A_289 = arith.constant 2 : i32
        %get3A_290 = arith.index_cast %get3A_289 : i32 to index
        %get3A_291 = memref.load %arg13[%get3A_290] : memref<8xi32, #tpu.memory_space<smem>>
        %mul3A_292 = arith.constant 256 : i32
        %mul3A_293 = arith.muli %get3A_291, %mul3A_292 : i32
        %add3A_294 = arith.addi %mul3A_293, %scan3A_261 : i32
        %sub3A_295 = arith.constant 8 : i32
        %sub3A_296 = arith.subi %get3A_249, %sub3A_295 : i32
        %eq3A_297 = arith.cmpi eq, %sub3A_288, %sub3A_287 : i32
        %lt3A_298 = arith.constant 0 : i32
        %lt3A_299 = arith.cmpi slt, %sub3A_296, %lt3A_298 : i32
        %or3A_300 = arith.ori %eq3A_297, %lt3A_299 : i1
        %swap3A_301 = arith.constant 1 : i32
        %swap3A_302 = arith.index_cast %swap3A_301 : i32 to index
        %swap3A_303 = memref.load %arg13[%swap3A_302] : memref<8xi32, #tpu.memory_space<smem>>
        memref.store %sub3A_288, %arg13[%swap3A_302] : memref<8xi32, #tpu.memory_space<smem>>
        %swap3A_304 = arith.constant 2 : i32
        %swap3A_305 = arith.index_cast %swap3A_304 : i32 to index
        %swap3A_306 = memref.load %arg13[%swap3A_305] : memref<8xi32, #tpu.memory_space<smem>>
        memref.store %add3A_294, %arg13[%swap3A_305] : memref<8xi32, #tpu.memory_space<smem>>
        %select_n3A_307 = arith.select %or3A_300, %get3A_249, %sub3A_296 : i32
        %swap3A_308 = arith.constant 3 : i32
        %swap3A_309 = arith.index_cast %swap3A_308 : i32 to index
        %swap3A_310 = memref.load %arg13[%swap3A_309] : memref<8xi32, #tpu.memory_space<smem>>
        memref.store %select_n3A_307, %arg13[%swap3A_309] : memref<8xi32, #tpu.memory_space<smem>>
        %not3A_311 = arith.constant true
        %not3A_312 = arith.xori %or3A_300, %not3A_311 : i1
        %le3A_313 = arith.constant 16 : i32
        %le3A_314 = arith.cmpi sle, %sub3A_287, %le3A_313 : i32
        %and3A_315 = arith.andi %not3A_312, %le3A_314 : i1
        %convert_element_type3A_316 = arith.extui %and3A_315 : i1 to i32
        %cond3A_317 = arith.constant 0 : i32
        %cond3A_318 = arith.cmpi ne, %convert_element_type3A_316, %cond3A_317 : i32
        scf.if %cond3A_318 {
          %add3A_322 = arith.constant 16 : i32
          %add3A_323 = arith.addi %get3A_243, %add3A_322 : i32
          %sub3A_324 = arith.constant 1 : i32
          %sub3A_325 = arith.subi %add3A_323, %sub3A_324 : i32
          %jit3A_326 = arith.constant 16 : i32
          %div3A = arith.divsi %sub3A_325, %jit3A_326 : i32
          %sign3A = arith.constant 0 : i32
          %sign3A_327 = arith.cmpi sgt, %sub3A_325, %sign3A : i32
          %sign3A_328 = arith.extui %sign3A_327 : i1 to i32
          %sign3A_329 = arith.constant 0 : i32
          %sign3A_330 = arith.cmpi slt, %sub3A_325, %sign3A_329 : i32
          %sign3A_331 = arith.extui %sign3A_330 : i1 to i32
          %sign3A_332 = arith.subi %sign3A_328, %sign3A_331 : i32
          %sign3A_333 = arith.constant 0 : i32
          %sign3A_334 = arith.cmpi sgt, %jit3A_326, %sign3A_333 : i32
          %sign3A_335 = arith.extui %sign3A_334 : i1 to i32
          %sign3A_336 = arith.constant 0 : i32
          %sign3A_337 = arith.cmpi slt, %jit3A_326, %sign3A_336 : i32
          %sign3A_338 = arith.extui %sign3A_337 : i1 to i32
          %sign3A_339 = arith.subi %sign3A_335, %sign3A_338 : i32
          %ne3A_340 = arith.cmpi ne, %sign3A_332, %sign3A_339 : i32
          %rem3A = arith.remsi %sub3A_325, %jit3A_326 : i32
          %ne3A_341 = arith.constant 0 : i32
          %ne3A_342 = arith.cmpi ne, %rem3A, %ne3A_341 : i32
          %and3A_343 = arith.andi %ne3A_340, %ne3A_342 : i1
          %sub3A_344 = arith.constant 1 : i32
          %sub3A_345 = arith.subi %div3A, %sub3A_344 : i32
          %select_n3A_346 = arith.select %and3A_343, %sub3A_345, %div3A : i32
          %sub3A_347 = arith.constant 8 : i32
          %sub3A_348 = arith.subi %get3A_249, %sub3A_347 : i32
          %broadcast_in_dim3A_349 = vector.broadcast %sub3A_348 : i32 to vector<16xi32>
          %broadcast_in_dim3A_350 = vector.broadcast %get3A_249 : i32 to vector<16xi32>
          %parallel_loop3A_351 = arith.constant 0 : i32
          %parallel_loop3A_352 = arith.constant 1 : i32
          %parallel_loop3A_353 = arith.constant 0 : i32
          %parallel_loop3A_354 = scf.for %parallel_loop3A_398 = %parallel_loop3A_351 to %select_n3A_346 step %parallel_loop3A_352 iter_args(%parallel_loop3A_399 = %parallel_loop3A_353) -> (i32)  : i32 {
            %parallel_loop3A_400 = arith.constant 16 : i32
            %parallel_loop3A_401 = arith.muli %parallel_loop3A_398, %parallel_loop3A_400 : i32
            %parallel_loop3A_402 = arith.index_cast %parallel_loop3A_401 : i32 to index
            %parallel_loop3A_403 = tpu.vector_load %arg8[%parallel_loop3A_402] {strides = array<i32>} : memref<4112xi32, #tpu.memory_space<vmem>>, vector<16xi32>,
            %parallel_loop3A_404 = arith.shrsi %parallel_loop3A_403, %broadcast_in_dim3A_350 : vector<16xi32>
            %parallel_loop3A_405 = arith.constant 255 : i32
            %parallel_loop3A_406 = vector.broadcast %parallel_loop3A_405 : i32 to vector<16xi32>
            %parallel_loop3A_407 = arith.andi %parallel_loop3A_404, %parallel_loop3A_406 : vector<16xi32>
            %parallel_loop3A_408 = vector.broadcast %scan3A_261 : i32 to vector<16xi32>
            %parallel_loop3A_409 = arith.cmpi eq, %parallel_loop3A_407, %parallel_loop3A_408 : vector<16xi32>
            %parallel_loop3A_410 = arith.constant 16 : i32
            %parallel_loop3A_411 = arith.muli %parallel_loop3A_398, %parallel_loop3A_410 : i32
            %parallel_loop3A_412 = vector.broadcast %parallel_loop3A_411 : i32 to vector<16xi32>
            %parallel_loop3A_413 = arith.addi %iota3A, %parallel_loop3A_412 : vector<16xi32>
            %parallel_loop3A_414 = vector.broadcast %get3A_243 : i32 to vector<16xi32>
            %parallel_loop3A_415 = arith.cmpi slt, %parallel_loop3A_413, %parallel_loop3A_414 : vector<16xi32>
            %parallel_loop3A_416 = arith.andi %parallel_loop3A_409, %parallel_loop3A_415 : vector<16xi1>
            %parallel_loop3A_417 = arith.index_cast %parallel_loop3A_399 : i32 to index
            %parallel_loop3A_418 = tpu.vector_load %arg9[%parallel_loop3A_417] masked %parallel_loop3A_416 {strides = array<i32>} : memref<4112xi32, #tpu.memory_space<vmem>>, vector<16xi32>, vector<16xi1>
            tpu.vector_store %arg9[%parallel_loop3A_417], %parallel_loop3A_403 masked %parallel_loop3A_416 {strides = array<i32>} : memref<4112xi32, #tpu.memory_space<vmem>>, vector<16xi32>, vector<16xi1>
            %parallel_loop3A_419 = tpu.all_reduce %parallel_loop3A_416 {dim = 0 : i64, kind = #tpu.reduction_kind<sum>} : vector<16xi1> -> vector<16xi32>
            %parallel_loop3A_420 = vector.extract_strided_slice %parallel_loop3A_419 {offsets = [0], sizes = [1], strides = [1]} : vector<16xi32> to vector<1xi32>
            %parallel_loop3A_421 = vector.extract %parallel_loop3A_420[0] : i32 from vector<1xi32>
            %parallel_loop3A_422 = arith.addi %parallel_loop3A_399, %parallel_loop3A_421 : i32
            scf.yield %parallel_loop3A_422 : i32
          } {sc.loop_unroll_factor = 4 : i64, sc.parallel_access}
          %get3A_355 = arith.constant 0 : index
          %get3A_356 = tpu.vector_load %arg9[%get3A_355] {strides = array<i32>} : memref<4112xi32, #tpu.memory_space<vmem>>, vector<16xi32>,
          %lt3A_357 = vector.broadcast %sub3A_287 : i32 to vector<16xi32>
          %lt3A_358 = arith.cmpi slt, %iota3A, %lt3A_357 : vector<16xi32>
          %masked_sort3A = arith.constant -2147483648 : i32
          %masked_sort3A_359 = vector.broadcast %masked_sort3A : i32 to vector<16xi32>
          %masked_sort3A_360 = arith.xori %get3A_356, %masked_sort3A_359 : vector<16xi32>
          %masked_sort3A_361, %masked_sort3A_362, %masked_sort3A_363 = tpu.sort %masked_sort3A_360, %get3A_356 masked %lt3A_358 {descending = true} : (vector<16xi32>, vector<16xi32>, vector<16xi1>) -> (vector<16xi1>, vector<16xi32>, vector<16xi32>)
          %masked_sort3A_364 = arith.xori %masked_sort3A_362, %masked_sort3A_359 : vector<16xi32>
          %swap3A_365 = arith.constant 0 : index
          %swap3A_366 = tpu.vector_load %arg9[%swap3A_365] {strides = array<i32>} : memref<4112xi32, #tpu.memory_space<vmem>>, vector<16xi32>,
          tpu.vector_store %arg9[%swap3A_365], %masked_sort3A_364 {strides = array<i32>} : memref<4112xi32, #tpu.memory_space<vmem>>, vector<16xi32>,
          %sub3A_367 = arith.constant 1 : i32
          %sub3A_368 = arith.subi %sub3A_288, %sub3A_367 : i32
          %get3A_369 = arith.index_cast %sub3A_368 : i32 to index
          %get3A_370 = tpu.vector_load %arg9[%get3A_369] {strides = array<i32>} : memref<4112xi32, #tpu.memory_space<vmem>>, vector<16xi32>,
          %slice3A = vector.extract_strided_slice %get3A_370 {offsets = [0], sizes = [1], strides = [1]} : vector<16xi32> to vector<1xi32>
          %squeeze3A = vector.extract %slice3A[0] : i32 from vector<1xi32>
          %gt3A_371 = vector.broadcast %squeeze3A : i32 to vector<16xi32>
          %gt3A_372 = arith.cmpi sgt, %get3A_356, %gt3A_371 : vector<16xi32>
          %and3A_373 = arith.andi %lt3A_358, %gt3A_372 : vector<16xi1>
          %jit3A_374 = arith.constant 1 : i32
          %jit3A_375 = arith.constant 0 : i32
          %broadcast_in_dim3A_376 = vector.broadcast %jit3A_374 : i32 to vector<16xi32>
          %broadcast_in_dim3A_377 = vector.broadcast %jit3A_375 : i32 to vector<16xi32>
          %select_n3A_378 = arith.select %and3A_373, %broadcast_in_dim3A_376, %broadcast_in_dim3A_377 : vector<16xi1>, vector<16xi32>
          %reduce_sum3A_379 = arith.constant true
          %reduce_sum3A_380 = vector.broadcast %reduce_sum3A_379 : i1 to vector<16xi1>
          %reduce_sum3A_381 = tpu.scan <sum>, %select_n3A_378 masked %reduce_sum3A_380 : vector<16xi32>, vector<16xi1> -> vector<16xi32>
          %reduce_sum3A_382 = vector.extract %reduce_sum3A_381[15] : i32 from vector<16xi32>
          %sub3A_383 = arith.subi %sub3A_288, %reduce_sum3A_382 : i32
          %swap3A_384 = arith.constant 1 : i32
          %swap3A_385 = arith.index_cast %swap3A_384 : i32 to index
          %swap3A_386 = memref.load %arg13[%swap3A_385] : memref<8xi32, #tpu.memory_space<smem>>
          memref.store %sub3A_383, %arg13[%swap3A_385] : memref<8xi32, #tpu.memory_space<smem>>
          %swap3A_387 = arith.constant 2 : i32
          %swap3A_388 = arith.index_cast %swap3A_387 : i32 to index
          %swap3A_389 = memref.load %arg13[%swap3A_388] : memref<8xi32, #tpu.memory_space<smem>>
          memref.store %squeeze3A, %arg13[%swap3A_388] : memref<8xi32, #tpu.memory_space<smem>>
          %swap3A_390 = arith.constant 0 : i32
          %swap3A_391 = arith.constant 3 : i32
          %swap3A_392 = arith.index_cast %swap3A_391 : i32 to index
          %swap3A_393 = memref.load %arg13[%swap3A_392] : memref<8xi32, #tpu.memory_space<smem>>
          memref.store %swap3A_390, %arg13[%swap3A_392] : memref<8xi32, #tpu.memory_space<smem>>
          %swap3A_394 = arith.constant 1 : i32
          %swap3A_395 = arith.constant 4 : i32
          %swap3A_396 = arith.index_cast %swap3A_395 : i32 to index
          %swap3A_397 = memref.load %arg13[%swap3A_396] : memref<8xi32, #tpu.memory_space<smem>>
          memref.store %swap3A_394, %arg13[%swap3A_396] : memref<8xi32, #tpu.memory_space<smem>>
        } else {
        }
        %convert_element_type3A_319 = arith.extui %or3A_300 : i1 to i32
        %cond3A_320 = arith.constant 0 : i32
        %cond3A_321 = arith.cmpi ne, %convert_element_type3A_319, %cond3A_320 : i32
        scf.if %cond3A_321 {
          %swap3A_322 = arith.constant 1 : i32
          %swap3A_323 = arith.constant 4 : i32
          %swap3A_324 = arith.index_cast %swap3A_323 : i32 to index
          %swap3A_325 = memref.load %arg13[%swap3A_324] : memref<8xi32, #tpu.memory_space<smem>>
          memref.store %swap3A_322, %arg13[%swap3A_324] : memref<8xi32, #tpu.memory_space<smem>>
        } else {
        }
      } else {
      }
      %get3A_219 = arith.constant 3 : i32
      %get3A_220 = arith.index_cast %get3A_219 : i32 to index
      %get3A_221 = memref.load %arg13[%get3A_220] : memref<8xi32, #tpu.memory_space<smem>>
      %broadcast_in_dim3A_222 = vector.broadcast %get3A_221 : i32 to vector<16xi32>
      %get3A_223 = arith.constant 2 : i32
      %get3A_224 = arith.index_cast %get3A_223 : i32 to index
      %get3A_225 = memref.load %arg13[%get3A_224] : memref<8xi32, #tpu.memory_space<smem>>
      %get3A_226 = arith.constant 1 : i32
      %get3A_227 = arith.index_cast %get3A_226 : i32 to index
      %get3A_228 = memref.load %arg13[%get3A_227] : memref<8xi32, #tpu.memory_space<smem>>
      %broadcast_in_dim3A_229 = arith.constant 0 : i32
      %broadcast_in_dim3A_230 = vector.broadcast %broadcast_in_dim3A_229 : i32 to vector<16xi32>
      %parallel_loop3A_231 = arith.constant 0 : i32
      %parallel_loop3A_232 = arith.constant 256 : i32
      %parallel_loop3A_233 = arith.constant 1 : i32
      %parallel_loop3A_234 = scf.for %parallel_loop3A_241 = %parallel_loop3A_231 to %parallel_loop3A_232 step %parallel_loop3A_233 iter_args(%parallel_loop3A_242 = %broadcast_in_dim3A_230) -> (vector<16xi32>)  : i32 {
        %parallel_loop3A_243 = arith.constant 16 : i32
        %parallel_loop3A_244 = arith.muli %parallel_loop3A_241, %parallel_loop3A_243 : i32
        %parallel_loop3A_245 = arith.index_cast %parallel_loop3A_244 : i32 to index
        %parallel_loop3A_246 = tpu.vector_load %arg7[%parallel_loop3A_245] {strides = array<i32>} : memref<4096xi32, #tpu.memory_space<vmem>>, vector<16xi32>,
        %parallel_loop3A_247 = arith.shrsi %parallel_loop3A_246, %broadcast_in_dim3A_222 : vector<16xi32>
        %parallel_loop3A_248 = vector.broadcast %get3A_225 : i32 to vector<16xi32>
        %parallel_loop3A_249 = arith.cmpi sgt, %parallel_loop3A_247, %parallel_loop3A_248 : vector<16xi32>
        %parallel_loop3A_250 = vector.broadcast %get3A_225 : i32 to vector<16xi32>
        %parallel_loop3A_251 = arith.cmpi eq, %parallel_loop3A_247, %parallel_loop3A_250 : vector<16xi32>
        %parallel_loop3A_252 = arith.constant 1 : i32
        %parallel_loop3A_253 = arith.constant 0 : i32
        %parallel_loop3A_254 = vector.broadcast %parallel_loop3A_252 : i32 to vector<16xi32>
        %parallel_loop3A_255 = vector.broadcast %parallel_loop3A_253 : i32 to vector<16xi32>
        %parallel_loop3A_256 = arith.select %parallel_loop3A_251, %parallel_loop3A_254, %parallel_loop3A_255 : vector<16xi1>, vector<16xi32>
        %parallel_loop3A_257 = arith.constant true
        %parallel_loop3A_258 = vector.broadcast %parallel_loop3A_257 : i1 to vector<16xi1>
        %parallel_loop3A_259 = tpu.scan <sum>, %parallel_loop3A_256 masked %parallel_loop3A_258 : vector<16xi32>, vector<16xi1> -> vector<16xi32>
        %parallel_loop3A_260 = arith.addi %parallel_loop3A_259, %parallel_loop3A_242 : vector<16xi32>
        %parallel_loop3A_261 = vector.broadcast %get3A_228 : i32 to vector<16xi32>
        %parallel_loop3A_262 = arith.cmpi sle, %parallel_loop3A_260, %parallel_loop3A_261 : vector<16xi32>
        %parallel_loop3A_263 = arith.andi %parallel_loop3A_251, %parallel_loop3A_262 : vector<16xi1>
        %parallel_loop3A_264 = arith.ori %parallel_loop3A_249, %parallel_loop3A_263 : vector<16xi1>
        %parallel_loop3A_265 = arith.constant 1 : i32
        %parallel_loop3A_266 = arith.constant 0 : i32
        %parallel_loop3A_267 = vector.broadcast %parallel_loop3A_265 : i32 to vector<16xi32>
        %parallel_loop3A_268 = vector.broadcast %parallel_loop3A_266 : i32 to vector<16xi32>
        %parallel_loop3A_269 = arith.select %parallel_loop3A_264, %parallel_loop3A_267, %parallel_loop3A_268 : vector<16xi1>, vector<16xi32>
        %parallel_loop3A_270 = arith.constant 16 : i32
        %parallel_loop3A_271 = arith.muli %parallel_loop3A_241, %parallel_loop3A_270 : i32
        %parallel_loop3A_272 = arith.addi %mul3A_70, %parallel_loop3A_271 : i32
        %parallel_loop3A_273 = arith.index_cast %parallel_loop3A_272 : i32 to index
        %parallel_loop3A_274 = tpu.vector_load %arg12[%parallel_loop3A_273] {strides = array<i32>} : memref<8192xi32, #tpu.memory_space<vmem>>, vector<16xi32>,
        tpu.vector_store %arg12[%parallel_loop3A_273], %parallel_loop3A_269 {strides = array<i32>} : memref<8192xi32, #tpu.memory_space<vmem>>, vector<16xi32>,
        %parallel_loop3A_275 = tpu.all_reduce %parallel_loop3A_251 {dim = 0 : i64, kind = #tpu.reduction_kind<sum>} : vector<16xi1> -> vector<16xi32>
        %parallel_loop3A_276 = arith.addi %parallel_loop3A_242, %parallel_loop3A_275 : vector<16xi32>
        scf.yield %parallel_loop3A_276 : vector<16xi32>
      } {sc.loop_unroll_factor = 4 : i64, sc.parallel_access}
      %add3A_235 = arith.addi %mul3A_4, %mul3A_70 : i32
      %dma_start3A_236 = tpu.memref_slice %arg12[%mul3A_70] : memref<8192xi32, #tpu.memory_space<vmem>> -> memref<4096xi32, #tpu.memory_space<vmem>>
      %dma_start3A_237 = tpu.memref_slice %arg4[%add3A_235] : memref<262144xi32, #tpu.memory_space<hbm>> -> memref<4096xi32, #tpu.memory_space<hbm>>
      %dma_start3A_238 = tpu.memref_slice %arg4[%add3A_235] : memref<262144xi32, #tpu.memory_space<hbm>> -> memref<4096xi32, #tpu.memory_space<hbm>>
      %dma_start3A_239 = tpu.memref_slice %arg12[%mul3A_70] : memref<8192xi32, #tpu.memory_space<vmem>> -> memref<4096xi32, #tpu.memory_space<vmem>>
      tpu.enqueue_dma source(%dma_start3A_239 : memref<4096xi32, #tpu.memory_space<vmem>>) target(%dma_start3A_238 : memref<4096xi32, #tpu.memory_space<hbm>>) target_semaphore(%arg16 : memref<!tpu.dma_semaphore, #tpu.memory_space<semaphore_mem>>)
      %scan3A_240 = arith.constant 0 : i32
      scf.yield %scan3A_240 : i32
    }
    %scan3A_50 = arith.constant 2 : i32
    %dma_wait3A_51 = arith.constant 0 : i32
    %dma_wait3A_52 = tpu.memref_slice %arg12[%dma_wait3A_51] : memref<8192xi32, #tpu.memory_space<vmem>> -> memref<4096xi32, #tpu.memory_space<vmem>>
    %dma_wait3A_53 = tpu.memref_slice %arg4[%mul3A_4] : memref<262144xi32, #tpu.memory_space<hbm>> -> memref<4096xi32, #tpu.memory_space<hbm>>
    %dma_wait3A_54 = tpu.memref_slice %arg4[%mul3A_4] : memref<262144xi32, #tpu.memory_space<hbm>> -> memref<4096xi32, #tpu.memory_space<hbm>>
    %dma_wait3A_55 = arith.constant 0 : i32
    %dma_wait3A_56 = tpu.memref_slice %arg12[%dma_wait3A_55] : memref<8192xi32, #tpu.memory_space<vmem>> -> memref<4096xi32, #tpu.memory_space<vmem>>
    tpu.wait_dma2 semaphore(%arg16 : memref<!tpu.dma_semaphore, #tpu.memory_space<semaphore_mem>>) src(%dma_wait3A_56 : memref<4096xi32, #tpu.memory_space<vmem>>) dst(%dma_wait3A_54 : memref<4096xi32, #tpu.memory_space<hbm>>)
    %add3A_57 = arith.constant 4096 : i32
    %add3A_58 = arith.addi %mul3A_4, %add3A_57 : i32
    %dma_wait3A_59 = arith.constant 4096 : i32
    %dma_wait3A_60 = tpu.memref_slice %arg12[%dma_wait3A_59] : memref<8192xi32, #tpu.memory_space<vmem>> -> memref<4096xi32, #tpu.memory_space<vmem>>
    %dma_wait3A_61 = tpu.memref_slice %arg4[%add3A_58] : memref<262144xi32, #tpu.memory_space<hbm>> -> memref<4096xi32, #tpu.memory_space<hbm>>
    %dma_wait3A_62 = tpu.memref_slice %arg4[%add3A_58] : memref<262144xi32, #tpu.memory_space<hbm>> -> memref<4096xi32, #tpu.memory_space<hbm>>
    %dma_wait3A_63 = arith.constant 4096 : i32
    %dma_wait3A_64 = tpu.memref_slice %arg12[%dma_wait3A_63] : memref<8192xi32, #tpu.memory_space<vmem>> -> memref<4096xi32, #tpu.memory_space<vmem>>
    tpu.wait_dma2 semaphore(%arg16 : memref<!tpu.dma_semaphore, #tpu.memory_space<semaphore_mem>>) src(%dma_wait3A_64 : memref<4096xi32, #tpu.memory_space<vmem>>) dst(%dma_wait3A_62 : memref<4096xi32, #tpu.memory_space<hbm>>)
    return
  }
}

</mosaic_0001>

<sc_bundles>
// kernel: kernel.3.cloned.1.call-start
scs
__scs_entry_jumppad:
0x0: {  	(pc) =	sbr.rel $0x88, $3  }
0x1: {  	(tag) =	ssettag $0x0;
	lr =	simm.s32 $0x1  }
0x2: {  	[smem:$0x3F9F] =	sst lr;
	_ =	strace $0xD0000000  }
0x3: {  	_ = 	snop  }
0x4: {  	_ = 	snop  }
0x5: {  	_ = 	snop  }
0x6: {  	_ = 	snop  }
0x7: {  	_ = 	snop  }
__scs_overlays_trampoline_lowered:
0x8: {  	[smem:$0x3FAE] =	sst s0  }
0x9: {  	[smem:$0x3FAF] =	sst s1  }
0xa: {  	[smem:$0x3FB0] =	sst s2  }
0xb: {  	[smem:$0x3FB1] =	sst s3  }
0xc: {  	[smem:$0x3FB2] =	sst s4  }
0xd: {  	[smem:$0x3FB3] =	sst s5  }
0xe: {  	[smem:$0x3FB4] =	sst s6  }
0xf: {  	[smem:$0x3FB5] =	sst s7  }
0x10: {  	[smem:$0x3FB6] =	sst s8  }
0x11: {  	[smem:$0x3FB7] =	sst s9;
	s0 =	simm.s32 @!p0 $0x0  }
0x12: {  	s1 =	sld [smem:$0x3F9D];
	s0 =	simm.s32 @p0 $0x1  }
0x13: {  	[smem:$0x3FB8] =	sst s0;
	s0 =	simm.s32 @!p1 $0x0  }
0x14: {  	s2 =	sld [smem:$0x3F9C];
	s0 =	simm.s32 @p1 $0x1  }
0x15: {  	[smem:$0x3FB9] =	sst s0;
	s0 =	simm.s32 @!p2 $0x0  }
0x16: {  	s3 =	sld [smem:$0x3FDB];
	s0 =	simm.s32 @p2 $0x1  }
0x17: {  	s4 =	simm.s32 $0x1BF5;
	[smem:$0x3FBB] =	sst s0  }
0x18: {  	s0 =	sld [smem:$0x3F9E];
	_ =	swait.ge [sflag:s4], $0x0  }
0x19: {  	s7 =	sld [smem:$0x3F9F]  }
0x1a: {  	s8 =	sadd.s32 $0xFFFFE003, lr  }
0x1b: {  	s9 =	sadd.s32 $0xFFFFFEF7, lr;
	s5 =	simm.s32 $0xFFFFFFFF;
	p2 =	slt.u32 s8, $0xFFFFF086  }
0x1c: {  	p1 =	slt.u32 s9, $0xF7A;
	s5 =	simm.s32 @!p2 $0x0  }
0x1d: {  	s5 =	simm.s32 @p1 $0x1;
	p0 =	seq.s32 s7, s2  }
0x1e: {  	s7 =	smul.u32 @!p0 $0xF7A, s2;
	p2 =	seq.s32 @!p0 s5, $0x0  }
0x1f: {  	s9 =	smul.u32 $0xF7A, s1;
	s8 =	simm.s32 @!p0 $0x1BF5;
	p2 =	por !p2, p0  }
0x20: {  	[sflag:s8] =	ssyncset.s32 @!p0 $0xFFFFF086;
	s6 =	sadd.s32 @!p0 s3, s7;
	s7 =	simm.s32 @!p0 $0x108  }
0x21: {  	s3 =	sadd.s32 s3, s9;
	s6 =	sadd.s32 @!p0 $0x88, s6;
	s7 =	simm.s32 @p2 $0x1082  }
0x22: {  	[simem:s7], [sflag:s8] =	dma.local @!p0 [hbm:s6], $0xF7A  }
0x23: {  	s9 =	sor.u32 $0xD0000000, s2;
	s6 =	simm.s32 $0x108;
	_ =	swait.ge @!p0 [sflag:s8], $0x0  }
0x24: {  	s3 =	sadd.s32 $0x88, s3;
	s6 =	simm.s32 @!p1 $0x1082;
	[sflag:s4] =	ssyncset.s32 $0xFFFFF086  }
0x25: {  	[simem:s6], [sflag:s4] =	dma.local [hbm:s3], $0xF7A  }
0x26: {  	[smem:$0x3F9F] =	sst s1;
	(tag) =	ssettag s2;
	_ =	strace s9  }
0x27: {  	s1 =	sld [smem:$0x3FAF]  }
0x28: {  	s2 =	sld [smem:$0x3FB0]  }
0x29: {  	s4 =	sld [smem:$0x3FB2]  }
0x2a: {  	p0 =	seq.s32 s5, $0x0;
	s5 =	sld [smem:$0x3FB3]  }
0x2b: {  	s6 =	sld [smem:$0x3FB4]  }
0x2c: {  	s7 =	sld [smem:$0x3FB5]  }
0x2d: {  	s3 =	simm.s32 $0x108;
	s8 =	sld [smem:$0x3FB6]  }
0x2e: {  	s3 =	simm.s32 @!p0 $0x1082;
	s9 =	sld [smem:$0x3FB7]  }
0x2f: {  	lr =	sadd.s32 s0, s3;
	s0 =	sld [smem:$0x3FAE]  }
0x30: {  	s3 =	sld [smem:$0x3FB1]  }
0x31: {  	[smem:$0x3FBA] =	sst s10  }
0x32: {  	s10 =	sld [smem:$0x3FB8];
	_ =	sdelay $0x3  }
0x33: {  	p0 =	seq.s32 s10, $0x1;
	s10 =	sld [smem:$0x3FBA];
	_ =	sdelay $0x3  }
0x34: {  	[smem:$0x3FBA] =	sst s10  }
0x35: {  	s10 =	sld [smem:$0x3FB9];
	_ =	sdelay $0x3  }
0x36: {  	p1 =	seq.s32 s10, $0x1;
	s10 =	sld [smem:$0x3FBA];
	_ =	sdelay $0x3  }
0x37: {  	[smem:$0x3FBA] =	sst s10  }
0x38: {  	s10 =	sld [smem:$0x3FBB]  }
0x39: {  	_ = 	snop;
	(pc) =	sbr.ind lr, $3  }
0x3a: {  	_ = 	snop  }
0x3b: {  	_ = 	snop  }
0x3c: {  	p2 =	seq.s32 s10, $0x1;
	s10 =	sld [smem:$0x3FBA]  }
0x3d: {  	_ =	shalt  }
0x3e: {  	_ =	shalt  }
0x3f: {  	_ =	shalt  }
0x40: {  	_ =	shalt  }
0x41: {  	_ =	shalt  }
0x42: {  	_ =	shalt  }
0x43: {  	_ =	shalt  }
0x44: {  	_ =	shalt  }
0x45: {  	_ =	shalt  }
0x46: {  	_ =	shalt  }
0x47: {  	_ =	shalt  }
0x48: {  	_ =	shalt  }
0x49: {  	_ =	shalt  }
0x4a: {  	_ =	shalt  }
0x4b: {  	_ =	shalt  }
0x4c: {  	_ =	shalt  }
0x4d: {  	_ =	shalt  }
0x4e: {  	_ =	shalt  }
0x4f: {  	_ =	shalt  }
0x50: {  	_ =	shalt  }
0x51: {  	_ =	shalt  }
0x52: {  	_ =	shalt  }
0x53: {  	_ =	shalt  }
0x54: {  	_ =	shalt  }
0x55: {  	_ =	shalt  }
0x56: {  	_ =	shalt  }
0x57: {  	_ =	shalt  }
0x58: {  	_ =	shalt  }
0x59: {  	_ =	shalt  }
0x5a: {  	_ =	shalt  }
0x5b: {  	_ =	shalt  }
0x5c: {  	_ =	shalt  }
0x5d: {  	_ =	shalt  }
0x5e: {  	_ =	shalt  }
0x5f: {  	_ =	shalt  }
0x60: {  	_ =	shalt  }
0x61: {  	_ =	shalt  }
0x62: {  	_ =	shalt  }
0x63: {  	_ =	shalt  }
0x64: {  	_ =	shalt  }
0x65: {  	_ =	shalt  }
0x66: {  	_ =	shalt  }
0x67: {  	_ =	shalt  }
0x68: {  	_ =	shalt  }
0x69: {  	_ =	shalt  }
0x6a: {  	_ =	shalt  }
0x6b: {  	_ =	shalt  }
0x6c: {  	_ =	shalt  }
0x6d: {  	_ =	shalt  }
0x6e: {  	_ =	shalt  }
0x6f: {  	_ =	shalt  }
0x70: {  	_ =	shalt  }
0x71: {  	_ =	shalt  }
0x72: {  	_ =	shalt  }
0x73: {  	_ =	shalt  }
0x74: {  	_ =	shalt  }
0x75: {  	_ =	shalt  }
0x76: {  	_ =	shalt  }
0x77: {  	_ =	shalt  }
0x78: {  	_ =	shalt  }
0x79: {  	_ =	shalt  }
0x7a: {  	_ =	shalt  }
0x7b: {  	_ =	shalt  }
0x7c: {  	_ =	shalt  }
0x7d: {  	_ =	shalt  }
0x7e: {  	_ =	shalt  }
0x7f: {  	_ =	shalt  }
0x80: {  	_ =	shalt  }
0x81: {  	_ =	shalt  }
0x82: {  	_ =	shalt  }
0x83: {  	_ =	shalt  }
0x84: {  	_ =	shalt  }
0x85: {  	_ =	shalt  }
0x86: {  	_ =	shalt  }
0x87: {  	_ =	shalt  }
.Lfunc_end0:
.L_simem_size_0:
called_computation_lowered:
.L_overlay_start_0:
0x88: {  	s2 =	sld [smem:$0x3FD9]  }
0x89: {  	s3 =	sld [smem:$0x3FFE];
	_ =	sdelay $0x1  }
0x8a: {  	s1 =	srdreg.scid  }
0x8b: {  	s0 =	sand.u32 $0x1, s1  }
0x8c: {  	s16 =	sshll.u32 s0, $0xA;
	s2 =	sadd.s32 s3, s2  }
0x8d: {  	s2 =	sadd.s32 s2, s16  }
0x8e: {  	[smem:$0x3FC6] =	sst s2  }
0x8f: {  	_ = 	snop  }
0x90: {  	(tm) =	ssettm $0x1  }
0x91: {  	s17 =	sld [smem:$0x3FFB];
	_ =	sdelay $0x3  }
0x92: {  	_ =	strace s17  }
0x93: {  	s2 =	sld [smem:$0x3FFC];
	_ =	sdelay $0x3  }
0x94: {  	_ =	strace s2  }
0x95: {  	s2 =	sld [smem:$0x3FFD];
	_ =	sdelay $0x3  }
0x96: {  	_ =	strace s2  }
0x97: {  	_ =	strace $0x8FFFFFFF  }
0x98: {  	s18 =	sld [smem:$0x3FDB];
	_ =	sdelay $0x1  }
0x99: {  	s19 =	simm.s32 $_scs_section_size  }
0x9a: {  	s4 =	simm.s32 $_size__tile_overlayer_lowered;
	s5 =	simm.s32 $_tile_overlayer_lowered  }
0x9b: {  	s22 =	simm.s32 $0x1BFF;
	s21 =	sshll.u32 s5, $0x1;
	s2 =	sadd.s32 s19, s18  }
0x9c: {  	s6 =	simm.s32 $0x0;
	s20 =	sshll.u32 s4, $0x1;
	s4 =	sadd.s32 s21, s2  }
0x9d: {  	[timem:s6], [sflag:s22] =	dma.local [hbm:s4], s20  }
0x9e: {  	_ =	swait.ge [sflag:s22], s20  }
0x9f: {  	s3 =	ssub.s32 $0x0, s20;
	[sflag:s22] =	ssyncset.done $0x0  }
0xa0: {  	[sflag:s22] =	ssyncadd.s32 s3;
	_ =	sdelay $0x1  }
0xa1: {  	s23 =	simm.s32 $0x1B8B  }
0xa2: {  	_ =	swait.ge [sflag:s23], $0x1  }
0xa3: {  	[sflag:s23] =	ssyncset.done $0x0  }
0xa4: {  	s25 =	simm.s32 $0x1B8E;
	s24 =	sld [smem:$0x3FFE];
	[sflag:s23] =	ssyncadd.s32 $0xFFFFFFFF  }
0xa5: {  	s26 =	simm.s32 $execute0_lowered;
	[smem:$0x3FD2] =	sst s25  }
0xa6: {  	s4 =	sshll.u32 s26, $0x1;
	_ =	strace $0x80000046;
	[dreg:$0x1] =	wrdreg $0xFFFFFFFF  }
0xa7: {  	s28 =	simm.s32 $_size_execute0_lowered;
	s2 =	sadd.s32 s2, s4;
	[dreg:$0x0] =	wrdreg $0x0  }
0xa8: {  	s4 =	sshll.u32 s28, $0x1;
	[dreg:$0x2] =	wrdreg s2  }
0xa9: {  	[dreg:$0x3] =	wrdreg s4  }
0xaa: {  	[dreg:$0x4] =	wrdreg $0xC0  }
0xab: {  	_ =	task [dreg:s6], $0x5FFFF  }
0xac: {  	[dreg:$0x1] =	wrdreg $0xFFFFFFFF  }
0xad: {  	[dreg:$0x0] =	wrdreg $0x60  }
0xae: {  	[dreg:$0x2] =	wrdreg s24  }
0xaf: {  	[dreg:$0x3] =	wrdreg $0x9  }
0xb0: {  	_ =	task.clear_ibuf [dreg:s6], $0x4FFFF;
	_ =	strace $0x90000046  }
0xb1: {  	s29 =	simm.s32 $0x9;
	_ =	strace $0x80000048  }
0xb2: {  	_ =	swait.ge [sflag:s29], $0x1  }
0xb3: {  	[sflag:s29] =	ssyncadd.s32 $0xFFFFFFFF  }
0xb4: {  	_ =	strace $0x90000048  }
0xb5: {  	_ =	sfence  }
0xb6: {  	s30 =	sld [smem:$0x0];
	_ =	sdelay $0x2  }
0xb7: {  	s31 =	sshll.u32 s1, $0xD;
	s1 =	sshrl.u32 s1, $0x2  }
0xb8: {  	s3 =	sand.u32 $0x4000, s31;
	s1 =	sadd.s32 s1, s30  }
0xb9: {  	s0 =	sor.u32 s3, s0;
	s1 =	sshll.u32 s1, $0x11  }
0xba: {  	s0 =	sor.u32 s1, s0  }
0xbb: {  	s0 =	sadd.s32 $0x8F2B, s0  }
0xbc: {  	[sflag:s0] =	ssyncadd.remote.s32 $0x1  }
0xbd: {  	_ =	sfence.sel $0xFFFF  }
0xbe: {  	[dreg:$0x0] =	wrdreg $0xFFFFFFFF;
	(pc) =	sbr.abs _section_cstart, $3  }
0xbf: {  	[dreg:$0x1] =	wrdreg $0xFFFFFFFF  }
0xc0: {  	_ =	task.clear_ibuf [dreg:s6], $0x2FFFF;
	_ =	strace $0x9FFFFFFF  }
0xc1: {  	(tm) =	ssettm $0x7FFFFFFF  }
tec
execute0_lowered:
.L_overlay_start_1:
0x0: {  	(tag) =	ssettag $0x1  }
0x1: {  	s4 =	rddreg [dreg:$0x0]  }
0x2: {  	s2 =	simm.s32 $0x0;
	s3 =	srdreg.scid;
	s0 =	stileid.u32  }
0x3: {  	s11 =	simm.s32 $0x1000;
	s12 =	simm.s32 $0x3000;
	s13 =	simm.s32 $0x1  }
0x4: {  	s14 =	simm.s32 $0x7100;
	s15 =	simm.s32 $0x3;
	s16 =	simm.s32 $0x0  }
0x5: {  	[smem:$0x7FF] =	sst s2;
	s3 =	sand.u32 $0x1, s3;
	s5 =	sshll.u32 s0, $0xE  }
0x6: {  	s7 =	sadd.s32 $0x600, s4;
	s9 =	sadd.s32 $0x8600, s4;
	s6 =	sshll.u32 s3, $0xD  }
.Ltmp0:
0x7: {  	s8 =	ssub.s32 $0x2, s3;
	s3 =	sor.u32 s6, s5;
	(pc) =	sbr.rel .LBB2_1-.Ltmp0, $4  }
0x8: {  	s4 =	sadd.s32 $0x10600, s4;
	s30 =	sshrl.u32 s8, $0x1;
	s6 =	sshrl.u32 s3, $0x3  }
0x9: {  	_ =	strace $0x80000047;
	s10 =	ssub.s32 s8, s30;
	s31 =	sor.u32 $0x200, s6  }
0xa: {  	s5 =	sadd.s32 s7, s6;
	s6 =	sadd.s32 s9, s6;
	s7 =	sadd.s32 s7, s31  }
0xb: {  	v0 =	vimm.s32 $0x0;
	v1 =	vimm.s32 $0x1;
	v2 =	vlaneseq.u32;
	s8 =	sadd.s32 s9, s31;
	s9 =	smax.u32 s10, $0x1;
	s10 =	simm.s32 $0x2000  }
.LBB2_93:
0xc: {  	s16 =	sadd.s32 $0x1, s16  }
0xd: {  	_ =	swait.ge [sflag:s15], $0x1000;
	p0 =	sne.s32 s16, s9  }
.Ltmp1:
0xe: {  	[sflag:s15] =	ssyncset.done $0x0;
	(pc) =	sbr.rel @!p0 .LBB2_94-.Ltmp1, $4  }
0xf: {  	[sflag:s15] =	ssyncadd.s32 $0xFFFFF000  }
0x10: {  	_ =	swait.ge [sflag:s15], $0x1000  }
0x11: {  	[sflag:s15] =	ssyncset.done $0x0  }
0x12: {  	[sflag:s15] =	ssyncadd.s32 $0xFFFFF000  }
.LBB2_1:
0x13: {  	[tilespmem:s2], [sflag:$0x1] =	stream.linear.gather [hbm4b:s5+s2], $0x1000, $0x38;
	[tilespmem:$0xB100] =	vst v63  }
0x14: {  	_ = 	snop  }
0x15: {  	[tilespmem:s10], [sflag:$0x1] =	stream.linear.gather [hbm4b:s6+s2], $0x1000, $0x38;
	[tilespmem:$0xB100] =	vst v63  }
0x16: {  	_ = 	snop  }
0x17: {  	[tilespmem:s11], [sflag:$0x2] =	stream.linear.gather [hbm4b:s7+s2], $0x1000, $0x38;
	[tilespmem:$0xB100] =	vst v63  }
0x18: {  	s17 =	simm.s32 $0x7120  }
0x19: {  	[tilespmem:s12], [sflag:$0x2] =	stream.linear.gather [hbm4b:s8+s2], $0x1000, $0x38;
	[tilespmem:$0xB100] =	vst v63  }
0x1a: {  	[tilespmem:s17+$0xFFFFFFE0] =	vst v0  }
0x1b: {  	[tilespmem:s17+$0x10] =	vst v0  }
0x1c: {  	s18 =	simm.s32 $0x0;
	[tilespmem:s17+$0x0] =	vst v0  }
.LBB2_2:
0x1d: {  	s18 =	sadd.s32 $0x4, s18  }
0x1e: {  	[tilespmem:s17+$0xFFFFFFF0] =	vst v0;
	s17 =	sadd.s32 $0x40, s17;
	p0 =	slt.u32 s18, $0xFC  }
.Ltmp2:
0x1f: {  	[tilespmem:s17+$0xFFFFFFE0] =	vst v0;
	(pc) =	sbr.rel @p0 .LBB2_2-.Ltmp2, $3  }
0x20: {  	_ =	sdelay $0x1  }
0x21: {  	[tilespmem:s17+$0x10] =	vst v0  }
0x22: {  	[tilespmem:s17+$0x0] =	vst v0  }
0x23: {  	[tilespmem:s17+$0xFFFFFFF0] =	vst v0  }
0x24: {  	_ =	swait.ge [sflag:s13], $0x1000  }
0x25: {  	[sflag:s13] =	ssyncset.done $0x0  }
0x26: {  	[sflag:s13] =	ssyncadd.s32 $0xFFFFF000  }
0x27: {  	_ =	swait.ge [sflag:s13], $0x1000  }
0x28: {  	s17 =	simm.s32 $0x0;
	[sflag:s13] =	ssyncset.done $0x0  }
0x29: {  	p1 =	por $0x1, $0x1;
	p2 =	por $0x0, $0x0;
	[sflag:s13] =	ssyncadd.s32 $0xFFFFF000  }
.LBB2_4:
0x2a: {  	s18 =	simm.s32 @p2 $0x2  }
0x2b: {  	_ =	swait.ge @p2 [sflag:s18], $0x1000  }
0x2c: {  	[sflag:s18] =	ssyncset.done @p2 $0x0  }
0x2d: {  	[sflag:s18] =	ssyncadd.s32 @p2 $0xFFFFF000  }
0x2e: {  	s19 =	sshll.u32 s17, $0x2;
	_ =	swait.ge @p2 [sflag:s18], $0x1000  }
0x2f: {  	s19 =	sshra.s32 s19, $0x2;
	[sflag:s18] =	ssyncset.done @p2 $0x0  }
0x30: {  	s20 =	sadd.s32 $0x2040, s19;
	[sflag:s18] =	ssyncadd.s32 @p2 $0xFFFFF000  }
0x31: {  	v3 =	vld [tilespmem:s20+$0xFFFFFFC0]  }
0x32: {  	v4 =	vld [tilespmem:s20+$0xFFFFFFD0]  }
0x33: {  	v5 =	vld [tilespmem:s20+$0xFFFFFFE0]  }
0x34: {  	v6 =	vld [tilespmem:s20+$0xFFFFFFF0]  }
0x35: {  	v7 =	vld [tilespmem:s20+$0x0]  }
0x36: {  	v8 =	vld [tilespmem:s20+$0x10]  }
0x37: {  	s30 =	sadd.s32 $0x40, s19;
	v9 =	vld [tilespmem:s20+$0x20]  }
0x38: {  	v10 =	vld [tilespmem:s30+$0xFFFFFFC0]  }
0x39: {  	v11 =	vld [tilespmem:s30+$0xFFFFFFD0]  }
0x3a: {  	v12 =	vld [tilespmem:s30+$0xFFFFFFE0]  }
0x3b: {  	v14 =	vld [tilespmem:s30+$0xFFFFFFF0]  }
0x3c: {  	v15 =	vld [tilespmem:s30+$0x0]  }
0x3d: {  	v13 =	vimm.s32 $0x0;
	v3 =	vadd.s32 $0x1, v3  }
0x3e: {  	s19 =	sadd.s32 $0x80, s30;
	v4 =	vadd.s32 $0x1, v4;
	v5 =	vadd.s32 $0x1, v5;
	v6 =	vadd.s32 $0x1, v6  }
0x3f: {  	v61 =	vld [tilespmem:s19+$0x0];
	v7 =	vadd.s32 $0x1, v7;
	v8 =	vadd.s32 $0x1, v8;
	vm0 =	vne.s32 v10, $0x0  }
0x40: {  	s21 =	sadd.s32 $0x80, s20;
	v16 =	vld [tilespmem:s20+$0x30];
	v9 =	vadd.s32 $0x1, v9;
	vm1 =	vne.s32 v11, $0x0;
	vm2 =	vne.s32 v12, $0x0  }
0x41: {  	v22 =	vld [tilespmem:s21+$0x0];
	vm3 =	vne.s32 v14, $0x0;
	vm4 =	vne.s32 v15, $0x0;
	v17 =	vsel vm0, $0x1, v0  }
0x42: {  	v25 =	vld [tilespmem:s21+$0x10];
	v53 =	vsel vm1, $0x1, v0;
	v54 =	vsel vm2, $0x1, v0;
	v14 =	vsel vm3, $0x1, v0  }
0x43: {  	v10 =	vld [tilespmem:s30+$0x10];
	v3 =	vnsel vm0, $0x0, v3;
	v4 =	vnsel vm1, $0x0, v4;
	v5 =	vnsel vm2, $0x0, v5  }
0x44: {  	v11 =	vld [tilespmem:s30+$0x20];
	v6 =	vnsel vm3, $0x0, v6;
	v7 =	vnsel vm4, $0x0, v7;
	vm2 =	vne.s32 v61, $0x0  }
0x45: {  	s31 =	simm.s32 $0x4040;
	v12 =	vld [tilespmem:s30+$0x30];
	v13 =	vadd.s32 v17, v13;
	v55 =	vshra.s32 v4, $0x14;
	v19 =	vshra.s32 v6, $0x14  }
0x46: {  	v62 =	vld [tilespmem:s19+$0x20];
	v20 =	vshra.s32 v7, $0x14;
	[tilespmem:s31+$0xFFFFFFF0] =	vst v6;
	v6 =	vadd.s32 $0x1, v22;
	v13 =	vadd.s32 v53, v13  }
0x47: {  	v60 =	vld [tilespmem:s19+$0xFFFFFFD0];
	[tilespmem:s31+$0x0] =	vst v7;
	v7 =	vadd.s32 $0x1, v25;
	v20 =	vand.u32 $0xFFFFFFF0, v20;
	v13 =	vadd.s32 v54, v13  }
0x48: {  	v15 =	vld [tilespmem:s21+$0xFFFFFFE0];
	v19 =	vand.u32 $0xFFFFFFF0, v19;
	v59 =	vor.u32 v2, v20;
	v13 =	vadd.s32 v14, v13  }
0x49: {  	v63 =	vld [tilespmem:s19+$0x30];
	v14 =	vsel vm4, $0x1, v0;
	vm5 =	vne.s32 v10, $0x0;
	v10 =	vadd.s32 $0x1, v16  }
0x4a: {  	vm0 =	vne.s32 v11, $0x0;
	vm6 =	vne.s32 v12, $0x0;
	v16 =	vand.u32 $0xFFFFFFF0, v55  }
0x4b: {  	vm4 =	vne.s32 v62, $0x0;
	v13 =	vadd.s32 v14, v13;
	v14 =	vsel vm5, $0x1, v0  }
0x4c: {  	v28 =	vld [tilespmem:s21+$0x30];
	v12 =	vsel vm6, $0x1, v0;
	v8 =	vnsel vm5, $0x0, v8;
	v56 =	vnsel vm6, $0x0, v10  }
0x4d: {  	v58 =	vld [tilespmem:s19+$0xFFFFFFC0];
	[tilespmem:s31+$0xFFFFFFE0] =	vst v5;
	v10 =	vshra.s32 v5, $0x14;
	v16 =	vor.u32 v2, v16;
	v5 =	vadd.s32 $0x1, v15  }
0x4e: {  	vm6 =	vne.s32 v60, $0x0;
	vm5 =	vne.s32 v63, $0x0;
	v11 =	vadd.s32 v14, v13  }
0x4f: {  	v13 =	vsel vm0, $0x1, v0;
	v14 =	vnsel vm0, $0x0, v9;
	v9 =	vshra.s32 v3, $0x14  }
0x50: {  	v21 =	vshra.s32 v8, $0x14;
	v24 =	vshra.s32 v56, $0x14;
	v11 =	vadd.s32 v13, v11;
	v13 =	vld [tilespmem:s21+$0xFFFFFFC0]  }
0x51: {  	[tilespmem:s31+$0xFFFFFFC0] =	vst v3;
	v10 =	vand.u32 $0xFFFFFFF0, v10;
	v3 =	vor.u32 v2, v19;
	v12 =	vadd.s32 v12, v11;
	v11 =	vld [tilespmem:s21+$0xFFFFFFD0]  }
0x52: {  	v30 =	vld [tilespmem:s19+$0xFFFFFFE0];
	[tilespmem:s31+$0x10] =	vst v8;
	vm0 =	vne.s32 v58, $0x0;
	v8 =	vadd.s32 $0x1, v28;
	v23 =	vshra.s32 v14, $0x14  }
0x53: {  	v15 =	vld [tilespmem:s19+$0xFFFFFFF0];
	v9 =	vand.u32 $0xFFFFFFF0, v9;
	v21 =	vand.u32 $0xFFFFFFF0, v21;
	v57 =	vand.u32 $0xFFFFFFF0, v24  }
0x54: {  	v18 =	vld [tilespmem:s21+$0xFFFFFFF0];
	[tilespmem:s31+$0xFFFFFFD0] =	vst v4;
	v27 =	vor.u32 v2, v9;
	v9 =	vand.u32 $0xFFFFFFF0, v23;
	v21 =	vor.u32 v2, v21  }
0x55: {  	[tilespmem:s31+$0x20] =	vst v14;
	v14 =	vld [tilespmem:s19+$0x10];
	v23 =	vor.u32 v2, v57;
	v29 =	vor.u32 v2, v9;
	v13 =	vadd.s32 $0x1, v13  }
0x56: {  	v26 =	vld [tilespmem:s21+$0x20];
	[tilespmem:s31+$0x30] =	vst v56;
	v31 =	vadd.s32 $0x1, v11;
	v11 =	vnsel vm0, $0x0, v13;
	v13 =	vsel vm0, $0x1, v0  }
0x57: {  	[tilespmem:v59+s14+$0x0] =	vst.idx.add.s32.msk $0xffff, v1;
	vm0 =	vne.s32 v30, $0x0;
	v12 =	vadd.s32 v13, v12;
	v13 =	vsel vm6, $0x1, v0  }
0x58: {  	vm1 =	vne.s32 v15, $0x0;
	[tilespmem:v16+s14+$0x0] =	vst.idx.add.s32.msk $0xffff, v1;
	v12 =	vadd.s32 v13, v12;
	v13 =	vsel vm0, $0x1, v0  }
0x59: {  	v4 =	vor.u32 v2, v10;
	[tilespmem:v27+s14+$0x0] =	vst.idx.add.s32.msk $0xffff, v1;
	v12 =	vadd.s32 v13, v12;
	v13 =	vsel vm1, $0x1, v0  }
0x5a: {  	vm3 =	vne.s32 v14, $0x0;
	[tilespmem:v21+s14+$0x0] =	vst.idx.add.s32.msk $0xffff, v1;
	v12 =	vadd.s32 v13, v12;
	v13 =	vsel vm2, $0x1, v0  }
0x5b: {  	s18 =	simm.s32 $0x40C0;
	v10 =	vadd.s32 $0x1, v26;
	[tilespmem:v23+s14+$0x0] =	vst.idx.add.s32.msk $0xffff, v1;
	v12 =	vadd.s32 v13, v12;
	v13 =	vsel vm3, $0x1, v0  }
0x5c: {  	v9 =	vadd.s32 $0x1, v18;
	v14 =	vsel vm4, $0x1, v0;
	[tilespmem:s18+$0xFFFFFFC0] =	vst v11;
	v13 =	vadd.s32 v13, v12  }
0x5d: {  	p0 =	por p1, p1;
	s20 =	simm.s32 $0x8;
	s21 =	sadd.s32 $0x80, s21;
	[tilespmem:v29+s14+$0x0] =	vst.idx.add.s32.msk $0xffff, v1;
	v12 =	vnsel vm6, $0x0, v31;
	v13 =	vadd.s32 v14, v13;
	v14 =	vsel vm5, $0x1, v0  }
.LBB2_5:
0x5e: {  	v15 =	vld [tilespmem:s21+$0xFFFFFFC0];
	[tilespmem:s18+$0xFFFFFFD0] =	vst v12;
	v5 =	vnsel vm0, $0x0, v5;
	v9 =	vnsel vm1, $0x0, v9;
	v13 =	vadd.s32 v14, v13  }
0x5f: {  	v6 =	vnsel vm2, $0x0, v6;
	v7 =	vnsel vm3, $0x0, v7;
	v10 =	vnsel vm4, $0x0, v10;
	v14 =	vld [tilespmem:s21+$0xFFFFFFD0];
	[tilespmem:s18+$0xFFFFFFE0] =	vst v5  }
0x60: {  	v11 =	vshra.s32 v11, $0x14;
	v12 =	vshra.s32 v12, $0x14;
	v8 =	vnsel vm5, $0x0, v8;
	[tilespmem:v4+s14+$0x0] =	vst.idx.add.s32.msk $0xffff, v1  }
0x61: {  	v4 =	vshra.s32 v5, $0x14;
	v5 =	vshra.s32 v9, $0x14;
	v16 =	vld [tilespmem:s21+$0xFFFFFFE0];
	[tilespmem:s18+$0xFFFFFFF0] =	vst v9;
	v9 =	vshra.s32 v6, $0x14  }
0x62: {  	v17 =	vshra.s32 v7, $0x14;
	v18 =	vshra.s32 v10, $0x14;
	v19 =	vshra.s32 v8, $0x14;
	[tilespmem:v3+s14+$0x0] =	vst.idx.add.s32.msk $0xffff, v1  }
0x63: {  	v4 =	vand.u32 $0xFFFFFFF0, v4;
	v3 =	vand.u32 $0xFFFFFFF0, v11;
	v11 =	vand.u32 $0xFFFFFFF0, v12;
	v20 =	vld [tilespmem:s21+$0xFFFFFFF0];
	[tilespmem:s18+$0x0] =	vst v6  }
0x64: {  	v5 =	vand.u32 $0xFFFFFFF0, v5;
	v9 =	vand.u32 $0xFFFFFFF0, v9;
	v6 =	vld [tilespmem:s21+$0x0];
	[tilespmem:s18+$0x10] =	vst v7;
	v7 =	vand.u32 $0xFFFFFFF0, v17  }
0x65: {  	v17 =	vor.u32 v2, v3;
	v12 =	vld [tilespmem:s21+$0x10];
	[tilespmem:s18+$0x20] =	vst v10;
	v10 =	vand.u32 $0xFFFFFFF0, v18;
	v18 =	vand.u32 $0xFFFFFFF0, v19  }
0x66: {  	v4 =	vor.u32 v2, v4;
	v21 =	vor.u32 v2, v11;
	v3 =	vor.u32 v2, v5;
	v19 =	vld [tilespmem:s21+$0x20];
	[tilespmem:s18+$0x30] =	vst v8  }
0x67: {  	s19 =	sadd.s32 $0x80, s19;
	v22 =	vor.u32 v2, v9;
	v23 =	vor.u32 v2, v7;
	v24 =	vor.u32 v2, v10;
	v8 =	vld [tilespmem:s21+$0x30]  }
0x68: {  	s20 =	sadd.s32 $0x8, s20;
	v18 =	vor.u32 v2, v18;
	v10 =	vld [tilespmem:s19+$0xFFFFFFC0]  }
0x69: {  	p1 =	slt.u32 s20, $0xF8;
	v25 =	vld [tilespmem:s19+$0xFFFFFFD0]  }
0x6a: {  	v26 =	vld [tilespmem:s19+$0xFFFFFFE0]  }
0x6b: {  	v11 =	vadd.s32 $0x1, v15;
	v14 =	vadd.s32 $0x1, v14;
	v5 =	vadd.s32 $0x1, v16;
	v15 =	vld [tilespmem:s19+$0xFFFFFFF0]  }
0x6c: {  	v9 =	vadd.s32 $0x1, v20;
	v6 =	vadd.s32 $0x1, v6;
	v7 =	vadd.s32 $0x1, v12;
	v16 =	vld [tilespmem:s19+$0x0]  }
0x6d: {  	v8 =	vadd.s32 $0x1, v8;
	vm0 =	vne.s32 v10, $0x0;
	v12 =	vld [tilespmem:s19+$0x10];
	v10 =	vadd.s32 $0x1, v19  }
0x6e: {  	s18 =	sadd.s32 $0x80, s18;
	v11 =	vnsel vm0, $0x0, v11;
	v19 =	vsel vm0, $0x1, v0;
	vm6 =	vne.s32 v25, $0x0;
	v20 =	vld [tilespmem:s19+$0x20]  }
0x6f: {  	[tilespmem:s18+$0xFFFFFFC0] =	vst v11;
	v13 =	vadd.s32 v19, v13;
	v19 =	vsel vm6, $0x1, v0;
	vm0 =	vne.s32 v26, $0x0;
	v25 =	vld [tilespmem:s19+$0x30]  }
0x70: {  	v13 =	vadd.s32 v19, v13;
	v19 =	vsel vm0, $0x1, v0;
	vm1 =	vne.s32 v15, $0x0;
	[tilespmem:v17+s14+$0x0] =	vst.idx.add.s32.msk $0xffff, v1  }
.Ltmp3:
0x71: {  	v13 =	vadd.s32 v19, v13;
	v15 =	vsel vm1, $0x1, v0;
	vm2 =	vne.s32 v16, $0x0;
	[tilespmem:v21+s14+$0x0] =	vst.idx.add.s32.msk $0xffff, v1;
	(pc) =	sbr.rel @p1 .LBB2_5-.Ltmp3, $4  }
0x72: {  	v13 =	vadd.s32 v15, v13;
	v15 =	vsel vm2, $0x1, v0;
	vm3 =	vne.s32 v12, $0x0;
	[tilespmem:v22+s14+$0x0] =	vst.idx.add.s32.msk $0xffff, v1  }
0x73: {  	v12 =	vadd.s32 v15, v13;
	v13 =	vsel vm3, $0x1, v0;
	vm4 =	vne.s32 v20, $0x0;
	[tilespmem:v23+s14+$0x0] =	vst.idx.add.s32.msk $0xffff, v1  }
0x74: {  	v13 =	vadd.s32 v13, v12;
	v15 =	vsel vm4, $0x1, v0;
	vm5 =	vne.s32 v25, $0x0;
	[tilespmem:v24+s14+$0x0] =	vst.idx.add.s32.msk $0xffff, v1  }
0x75: {  	s21 =	sadd.s32 $0x80, s21;
	v12 =	vnsel vm6, $0x0, v14;
	v13 =	vadd.s32 v15, v13;
	v14 =	vsel vm5, $0x1, v0;
	[tilespmem:v18+s14+$0x0] =	vst.idx.add.s32.msk $0xffff, v1  }
0x76: {  	v13 =	vadd.s32 v14, v13  }
0x77: {  	(xrf0) =	vadd.scan.msk.s32 $0xffff, v13;
	_ =	sdelay $0x5  }
0x78: {  	v13, _, _ =	vpop (xrf0)  }
0x79: {  	(v2sf) =	vpush v13, $0xF;
	_ =	sdelay $0x4  }
0x7a: {  	[tilespmem:s18+$0xFFFFFFD0] =	vst v12  }
0x7b: {  	v5 =	vnsel vm0, $0x0, v5;
	v9 =	vnsel vm1, $0x0, v9;
	v6 =	vnsel vm2, $0x0, v6;
	[tilespmem:v4+s14+$0x0] =	vst.idx.add.s32.msk $0xffff, v1  }
0x7c: {  	v7 =	vnsel vm3, $0x0, v7;
	v10 =	vnsel vm4, $0x0, v10;
	v11 =	vshra.s32 v11, $0x14;
	[tilespmem:v3+s14+$0x0] =	vst.idx.add.s32.msk $0xffff, v1  }
0x7d: {  	v52 =	vshra.s32 v12, $0x14;
	v8 =	vnsel vm5, $0x0, v8;
	[tilespmem:s18+$0xFFFFFFE0] =	vst v5;
	v11 =	vand.u32 $0xFFFFFFF0, v11  }
0x7e: {  	[tilespmem:s18+$0xFFFFFFF0] =	vst v9;
	v53 =	vshra.s32 v6, $0x14;
	v3 =	vand.u32 $0xFFFFFFF0, v52;
	v54 =	vor.u32 v2, v11  }
0x7f: {  	v55 =	vshra.s32 v7, $0x14;
	[tilespmem:s18+$0x0] =	vst v6;
	v56 =	vand.u32 $0xFFFFFFF0, v53;
	v3 =	vor.u32 v2, v3  }
0x80: {  	v57 =	vshra.s32 v10, $0x14;
	[tilespmem:s18+$0x10] =	vst v7;
	v58 =	vand.u32 $0xFFFFFFF0, v55;
	v6 =	vor.u32 v2, v56  }
0x81: {  	v59 =	vshra.s32 v8, $0x14;
	[tilespmem:s18+$0x20] =	vst v10;
	v60 =	vand.u32 $0xFFFFFFF0, v57;
	v7 =	vor.u32 v2, v58  }
0x82: {  	v5 =	vshra.s32 v5, $0x14;
	[tilespmem:s18+$0x30] =	vst v8;
	v11 =	vand.u32 $0xFFFFFFF0, v59;
	v61 =	vor.u32 v2, v60  }
0x83: {  	v9 =	vshra.s32 v9, $0x14;
	v5 =	vand.u32 $0xFFFFFFF0, v5;
	v62 =	vor.u32 v2, v11;
	[tilespmem:v54+s14+$0x0] =	vst.idx.add.s32.msk $0xffff, v1  }
0x84: {  	v63 =	vand.u32 $0xFFFFFFF0, v9;
	v5 =	vor.u32 v2, v5;
	[tilespmem:v3+s14+$0x0] =	vst.idx.add.s32.msk $0xffff, v1;
	s18 =	spop (v2sf)  }
0x85: {  	v3 =	vor.u32 v2, v63;
	[tilespmem:v6+s14+$0x0] =	vst.idx.add.s32.msk $0xffff, v1;
	p1 =	seq.s32 s18, $0x1000  }
.Ltmp4:
0x86: {  	[tilespmem:v7+s14+$0x0] =	vst.idx.add.s32.msk $0xffff, v1;
	(pc) =	sbr.rel @p1 .LBB2_10-.Ltmp4, $4  }
0x87: {  	[tilespmem:v61+s14+$0x0] =	vst.idx.add.s32.msk $0xffff, v1  }
0x88: {  	[tilespmem:v62+s14+$0x0] =	vst.idx.add.s32.msk $0xffff, v1  }
0x89: {  	s19 =	simm.s32 $0x267;
	[tilespmem:v5+s14+$0x0] =	vst.idx.add.s32.msk $0xffff, v1  }
0x8a: {  	[smem:$0x5] =	sst s19;
	[tilespmem:v3+s14+$0x0] =	vst.idx.add.s32.msk $0xffff, v1  }
0x8b: {  	s19 =	simm.s32 $0x4000  }
0x8c: {  	v3 =	vld [tilespmem:s19+$0x0];
	_ =	sdelay $0x4  }
0x8d: {  	vm0 =	vgt.s32 v3, $0x0  }
0x8e: {  	s26 =	simm.s32 $0x4010;
	v3 =	vsel vm0, $0x1, v0  }
0x8f: {  	s18 =	scvt.s32.f32 s18;
	s28 =	simm.s32 $0x4020;
	(xrf0) =	vadd.scan.msk.s32 $0xffff, v3;
	v3 =	vld [tilespmem:s26+$0x0]  }
0x90: {  	v5 =	vld [tilespmem:s28+$0x0]  }
0x91: {  	s18 =	smul.f32 $1.500000060e-01, s18;
	_ =	sdelay $0x1  }
0x92: {  	s29 =	scvt.f32.s32 s18  }
0x93: {  	vm0 =	vgt.s32 v3, $0x0  }
0x94: {  	s20 =	scvt.s32.f32 s29;
	v4, _, _ =	vpop (xrf0);
	v3 =	vsel vm0, $0x1, v0;
	vm0 =	vgt.s32 v5, $0x0  }
0x95: {  	(v2sf) =	vpush v4, $0xF;
	(xrf0) =	vadd.scan.msk.s32 $0xffff, v3;
	v3 =	vsel vm0, $0x1, v0  }
0x96: {  	s30 =	simm.s32 $0x4030;
	p1 =	sgt.f32 s18, s20;
	(xrf0) =	vadd.scan.msk.s32 $0xffff, v3  }
0x97: {  	s21 =	simm.s32 $0x0;
	v6 =	vld [tilespmem:s30+$0x0];
	s18 =	simm.s32 $0x1  }
0x98: {  	s18 =	simm.s32 @!p1 $0x0;
	v5 =	vmul.u32 $0xFFFFFFFF, v2;
	v8 =	vadd.s32 s21, v4  }
0x99: {  	s18 =	sadd.s32 s29, s18  }
0x9a: {  	v9 =	vmov s21;
	v3 =	vmov s18;
	v4 =	vadd.s32 $0x267, v5  }
0x9b: {  	vm0 =	vle.s32 v8, v3;
	vm1 =	vlt.u32 v9, v4;
	v8, _, _ =	vpop (xrf0)  }
0x9c: {  	vm0 =	vmand vm1, vm0;
	vm1 =	vgt.s32 v6, $0x0;
	(v2sf) =	vpush v8, $0xF;
	v6, _, _ =	vpop (xrf0)  }
0x9d: {  	(v2sf) =	vpush v6, $0xF  }
0x9e: {  	s31 =	simm.s32 $0x4040  }
0x9f: {  	v7 =	vld [tilespmem:s31+$0x0]  }
0xa0: {  	v10 =	vsel vm1, $0x1, v0  }
0xa1: {  	(xrf0) =	vadd.scan.msk.s32 $0xffff, v10  }
0xa2: {  	s22 =	simm.s32 $0x10  }
0xa3: {  	s23 =	simm.s32 $0x50;
	s24 =	simm.s32 $0x4050;
	s19 =	simm.s32 $0x20;
	v9 =	vimm.s32 $0x0;
	v11 =	vsel vm0, $0x1, v0  }
0xa4: {  	s20 =	simm.s32 $0x30;
	s18 =	simm.s32 $0x40;
	vm0 =	vgt.s32 v7, $0x0;
	v7 =	vadd.s32 v11, v9;
	s25 =	spop (v2sf)  }
.LBB2_8:
0xa5: {  	p1 =	sne.s32 s23, $0x260  }
0xa6: {  	v9 =	vld [tilespmem:s24+$0x0];
	v11 =	vsel vm0, $0x1, v0;
	s21 =	sadd.s32 s21, s25;
	s25 =	smov.u32 s23;
	s23 =	sadd.s32 $0x10, s23  }
.Ltmp5:
0xa7: {  	v12 =	vadd.s32 $0x267, v5;
	(xrf0) =	vadd.scan.msk.s32 $0xffff, v11;
	v10, _, _ =	vpop (xrf0);
	v13 =	vadd.s32 s21, v8;
	v11 =	vmov s22;
	s22 =	smov.u32 s19;
	s19 =	smov.u32 s20;
	(pc) =	sbr.rel @p1 .LBB2_8-.Ltmp5, $4  }
0xa8: {  	v8 =	vmovc v6;
	s20 =	smov.u32 s18;
	s18 =	smov.u32 s25;
	(v2sf) =	vpush v10, $0xF;
	vm0 =	vle.s32 v13, v3;
	vm1 =	vlt.u32 v11, v12;
	v6 =	vmovc v10  }
0xa9: {  	vm0 =	vmand vm1, vm0  }
0xaa: {  	v10 =	vsel vm0, $0x1, v0;
	_ =	sdelay $0x1  }
0xab: {  	s24 =	sadd.s32 $0x10, s24;
	vm0 =	vgt.s32 v9, $0x0;
	v7 =	vadd.s32 v10, v7;
	s25 =	spop (v2sf)  }
0xac: {  	v5, _, _ =	vpop (xrf0)  }
0xad: {  	(v2sf) =	vpush v5, $0xF;
	_ =	sdelay $0x8  }
0xae: {  	v9 =	vsel vm0, $0x1, v0  }
0xaf: {  	(xrf0) =	vadd.scan.msk.s32 $0xffff, v9  }
0xb0: {  	s21 =	sadd.s32 s21, s25;
	v10 =	vmov s22;
	s26 =	spop (v2sf);
	v56 =	vmul.u32 $0xFFFFFFFF, v2;
	v57 =	vmov s19  }
0xb1: {  	v58 =	vmov s20;
	v61 =	vmov s18;
	v8 =	vadd.s32 s21, v8;
	s21 =	sadd.s32 s21, s26  }
0xb2: {  	vm1 =	vlt.u32 v10, v4;
	vm10 =	vle.s32 v8, v3;
	v6 =	vadd.s32 s21, v6  }
0xb3: {  	v8 =	vadd.s32 $0x267, v56;
	vm0 =	vmand vm1, vm10;
	vm11 =	vle.s32 v6, v3;
	s28 =	spop (v2sf)  }
0xb4: {  	vm12 =	vlt.u32 v57, v8;
	vm2 =	vlt.u32 v58, v8;
	vm15 =	vlt.u32 v61, v8;
	s29 =	sadd.s32 s21, s28;
	s30 =	spop (v2sf)  }
0xb5: {  	v55 =	vsel vm0, $0x1, v0;
	vm0 =	vmand vm12, vm11;
	v59, _, _ =	vpop (xrf0);
	v5 =	vadd.s32 s29, v5;
	s19 =	sadd.s32 s29, s30  }
0xb6: {  	v4 =	vadd.s32 v55, v7;
	vm13 =	vle.s32 v5, v3;
	v60 =	vadd.s32 s19, v59  }
0xb7: {  	vm1 =	vmand vm2, vm13;
	vm14 =	vle.s32 v60, v3;
	v3 =	vsel vm0, $0x1, v0  }
0xb8: {  	v62 =	vsel vm1, $0x1, v0;
	v3 =	vadd.s32 v3, v4;
	vm0 =	vmand vm15, vm14  }
0xb9: {  	v3 =	vadd.s32 v62, v3;
	v63 =	vsel vm0, $0x1, v0  }
0xba: {  	v3 =	vadd.s32 v63, v3  }
0xbb: {  	(xrf0) =	vadd.scan.msk.s32 $0xffff, v3;
	_ =	sdelay $0x5  }
0xbc: {  	(v2sf) =	vpush v59, $0xF;
	v3, _, _ =	vpop (xrf0)  }
0xbd: {  	(v2sf) =	vpush v3, $0xF;
	_ =	sdelay $0xd  }
0xbe: {  	s31 =	spop (v2sf)  }
0xbf: {  	s19 =	spop (v2sf)  }
0xc0: {  	[smem:$0x5] =	sst s19  }
.LBB2_10:
0xc1: {  	s18 =	simm.s32 $0x80F0  }
0xc2: {  	v3 =	vld [tilespmem:s18+$0x0]  }
0xc3: {  	v4 =	vld [tilespmem:s18+$0xFFFFFFF0];
	_ =	sdelay $0x2  }
0xc4: {  	v6 =	vimm.s32 $0x0  }
0xc5: {  	s20 =	simm.s32 $0x90F0;
	v5 =	vld [tilespmem:s18+$0xFFFFFFE0];
	v3 =	vadd.s32 v6, v3  }
0xc6: {  	[tilespmem:s20+$0x0] =	vst v3;
	v4 =	vadd.s32 v3, v4;
	v3 =	vld [tilespmem:s18+$0xFFFFFFD0];
	_ =	sdelay $0x1  }
0xc7: {  	[smem:$0x0] =	sst s11  }
0xc8: {  	[smem:$0x2] =	sst s2  }
0xc9: {  	s21 =	simm.s32 $0x0;
	s22 =	simm.s32 $0x80B0;
	[smem:$0x4] =	sst s2;
	[tilespmem:s20+$0xFFFFFFF0] =	vst v4;
	v4 =	vadd.s32 v4, v5  }
.LBB2_11:
0xca: {  	v5 =	vld [tilespmem:s22+$0x0];
	s21 =	sadd.s32 $0x4, s21;
	[tilespmem:s20+$0xFFFFFFE0] =	vst v4;
	v4 =	vadd.s32 v4, v3  }
0xcb: {  	v6 =	vld [tilespmem:s22+$0xFFFFFFF0];
	p1 =	slt.u32 s21, $0xFC;
	[tilespmem:s20+$0xFFFFFFD0] =	vst v4  }
0xcc: {  	v7 =	vld [tilespmem:s22+$0xFFFFFFE0];
	[tilespmem:s18+$0xFFFFFFD0] =	vst v0  }
.Ltmp6:
0xcd: {  	v3 =	vld [tilespmem:s22+$0xFFFFFFD0];
	[tilespmem:s18+$0xFFFFFFE0] =	vst v0;
	(pc) =	sbr.rel @p1 .LBB2_11-.Ltmp6, $4  }
0xce: {  	[tilespmem:s18+$0xFFFFFFF0] =	vst v0  }
0xcf: {  	s20 =	sadd.s32 $0xFFFFFFC0, s20;
	v4 =	vadd.s32 v4, v5;
	[tilespmem:s18+$0x0] =	vst v0;
	s18 =	smov.u32 s22  }
0xd0: {  	[tilespmem:s20+$0x0] =	vst v4;
	v4 =	vadd.s32 v4, v6  }
0xd1: {  	s22 =	sadd.s32 $0xFFFFFFC0, s22;
	[tilespmem:s20+$0xFFFFFFF0] =	vst v4;
	v4 =	vadd.s32 v4, v7  }
0xd2: {  	[tilespmem:s20+$0xFFFFFFE0] =	vst v4  }
0xd3: {  	[tilespmem:s18+$0xFFFFFFF0] =	vst v0  }
0xd4: {  	v3 =	vadd.s32 v4, v3;
	[tilespmem:s18+$0x0] =	vst v0  }
0xd5: {  	[tilespmem:s20+$0xFFFFFFD0] =	vst v3  }
0xd6: {  	[tilespmem:s18+$0xFFFFFFE0] =	vst v0  }
0xd7: {  	[tilespmem:s18+$0xFFFFFFD0] =	vst v0  }
0xd8: {  	v3 =	vld [tilespmem:$0x8900];
	_ =	sdelay $0x4  }
0xd9: {  	(xrf0) =	vadd.scan.msk.s32 $0xffff, v3;
	_ =	sdelay $0x5  }
0xda: {  	v3, _, _ =	vpop (xrf0)  }
0xdb: {  	(v2sf) =	vpush v3, $0xF;
	_ =	sdelay $0xe  }
0xdc: {  	s25 =	spop (v2sf)  }
0xdd: {  	s18 =	simm.s32 $0x0;
	p1 =	slt.s32 s25, s19  }
0xde: {  	s18 =	simm.s32 @!p1 $0x80  }
0xdf: {  	s20 =	sor.u32 $0x40, s18  }
0xe0: {  	s21 =	sshll.u32 s20, $0x4  }
0xe1: {  	v3 =	vld [tilespmem:s21+$0x8100];
	_ =	sdelay $0x4  }
0xe2: {  	(xrf0) =	vadd.scan.msk.s32 $0xffff, v3;
	_ =	sdelay $0x5  }
0xe3: {  	v3, _, _ =	vpop (xrf0)  }
0xe4: {  	(v2sf) =	vpush v3, $0xF;
	_ =	sdelay $0xe  }
0xe5: {  	s26 =	spop (v2sf)  }
0xe6: {  	p1 =	slt.s32 s26, s19  }
0xe7: {  	s20 =	smov.u32 @p1 s18  }
0xe8: {  	s18 =	sor.u32 $0x20, s20  }
0xe9: {  	s28 =	sshll.u32 s18, $0x4  }
0xea: {  	v3 =	vld [tilespmem:s28+$0x8100];
	_ =	sdelay $0x4  }
0xeb: {  	(xrf0) =	vadd.scan.msk.s32 $0xffff, v3;
	_ =	sdelay $0x5  }
0xec: {  	v3, _, _ =	vpop (xrf0)  }
0xed: {  	(v2sf) =	vpush v3, $0xF;
	_ =	sdelay $0xe  }
0xee: {  	s29 =	spop (v2sf)  }
0xef: {  	p1 =	slt.s32 s29, s19  }
0xf0: {  	s18 =	smov.u32 @p1 s20  }
0xf1: {  	s20 =	sor.u32 $0x10, s18  }
0xf2: {  	s30 =	sshll.u32 s20, $0x4  }
0xf3: {  	s21 =	sand.u32 $0x3FFFFFF0, s30  }
0xf4: {  	v3 =	vld [tilespmem:s21+$0x8100];
	_ =	sdelay $0x4  }
0xf5: {  	(xrf0) =	vadd.scan.msk.s32 $0xffff, v3;
	_ =	sdelay $0x5  }
0xf6: {  	v3, _, _ =	vpop (xrf0)  }
0xf7: {  	(v2sf) =	vpush v3, $0xF;
	_ =	sdelay $0xe  }
0xf8: {  	s31 =	spop (v2sf)  }
0xf9: {  	p1 =	slt.s32 s31, s19  }
0xfa: {  	s20 =	smov.u32 @p1 s18  }
0xfb: {  	s18 =	sadd.s32 $0x8, s20  }
0xfc: {  	s0 =	smin.u32 s18, $0xFF  }
0xfd: {  	s21 =	sshll.u32 s0, $0x4  }
0xfe: {  	v3 =	vld [tilespmem:s21+$0x8100];
	_ =	sdelay $0x4  }
0xff: {  	(xrf0) =	vadd.scan.msk.s32 $0xffff, v3;
	_ =	sdelay $0x5  }
0x100: {  	v3, _, _ =	vpop (xrf0)  }
0x101: {  	(v2sf) =	vpush v3, $0xF;
	_ =	sdelay $0xe  }
0x102: {  	s1 =	spop (v2sf)  }
0x103: {  	p1 =	slt.s32 s1, s19  }
0x104: {  	s18 =	smov.u32 @p1 s20  }
0x105: {  	s20 =	sadd.s32 $0x4, s18  }
0x106: {  	s22 =	smin.u32 s20, $0xFF  }
0x107: {  	s21 =	sshll.u32 s22, $0x4  }
0x108: {  	v3 =	vld [tilespmem:s21+$0x8100];
	_ =	sdelay $0x4  }
0x109: {  	(xrf0) =	vadd.scan.msk.s32 $0xffff, v3;
	_ =	sdelay $0x5  }
0x10a: {  	v3, _, _ =	vpop (xrf0)  }
0x10b: {  	(v2sf) =	vpush v3, $0xF;
	_ =	sdelay $0xe  }
0x10c: {  	s23 =	spop (v2sf)  }
0x10d: {  	p1 =	slt.s32 s23, s19  }
0x10e: {  	s20 =	smov.u32 @p1 s18  }
0x10f: {  	s18 =	sadd.s32 $0x2, s20  }
0x110: {  	s24 =	smin.u32 s18, $0xFF  }
0x111: {  	s21 =	sshll.u32 s24, $0x4  }
0x112: {  	v3 =	vld [tilespmem:s21+$0x8100];
	_ =	sdelay $0x4  }
0x113: {  	(xrf0) =	vadd.scan.msk.s32 $0xffff, v3;
	_ =	sdelay $0x5  }
0x114: {  	v3, _, _ =	vpop (xrf0)  }
0x115: {  	(v2sf) =	vpush v3, $0xF;
	_ =	sdelay $0xe  }
0x116: {  	s25 =	spop (v2sf)  }
0x117: {  	p1 =	slt.s32 s25, s19  }
0x118: {  	s18 =	smov.u32 @p1 s20  }
0x119: {  	s22 =	sadd.s32 $0x1, s18  }
0x11a: {  	s26 =	smin.u32 s22, $0xFF  }
0x11b: {  	s20 =	sshll.u32 s26, $0x4  }
0x11c: {  	v3 =	vld [tilespmem:s20+$0x8100];
	_ =	sdelay $0x4  }
0x11d: {  	(xrf0) =	vadd.scan.msk.s32 $0xffff, v3;
	_ =	sdelay $0x5  }
0x11e: {  	v3, _, _ =	vpop (xrf0)  }
0x11f: {  	(v2sf) =	vpush v3, $0xF;
	_ =	sdelay $0xe  }
0x120: {  	s28 =	spop (v2sf)  }
0x121: {  	p1 =	slt.s32 s28, s19  }
0x122: {  	s22 =	smov.u32 @p1 s18  }
0x123: {  	s18 =	sshll.u32 s22, $0x4  }
0x124: {  	s29 =	smin.u32 s22, $0xFE;
	s18 =	sand.u32 $0x3FFFFFF0, s18  }
0x125: {  	s30 =	sshll.u32 s29, $0x4;
	v3 =	vld [tilespmem:s18+$0x8100]  }
0x126: {  	v63 =	vld [tilespmem:s30+$0x8110];
	_ =	sdelay $0x3  }
0x127: {  	(xrf0) =	vadd.scan.msk.s32 $0xffff, v3  }
0x128: {  	(xrf0) =	vadd.scan.msk.s32 $0xffff, v63;
	_ =	sdelay $0x4  }
0x129: {  	v3, _, _ =	vpop (xrf0)  }
0x12a: {  	(v2sf) =	vpush v3, $0xF;
	v3, _, _ =	vpop (xrf0)  }
0x12b: {  	(v2sf) =	vpush v3, $0xF;
	_ =	sdelay $0xd  }
0x12c: {  	s23 =	spop (v2sf)  }
0x12d: {  	p1 =	slt.u32 s22, $0xFF;
	s18 =	spop (v2sf)  }
0x12e: {  	s31 =	sld [smem:$0x2];
	s18 =	simm.s32 @!p1 $0x0  }
0x12f: {  	p2 =	sne.s32 s19, s23;
	p1 =	seq.s32 s19, s23;
	s21 =	ssub.s32 s23, s18  }
0x130: {  	s18 =	ssub.s32 s19, s18;
	s19 =	simm.s32 $0x10;
	p3 =	sgt.s32 @!p1 s21, $0x10  }
0x131: {  	s19 =	simm.s32 @!p2 $0x18;
	p2 =	por p1, p3  }
.Ltmp7:
0x132: {  	_ = 	snop;
	(pc) =	sbr.rel @p2 .LBB2_16-.Ltmp7, $4  }
0x133: {  	s20 =	sshll.u32 s31, $0x8  }
0x134: {  	s20 =	sadd.s32 s22, s20;
	[smem:$0x1] =	sst s18  }
0x135: {  	[smem:$0x2] =	sst s20  }
0x136: {  	[smem:$0x3] =	sst s19  }
0x137: {  	s19 =	simm.s32 $0x4020  }
0x138: {  	v15 =	vld [tilespmem:s19+$0xFFFFFFE0]  }
0x139: {  	v10 =	vld [tilespmem:s19+$0xFFFFFFF0];
	_ =	sdelay $0x1  }
0x13a: {  	v6 =	vld [tilespmem:s19+$0x0]  }
0x13b: {  	v4 =	vld [tilespmem:s19+$0x10]  }
0x13c: {  	v3 =	vmov s22;
	v5 =	vshrl.u32 v15, $0x18  }
0x13d: {  	s31 =	simm.s32 $0x4060;
	vm1 =	veq.s32 v5, v3;
	v5 =	vshrl.u32 v10, $0x18  }
0x13e: {  	v9 =	vld [tilespmem:s31+$0xFFFFFFE0];
	v8 =	vmpcnt.ones.xlane vm1;
	vm0 =	veq.s32 v5, v3  }
0x13f: {  	v7 =	vld [tilespmem:s31+$0xFFFFFFF0];
	v5 =	vshrl.u32 v6, $0x18;
	v11 =	vmpcnt.ones.xlane vm0  }
0x140: {  	vm2 =	veq.s32 v5, v3;
	v5 =	vshrl.u32 v4, $0x18;
	(v2sf) =	vpush v8, $0x0;
	v8 =	vld [tilespmem:s31+$0x0]  }
0x141: {  	v12 =	vmpcnt.ones.xlane vm2;
	vm3 =	veq.s32 v5, v3;
	v5 =	vld [tilespmem:s31+$0x10]  }
0x142: {  	v13 =	vmpcnt.ones.xlane vm3;
	(v2sf) =	vpush v11, $0x0  }
0x143: {  	vm4 =	vmmov vm1;
	v11 =	vshrl.u32 v9, $0x18;
	(v2sf) =	vpush v12, $0x0  }
0x144: {  	vm8 =	veq.s32 v11, v3;
	v11 =	vshrl.u32 v7, $0x18;
	(v2sf) =	vpush v13, $0x0  }
0x145: {  	v12 =	vmpcnt.ones.xlane vm8;
	vm9 =	veq.s32 v11, v3;
	v13 =	vshrl.u32 v8, $0x18  }
0x146: {  	s20 =	simm.s32 $0x40A0;
	v14 =	vmpcnt.ones.xlane vm9;
	v16 =	vshrl.u32 v5, $0x18;
	vm1 =	veq.s32 v13, v3  }
0x147: {  	v11 =	vld [tilespmem:s20+$0xFFFFFFE0];
	(v2sf) =	vpush v12, $0x0;
	vm10 =	veq.s32 v16, v3;
	v17 =	vmpcnt.ones.xlane vm1  }
0x148: {  	(v2sf) =	vpush v14, $0x0;
	v16 =	vmpcnt.ones.xlane vm10  }
0x149: {  	(v2sf) =	vpush v17, $0x0  }
0x14a: {  	(v2sf) =	vpush v16, $0x0  }
0x14b: {  	v13 =	vld [tilespmem:s20+$0xFFFFFFF0]  }
0x14c: {  	vm2 =	vmmov vm2;
	v12 =	vld [tilespmem:s20+$0x0];
	v14 =	vshrl.u32 v11, $0x18  }
0x14d: {  	vm0 =	vmmov vm0;
	vm6 =	vmmov vm2;
	vm2 =	veq.s32 v14, v3;
	v14 =	vld [tilespmem:s20+$0x10]  }
0x14e: {  	vm7 =	vmmov vm0;
	vm3 =	vmmov vm3  }
0x14f: {  	vm5 =	vmmov vm3;
	vm3 =	vmmov vm8;
	vm8 =	vmmov vm9  }
0x150: {  	s22 =	simm.s32 $0x0;
	vm1 =	vmmov vm1;
	vm0 =	vmmov vm10;
	v16 =	vshrl.u32 v13, $0x18  }
0x151: {  	s19 =	simm.s32 $0x8;
	[tilespmem:s22+$0x5000] =	vst.msk vm4, v15;
	s20 =	simm.s32 $0x40E0;
	v15 =	vmpcnt.ones.xlane vm2;
	vm4 =	veq.s32 v16, v3;
	v16 =	vshrl.u32 v12, $0x18  }
.LBB2_14:
0x152: {  	v17 =	vld [tilespmem:s20+$0xFFFFFFE0];
	s19 =	sadd.s32 $0x4, s19;
	v18 =	vmpcnt.ones.xlane vm4;
	vm9 =	veq.s32 v16, v3;
	v16 =	vshrl.u32 v14, $0x18;
	s23 =	spop (v2sf);
	v19 =	vmovc v14  }
0x153: {  	v20 =	vld [tilespmem:s20+$0xFFFFFFF0];
	p2 =	slt.u32 s19, $0xFC;
	v21 =	vmpcnt.ones.xlane vm9;
	vm10 =	veq.s32 v16, v3;
	(v2sf) =	vpush v15, $0x0;
	s22 =	sadd.s32 s22, s23;
	s23 =	spop (v2sf)  }
0x154: {  	v22 =	vld [tilespmem:s20+$0x0];
	v15 =	vmpcnt.ones.xlane vm10;
	(v2sf) =	vpush v18, $0x0;
	[tilespmem:s22+$0x5000] =	vst.msk vm7, v10;
	s22 =	sadd.s32 s22, s23;
	s23 =	spop (v2sf);
	v10 =	vmovc v7;
	v7 =	vmovc v13;
	vm7 =	vmmov vm8  }
.Ltmp8:
0x155: {  	v14 =	vld [tilespmem:s20+$0x10];
	(v2sf) =	vpush v21, $0x0;
	[tilespmem:s22+$0x5000] =	vst.msk vm6, v6;
	s22 =	sadd.s32 s22, s23;
	s23 =	spop (v2sf);
	v6 =	vmovc v8;
	v8 =	vmovc v12;
	vm6 =	vmmov vm1;
	vm1 =	vmmov vm9;
	(pc) =	sbr.rel @p2 .LBB2_14-.Ltmp8, $4  }
0x156: {  	(v2sf) =	vpush v15, $0x0;
	[tilespmem:s22+$0x5000] =	vst.msk vm5, v4;
	s22 =	sadd.s32 s22, s23;
	v4 =	vmovc v5;
	v5 =	vmovc v19;
	vm5 =	vmmov vm0;
	vm0 =	vmmov vm10  }
0x157: {  	vm8 =	vmmov vm4;
	v18 =	vshrl.u32 v17, $0x18;
	[tilespmem:s22+$0x5000] =	vst.msk vm3, v9;
	v9 =	vmovc v11;
	v11 =	vmovc v17;
	vm3 =	vmmov vm2  }
0x158: {  	vm2 =	veq.s32 v18, v3;
	v17 =	vshrl.u32 v20, $0x18;
	v13 =	vmov v20  }
0x159: {  	s20 =	sadd.s32 $0x40, s20;
	v15 =	vmpcnt.ones.xlane vm2;
	vm4 =	veq.s32 v17, v3;
	v16 =	vshrl.u32 v22, $0x18;
	v12 =	vmovc v22  }
0x15a: {  	v17 =	vmpcnt.ones.xlane vm4;
	vm9 =	veq.s32 v16, v3  }
0x15b: {  	v16 =	vmpcnt.ones.xlane vm9;
	(v2sf) =	vpush v15, $0x0  }
0x15c: {  	(v2sf) =	vpush v17, $0x0  }
0x15d: {  	(v2sf) =	vpush v16, $0x0;
	_ =	sdelay $0x4  }
0x15e: {  	s19 =	spop (v2sf)  }
0x15f: {  	s19 =	sadd.s32 s22, s19;
	s20 =	spop (v2sf)  }
0x160: {  	[tilespmem:s19+$0x5000] =	vst.msk vm7, v10;
	s19 =	sadd.s32 s19, s20;
	s1 =	spop (v2sf)  }
0x161: {  	[tilespmem:s19+$0x5000] =	vst.msk vm6, v6;
	s19 =	sadd.s32 s19, s1;
	s22 =	spop (v2sf)  }
0x162: {  	[tilespmem:s19+$0x5000] =	vst.msk vm5, v4;
	s19 =	sadd.s32 s19, s22;
	s23 =	spop (v2sf)  }
0x163: {  	vm15 =	vmmov vm8;
	[tilespmem:s19+$0x5000] =	vst.msk vm3, v9;
	s19 =	sadd.s32 s19, s23;
	s24 =	spop (v2sf)  }
0x164: {  	vm1 =	vmmov vm1;
	[tilespmem:s19+$0x5000] =	vst.msk vm15, v7;
	s19 =	sadd.s32 s19, s24;
	s25 =	spop (v2sf)  }
0x165: {  	vm0 =	vmmov vm0;
	[tilespmem:s19+$0x5000] =	vst.msk vm1, v8;
	s19 =	sadd.s32 s19, s25;
	s26 =	spop (v2sf)  }
0x166: {  	v60 =	vshrl.u32 v14, $0x18;
	vm8 =	vmmov vm2;
	vm10 =	vmmov vm4;
	[tilespmem:s19+$0x5000] =	vst.msk vm0, v5;
	s19 =	sadd.s32 s19, s26;
	s28 =	spop (v2sf)  }
0x167: {  	vm11 =	veq.s32 v60, v3;
	vm12 =	vmmov vm9;
	vm2 =	vmmov vm10;
	[tilespmem:s19+$0x5000] =	vst.msk vm8, v11;
	s19 =	sadd.s32 s19, s28;
	s29 =	spop (v2sf)  }
0x168: {  	vm13 =	vmmov vm11;
	vm3 =	vmmov vm12;
	[tilespmem:s19+$0x5000] =	vst.msk vm2, v13;
	s19 =	sadd.s32 s19, s29;
	s30 =	spop (v2sf)  }
0x169: {  	vm1 =	vmmov vm13;
	[tilespmem:s19+$0x5000] =	vst.msk vm3, v12;
	s19 =	sadd.s32 s19, s30  }
0x16a: {  	[tilespmem:s19+$0x5000] =	vst.msk vm1, v14  }
0x16b: {  	v3 =	vld [tilespmem:$0x5000];
	_ =	sdelay $0x3  }
0x16c: {  	v61 =	vmov s21  }
0x16d: {  	vm14 =	vgt.s32 v61, v2;
	v62 =	vxor.u32 $0x80000000, v3  }
0x16e: {  	(xrf1) =	vsort.dscd.msk.u32 vm14, v62, v3;
	_ =	sdelay $0xd  }
0x16f: {  	v4, _, _ =	vpop (xrf1)  }
0x170: {  	v4 =	vxor.u32 $0x80000000, v4  }
0x171: {  	[tilespmem:$0x5000] =	vst v4  }
0x172: {  	v4 =	vld [tilespmem:s18+$0x4FFF];
	_ =	sdelay $0x4  }
0x173: {  	v63 =	vbroadcast v4, $0x0;
	_ =	sdelay $0x1  }
0x174: {  	vm15 =	vgt.s32 v3, v63  }
0x175: {  	vm1 =	vmand vm14, vm15  }
0x176: {  	v3 =	vsel vm1, $0x1, v0  }
0x177: {  	(xrf0) =	vadd.scan.msk.s32 $0xffff, v3;
	_ =	sdelay $0x1  }
0x178: {  	v3 =	vmpcnt.ones.xlane vm11;
	_ =	sdelay $0x2  }
0x179: {  	(v2sf) =	vpush v3, $0x0  }
0x17a: {  	(v2sf) =	vpush v4, $0x0;
	v3, _, _ =	vpop (xrf0)  }
0x17b: {  	(v2sf) =	vpush v3, $0xF;
	_ =	sdelay $0xc  }
0x17c: {  	s31 =	spop (v2sf)  }
0x17d: {  	s20 =	spop (v2sf)  }
0x17e: {  	s19 =	spop (v2sf)  }
.Ltmp9:
0x17f: {  	s18 =	ssub.s32 s18, s19;
	(pc) =	sbr.rel .LBB2_21-.Ltmp9, $4  }
0x180: {  	[smem:$0x1] =	sst s18  }
0x181: {  	s19 =	simm.s32 $0x0;
	[smem:$0x2] =	sst s20  }
0x182: {  	[smem:$0x3] =	sst s19  }
0x183: {  	[smem:$0x4] =	sst s13  }
.LBB2_16:
0x184: {  	p2 =	slt.s32 @!p1 s21, $0x11  }
0x185: {  	p2 =	por p1, p2  }
.Ltmp10:
0x186: {  	_ = 	snop;
	(pc) =	sbr.rel @p2 .LBB2_17-.Ltmp10, $1  }
0x187: {  	_ =	sdelay $0x3  }
0x188: {  	s21 =	simm.s32 $0x4020  }
0x189: {  	v14 =	vld [tilespmem:s21+$0xFFFFFFE0]  }
0x18a: {  	v6 =	vld [tilespmem:s21+$0xFFFFFFF0];
	_ =	sdelay $0x1  }
0x18b: {  	v4 =	vld [tilespmem:s21+$0x0]  }
0x18c: {  	v3 =	vld [tilespmem:s21+$0x10]  }
0x18d: {  	v5 =	vmov s22;
	v7 =	vshrl.u32 v14, $0x18  }
0x18e: {  	vm0 =	veq.s32 v7, v5;
	v7 =	vshrl.u32 v6, $0x18  }
0x18f: {  	v8 =	vmpcnt.ones.xlane vm0;
	vm1 =	veq.s32 v7, v5  }
0x190: {  	v9 =	vshrl.u32 v4, $0x18;
	v7 =	vmpcnt.ones.xlane vm1  }
0x191: {  	s30 =	simm.s32 $0x4060;
	vm3 =	veq.s32 v9, v5;
	v9 =	vshrl.u32 v3, $0x18;
	(v2sf) =	vpush v8, $0x0  }
0x192: {  	v11 =	vld [tilespmem:s30+$0xFFFFFFE0];
	v10 =	vmpcnt.ones.xlane vm3;
	vm4 =	veq.s32 v9, v5;
	(v2sf) =	vpush v7, $0x0  }
0x193: {  	v9 =	vshrl.u32 v4, $0xC;
	v12 =	vmpcnt.ones.xlane vm4  }
0x194: {  	v8 =	vshrl.u32 v14, $0xC;
	v7 =	vshrl.u32 v6, $0xC;
	(v2sf) =	vpush v10, $0x0  }
0x195: {  	v8 =	vand.u32 $0xFF0, v8;
	v10 =	vand.u32 $0xFF0, v7;
	v7 =	vld [tilespmem:s30+$0xFFFFFFF0];
	(v2sf) =	vpush v12, $0x0  }
0x196: {  	v9 =	vand.u32 $0xFF0, v9;
	v15 =	vor.u32 v2, v8;
	v8 =	vld [tilespmem:s30+$0x0]  }
0x197: {  	v16 =	vshrl.u32 v11, $0x18;
	v12 =	vor.u32 v2, v9;
	v9 =	vld [tilespmem:s30+$0x10]  }
0x198: {  	v13 =	vshrl.u32 v3, $0xC;
	v17 =	vshrl.u32 v11, $0xC;
	vm6 =	veq.s32 v16, v5  }
0x199: {  	v13 =	vand.u32 $0xFF0, v13;
	vm7 =	vmmov vm0;
	v19 =	vmpcnt.ones.xlane vm6  }
0x19a: {  	vm2 =	vmmov vm1;
	vm0 =	vmmov vm4;
	v16 =	vshrl.u32 v7, $0x18  }
0x19b: {  	vm1 =	vmmov vm3;
	vm4 =	veq.s32 v16, v5;
	v16 =	vshrl.u32 v8, $0x18  }
0x19c: {  	v20 =	vmpcnt.ones.xlane vm4;
	vm3 =	veq.s32 v16, v5;
	v16 =	vshrl.u32 v9, $0x18  }
0x19d: {  	(v2sf) =	vpush v19, $0x0;
	vm5 =	veq.s32 v16, v5;
	v16 =	vmpcnt.ones.xlane vm3  }
0x19e: {  	v17 =	vand.u32 $0xFF0, v17;
	(v2sf) =	vpush v20, $0x0;
	v63 =	vmpcnt.ones.xlane vm5  }
0x19f: {  	s31 =	simm.s32 $0x0;
	v13 =	vor.u32 v2, v13;
	v10 =	vor.u32 v2, v10;
	(v2sf) =	vpush v16, $0x0  }
0x1a0: {  	s22 =	simm.s32 $0x40A0;
	[tilespmem:s31+$0x5000] =	vst.msk vm7, v14;
	v18 =	vshrl.u32 v7, $0xC;
	v19 =	vshrl.u32 v8, $0xC;
	s23 =	spop (v2sf);
	(v2sf) =	vpush v63, $0x0  }
0x1a1: {  	s21 =	simm.s32 $0x4;
	[tilespmem:v15+s14+$0x0] =	vst.idx.add.s32.msk vm7, v1;
	v15 =	vand.u32 $0xFF0, v18;
	v14 =	vand.u32 $0xFF0, v19;
	v16 =	vshrl.u32 v9, $0xC;
	s23 =	sadd.s32 $0x0, s23;
	s24 =	spop (v2sf)  }
.LBB2_19:
0x1a2: {  	v17 =	vor.u32 v2, v17;
	v15 =	vor.u32 v2, v15  }
0x1a3: {  	v18 =	vld [tilespmem:s22+$0xFFFFFFE0];
	s21 =	sadd.s32 $0x4, s21;
	v16 =	vand.u32 $0xFF0, v16;
	[tilespmem:s23+$0x5000] =	vst.msk vm2, v6;
	s23 =	sadd.s32 s23, s24;
	s24 =	spop (v2sf);
	v6 =	vmovc v7;
	vm7 =	vmmov vm6;
	vm8 =	vmmov vm2  }
0x1a4: {  	v14 =	vor.u32 v2, v14;
	vm2 =	vmmov vm4;
	v7 =	vld [tilespmem:s22+$0xFFFFFFF0];
	p2 =	slt.u32 s21, $0xFC;
	v16 =	vor.u32 v2, v16;
	[tilespmem:s23+$0x5000] =	vst.msk vm1, v4;
	s23 =	sadd.s32 s23, s24;
	s24 =	spop (v2sf);
	v4 =	vmovc v8  }
0x1a5: {  	v8 =	vld [tilespmem:s22+$0x0];
	[tilespmem:s23+$0x5000] =	vst.msk vm0, v3;
	s23 =	sadd.s32 s23, s24;
	v3 =	vmov v9  }
0x1a6: {  	v9 =	vld [tilespmem:s22+$0x10];
	[tilespmem:s23+$0x5000] =	vst.msk vm7, v11  }
0x1a7: {  	[tilespmem:v13+s14+$0x0] =	vst.idx.add.s32.msk vm0, v1;
	v13 =	vmov v16;
	vm0 =	vmmov vm5  }
0x1a8: {  	v16 =	vshrl.u32 v18, $0x18;
	v19 =	vshrl.u32 v18, $0xC;
	[tilespmem:v12+s14+$0x0] =	vst.idx.add.s32.msk vm1, v1;
	v11 =	vmovc v18;
	v12 =	vmovc v14;
	vm1 =	vmmov vm3  }
0x1a9: {  	vm6 =	veq.s32 v16, v5;
	v14 =	vshrl.u32 v7, $0x18;
	v18 =	vshrl.u32 v7, $0xC;
	[tilespmem:v10+s14+$0x0] =	vst.idx.add.s32.msk vm8, v1;
	v10 =	vmovc v15  }
0x1aa: {  	v15 =	vmpcnt.ones.xlane vm6;
	vm4 =	veq.s32 v14, v5;
	v14 =	vshrl.u32 v8, $0x18;
	[tilespmem:v17+s14+$0x0] =	vst.idx.add.s32.msk vm7, v1  }
.Ltmp11:
0x1ab: {  	v16 =	vmpcnt.ones.xlane vm4;
	vm3 =	veq.s32 v14, v5;
	v14 =	vshrl.u32 v9, $0x18;
	(pc) =	sbr.rel @p2 .LBB2_19-.Ltmp11, $4  }
0x1ac: {  	v20 =	vmpcnt.ones.xlane vm3;
	vm5 =	veq.s32 v14, v5;
	(v2sf) =	vpush v15, $0x0  }
0x1ad: {  	v14 =	vshrl.u32 v8, $0xC;
	v21 =	vmpcnt.ones.xlane vm5;
	(v2sf) =	vpush v16, $0x0  }
0x1ae: {  	v17 =	vand.u32 $0xFF0, v19;
	v16 =	vshrl.u32 v9, $0xC;
	(v2sf) =	vpush v20, $0x0;
	s24 =	spop (v2sf)  }
0x1af: {  	s22 =	sadd.s32 $0x40, s22;
	v15 =	vand.u32 $0xFF0, v18;
	v14 =	vand.u32 $0xFF0, v14;
	(v2sf) =	vpush v21, $0x0;
	s23 =	sadd.s32 s23, s24;
	s24 =	spop (v2sf)  }
0x1b0: {  	_ =	sdelay $0x4  }
0x1b1: {  	[tilespmem:s23+$0x5000] =	vst.msk vm2, v6;
	s21 =	sadd.s32 s23, s24;
	s22 =	spop (v2sf);
	vm12 =	vmmov vm2  }
0x1b2: {  	vm6 =	vmmov vm6;
	[tilespmem:s21+$0x5000] =	vst.msk vm1, v4;
	s21 =	sadd.s32 s21, s22  }
0x1b3: {  	v62 =	vor.u32 v2, v17;
	s26 =	spop (v2sf);
	[tilespmem:s21+$0x5000] =	vst.msk vm0, v3  }
0x1b4: {  	s21 =	sadd.s32 s21, s26;
	[tilespmem:v12+s14+$0x0] =	vst.idx.add.s32.msk vm1, v1  }
0x1b5: {  	vm14 =	vmmov vm4;
	[tilespmem:s21+$0x5000] =	vst.msk vm6, v11  }
0x1b6: {  	v63 =	vor.u32 v2, v15;
	[tilespmem:v13+s14+$0x0] =	vst.idx.add.s32.msk vm0, v1  }
0x1b7: {  	vm3 =	vmmov vm3;
	[tilespmem:v10+s14+$0x0] =	vst.idx.add.s32.msk vm12, v1;
	s28 =	spop (v2sf)  }
0x1b8: {  	v5 =	vor.u32 v2, v14;
	v3 =	vand.u32 $0xFF0, v16;
	[tilespmem:v62+s14+$0x0] =	vst.idx.add.s32.msk vm6, v1;
	s21 =	sadd.s32 s21, s28;
	s29 =	spop (v2sf)  }
0x1b9: {  	v3 =	vor.u32 v2, v3;
	[tilespmem:s21+$0x5000] =	vst.msk vm14, v7;
	s21 =	sadd.s32 s21, s29  }
.Ltmp12:
0x1ba: {  	s30 =	spop (v2sf);
	[tilespmem:s21+$0x5000] =	vst.msk vm3, v8;
	(pc) =	sbr.rel .LBB2_21-.Ltmp12, $4  }
0x1bb: {  	vm13 =	vmmov vm5;
	s21 =	sadd.s32 s21, s30;
	[tilespmem:v63+s14+$0x0] =	vst.idx.add.s32.msk vm14, v1  }
0x1bc: {  	s31 =	spop (v2sf);
	[tilespmem:s21+$0x5000] =	vst.msk vm13, v9  }
0x1bd: {  	s21 =	sadd.s32 s21, s31;
	[tilespmem:v5+s14+$0x0] =	vst.idx.add.s32.msk vm3, v1  }
0x1be: {  	vm15 =	vmmov vm14;
	[tilespmem:v3+s14+$0x0] =	vst.idx.add.s32.msk vm5, v1;
	[smem:$0x0] =	sst s21  }
.LBB2_17:
0x1bf: {  	s18 =	smov.u32 @p1 s18;
	s19 =	smov.u32 @p1 s19;
	s20 =	smov.u32 @p1 s20  }
.LBB2_21:
.Ltmp13:
0x1c0: {  	(pc) =	sbr.rel @p1 .LBB2_89-.Ltmp13, $1  }
0x1c1: {  	_ =	sdelay $0x3  }
0x1c2: {  	s21 =	sld [smem:$0x4];
	_ =	sdelay $0x2  }
0x1c3: {  	p1 =	sne.s32 s21, $0x0  }
.Ltmp14:
0x1c4: {  	_ = 	snop;
	(pc) =	sbr.rel @p1 .LBB2_90-.Ltmp14, $1  }
0x1c5: {  	_ =	sdelay $0x3  }
0x1c6: {  	s20 =	simm.s32 $0x80F0  }
0x1c7: {  	v3 =	vld [tilespmem:s20+$0x0]  }
0x1c8: {  	v4 =	vld [tilespmem:s20+$0xFFFFFFF0];
	_ =	sdelay $0x2  }
0x1c9: {  	v6 =	vimm.s32 $0x0  }
0x1ca: {  	s21 =	simm.s32 $0x90F0;
	v5 =	vld [tilespmem:s20+$0xFFFFFFE0];
	v3 =	vadd.s32 v6, v3  }
0x1cb: {  	[tilespmem:s21+$0x0] =	vst v3;
	v4 =	vadd.s32 v3, v4;
	v3 =	vld [tilespmem:s20+$0xFFFFFFD0];
	_ =	sdelay $0x3  }
0x1cc: {  	s22 =	sld [smem:$0x0];
	s23 =	simm.s32 $0x0;
	s24 =	simm.s32 $0x80B0;
	[tilespmem:s21+$0xFFFFFFF0] =	vst v4;
	v4 =	vadd.s32 v4, v5  }
.LBB2_24:
0x1cd: {  	v5 =	vld [tilespmem:s24+$0x0];
	s23 =	sadd.s32 $0x4, s23;
	[tilespmem:s21+$0xFFFFFFE0] =	vst v4;
	v4 =	vadd.s32 v4, v3  }
0x1ce: {  	v6 =	vld [tilespmem:s24+$0xFFFFFFF0];
	p1 =	slt.u32 s23, $0xFC;
	[tilespmem:s21+$0xFFFFFFD0] =	vst v4  }
0x1cf: {  	v7 =	vld [tilespmem:s24+$0xFFFFFFE0];
	[tilespmem:s20+$0xFFFFFFD0] =	vst v0  }
.Ltmp15:
0x1d0: {  	v3 =	vld [tilespmem:s24+$0xFFFFFFD0];
	[tilespmem:s20+$0xFFFFFFE0] =	vst v0;
	(pc) =	sbr.rel @p1 .LBB2_24-.Ltmp15, $4  }
0x1d1: {  	[tilespmem:s20+$0xFFFFFFF0] =	vst v0  }
0x1d2: {  	s21 =	sadd.s32 $0xFFFFFFC0, s21;
	v4 =	vadd.s32 v4, v5;
	[tilespmem:s20+$0x0] =	vst v0;
	s20 =	smov.u32 s24  }
0x1d3: {  	[tilespmem:s21+$0x0] =	vst v4;
	v4 =	vadd.s32 v4, v6  }
0x1d4: {  	s24 =	sadd.s32 $0xFFFFFFC0, s24;
	[tilespmem:s21+$0xFFFFFFF0] =	vst v4;
	v4 =	vadd.s32 v4, v7  }
0x1d5: {  	[tilespmem:s21+$0xFFFFFFE0] =	vst v4  }
0x1d6: {  	[tilespmem:s20+$0xFFFFFFF0] =	vst v0  }
0x1d7: {  	v3 =	vadd.s32 v4, v3;
	[tilespmem:s20+$0x0] =	vst v0  }
0x1d8: {  	[tilespmem:s21+$0xFFFFFFD0] =	vst v3  }
0x1d9: {  	[tilespmem:s20+$0xFFFFFFE0] =	vst v0  }
0x1da: {  	[tilespmem:s20+$0xFFFFFFD0] =	vst v0  }
0x1db: {  	v3 =	vld [tilespmem:$0x8900];
	_ =	sdelay $0x4  }
0x1dc: {  	(xrf0) =	vadd.scan.msk.s32 $0xffff, v3;
	_ =	sdelay $0x5  }
0x1dd: {  	v3, _, _ =	vpop (xrf0)  }
0x1de: {  	(v2sf) =	vpush v3, $0xF;
	_ =	sdelay $0xe  }
0x1df: {  	s31 =	spop (v2sf)  }
0x1e0: {  	s20 =	simm.s32 $0x0;
	p1 =	slt.s32 s31, s18  }
0x1e1: {  	s20 =	simm.s32 @!p1 $0x80  }
0x1e2: {  	s21 =	sor.u32 $0x40, s20  }
0x1e3: {  	s23 =	sshll.u32 s21, $0x4  }
0x1e4: {  	v3 =	vld [tilespmem:s23+$0x8100];
	_ =	sdelay $0x4  }
0x1e5: {  	(xrf0) =	vadd.scan.msk.s32 $0xffff, v3;
	_ =	sdelay $0x5  }
0x1e6: {  	v3, _, _ =	vpop (xrf0)  }
0x1e7: {  	(v2sf) =	vpush v3, $0xF;
	_ =	sdelay $0xe  }
0x1e8: {  	s0 =	spop (v2sf)  }
0x1e9: {  	p1 =	slt.s32 s0, s18  }
0x1ea: {  	s21 =	smov.u32 @p1 s20  }
0x1eb: {  	s20 =	sor.u32 $0x20, s21  }
0x1ec: {  	s1 =	sshll.u32 s20, $0x4  }
0x1ed: {  	v3 =	vld [tilespmem:s1+$0x8100];
	_ =	sdelay $0x4  }
0x1ee: {  	(xrf0) =	vadd.scan.msk.s32 $0xffff, v3;
	_ =	sdelay $0x5  }
0x1ef: {  	v3, _, _ =	vpop (xrf0)  }
0x1f0: {  	(v2sf) =	vpush v3, $0xF;
	_ =	sdelay $0xe  }
0x1f1: {  	s24 =	spop (v2sf)  }
0x1f2: {  	p1 =	slt.s32 s24, s18  }
0x1f3: {  	s20 =	smov.u32 @p1 s21  }
0x1f4: {  	s21 =	sor.u32 $0x10, s20  }
0x1f5: {  	s25 =	sshll.u32 s21, $0x4  }
0x1f6: {  	s23 =	sand.u32 $0x3FFFFFF0, s25  }
0x1f7: {  	v3 =	vld [tilespmem:s23+$0x8100];
	_ =	sdelay $0x4  }
0x1f8: {  	(xrf0) =	vadd.scan.msk.s32 $0xffff, v3;
	_ =	sdelay $0x5  }
0x1f9: {  	v3, _, _ =	vpop (xrf0)  }
0x1fa: {  	(v2sf) =	vpush v3, $0xF;
	_ =	sdelay $0xe  }
0x1fb: {  	s26 =	spop (v2sf)  }
0x1fc: {  	p1 =	slt.s32 s26, s18  }
0x1fd: {  	s21 =	smov.u32 @p1 s20  }
0x1fe: {  	s20 =	sadd.s32 $0x8, s21  }
0x1ff: {  	s28 =	smin.u32 s20, $0xFF  }
0x200: {  	s23 =	sshll.u32 s28, $0x4  }
0x201: {  	v3 =	vld [tilespmem:s23+$0x8100];
	_ =	sdelay $0x4  }
0x202: {  	(xrf0) =	vadd.scan.msk.s32 $0xffff, v3;
	_ =	sdelay $0x5  }
0x203: {  	v3, _, _ =	vpop (xrf0)  }
0x204: {  	(v2sf) =	vpush v3, $0xF;
	_ =	sdelay $0xe  }
0x205: {  	s29 =	spop (v2sf)  }
0x206: {  	p1 =	slt.s32 s29, s18  }
0x207: {  	s20 =	smov.u32 @p1 s21  }
0x208: {  	s21 =	sadd.s32 $0x4, s20  }
0x209: {  	s30 =	smin.u32 s21, $0xFF  }
0x20a: {  	s23 =	sshll.u32 s30, $0x4  }
0x20b: {  	v3 =	vld [tilespmem:s23+$0x8100];
	_ =	sdelay $0x4  }
0x20c: {  	(xrf0) =	vadd.scan.msk.s32 $0xffff, v3;
	_ =	sdelay $0x5  }
0x20d: {  	v3, _, _ =	vpop (xrf0)  }
0x20e: {  	(v2sf) =	vpush v3, $0xF;
	_ =	sdelay $0xe  }
0x20f: {  	s31 =	spop (v2sf)  }
0x210: {  	p1 =	slt.s32 s31, s18  }
0x211: {  	s21 =	smov.u32 @p1 s20  }
0x212: {  	s20 =	sadd.s32 $0x2, s21  }
0x213: {  	s0 =	smin.u32 s20, $0xFF  }
0x214: {  	s23 =	sshll.u32 s0, $0x4  }
0x215: {  	v3 =	vld [tilespmem:s23+$0x8100];
	_ =	sdelay $0x4  }
0x216: {  	(xrf0) =	vadd.scan.msk.s32 $0xffff, v3;
	_ =	sdelay $0x5  }
0x217: {  	v3, _, _ =	vpop (xrf0)  }
0x218: {  	(v2sf) =	vpush v3, $0xF;
	_ =	sdelay $0xe  }
0x219: {  	s1 =	spop (v2sf)  }
0x21a: {  	p1 =	slt.s32 s1, s18  }
0x21b: {  	s20 =	smov.u32 @p1 s21  }
0x21c: {  	s23 =	sadd.s32 $0x1, s20  }
0x21d: {  	s24 =	smin.u32 s23, $0xFF  }
0x21e: {  	s21 =	sshll.u32 s24, $0x4  }
0x21f: {  	v3 =	vld [tilespmem:s21+$0x8100];
	_ =	sdelay $0x4  }
0x220: {  	(xrf0) =	vadd.scan.msk.s32 $0xffff, v3;
	_ =	sdelay $0x5  }
0x221: {  	v3, _, _ =	vpop (xrf0)  }
0x222: {  	(v2sf) =	vpush v3, $0xF;
	_ =	sdelay $0xe  }
0x223: {  	s25 =	spop (v2sf)  }
0x224: {  	p1 =	slt.s32 s25, s18  }
0x225: {  	s23 =	smov.u32 @p1 s20  }
0x226: {  	s20 =	sshll.u32 s23, $0x4  }
0x227: {  	s26 =	smin.u32 s23, $0xFE;
	s20 =	sand.u32 $0x3FFFFFF0, s20  }
0x228: {  	s28 =	sshll.u32 s26, $0x4;
	v3 =	vld [tilespmem:s20+$0x8100]  }
0x229: {  	v63 =	vld [tilespmem:s28+$0x8110];
	_ =	sdelay $0x3  }
0x22a: {  	(xrf0) =	vadd.scan.msk.s32 $0xffff, v3  }
0x22b: {  	(xrf0) =	vadd.scan.msk.s32 $0xffff, v63;
	_ =	sdelay $0x4  }
0x22c: {  	v3, _, _ =	vpop (xrf0)  }
0x22d: {  	(v2sf) =	vpush v3, $0xF;
	v3, _, _ =	vpop (xrf0)  }
0x22e: {  	(v2sf) =	vpush v3, $0xF;
	_ =	sdelay $0xd  }
0x22f: {  	p2 =	sne.s32 s19, $0x0;
	s29 =	spop (v2sf)  }
0x230: {  	p1 =	slt.u32 s23, $0xFF;
	s25 =	spop (v2sf);
	p6 =	sne.s32 s18, s29  }
0x231: {  	s25 =	simm.s32 @!p1 $0x0;
	p1 =	por !p2, !p6  }
0x232: {  	s24 =	ssub.s32 s29, s25;
	p1 =	por !p1, !p1  }
0x233: {  	s30 =	sld [smem:$0x2];
	p2 =	sgt.s32 @p1 s24, $0x10  }
0x234: {  	p2 =	por !p1, p2  }
.Ltmp16:
0x235: {  	_ = 	snop;
	(pc) =	sbr.rel @p2 .LBB2_39-.Ltmp16, $4  }
0x236: {  	s31 =	sshll.u32 s30, $0x8;
	s21 =	smov.u32 s19;
	s18 =	ssub.s32 s18, s25  }
0x237: {  	s26 =	sadd.s32 $0xFFFFFFF8, s19;
	s20 =	sadd.s32 s23, s31;
	[smem:$0x1] =	sst s18  }
0x238: {  	s21 =	smov.u32 @p1 s26;
	[smem:$0x2] =	sst s20  }
0x239: {  	[smem:$0x3] =	sst s21  }
0x23a: {  	s20 =	sadd.s32 $0xF, s22  }
0x23b: {  	s21 =	sand.u32 $0xF, s20  }
0x23c: {  	s31 =	sshra.s32 s20, $0x1F;
	p3 =	slt.s32 s20, $0x1;
	p2 =	sne.s32 s21, $0x0  }
0x23d: {  	s21 =	sshrl.u32 s31, $0x1C;
	p2 =	por !p3, !p2  }
0x23e: {  	s20 =	sadd.s32 s21, s20;
	s21 =	simm.s32 $0x1;
	p2 =	por !p2, !p2  }
0x23f: {  	s20 =	sshra.s32 s20, $0x4;
	s21 =	simm.s32 @!p2 $0x0  }
0x240: {  	s20 =	ssub.s32 s20, s21  }
0x241: {  	s21 =	sshrl.u32 s20, $0x1E  }
0x242: {  	s21 =	sadd.s32 s21, s20  }
0x243: {  	s21 =	sand.u32 $0xFFFFFFFC, s21  }
0x244: {  	p2 =	slt.s32 s21, $0x1  }
.Ltmp17:
0x245: {  	_ = 	snop;
	(pc) =	sbr.rel @p2 .LBB2_27-.Ltmp17, $2  }
0x246: {  	_ =	sdelay $0x2  }
0x247: {  	v3 =	vmov s19  }
0x248: {  	s25 =	simm.s32 $0x5020  }
0x249: {  	v4 =	vld [tilespmem:s25+$0x10]  }
0x24a: {  	v6 =	vld [tilespmem:s25+$0x0]  }
0x24b: {  	v12 =	vld [tilespmem:s25+$0xFFFFFFE0]  }
0x24c: {  	s19 =	simm.s32 $0x0;
	v5 =	vld [tilespmem:s25+$0xFFFFFFF0]  }
0x24d: {  	v7 =	vmov s23;
	v8 =	vmov s22;
	s26 =	simm.s32 $0x30;
	s28 =	simm.s32 $0x10;
	v9 =	vor.u32 s19, v2  }
0x24e: {  	s31 =	simm.s32 $0x20;
	v10 =	vor.u32 s26, v2;
	v11 =	vor.u32 s28, v2;
	vm0 =	vlt.s32 v9, v8  }
0x24f: {  	p3 =	sgt.s32 s21, $0x4;
	v9 =	vor.u32 s31, v2;
	vm4 =	vlt.s32 v10, v8;
	vm1 =	vlt.s32 v11, v8  }
.Ltmp18:
0x250: {  	vm5 =	vlt.s32 v9, v8;
	v9 =	vshra.s32 v12, v3;
	v10 =	vshra.s32 v4, v3;
	(pc) =	sbr.rel @!p3 .LBB2_33-.Ltmp18, $4  }
0x251: {  	v11 =	vshra.s32 v5, v3;
	v13 =	vshra.s32 v6, v3;
	v9 =	vand.u32 $0xFF, v9  }
0x252: {  	v14 =	vand.u32 $0xFF, v10;
	vm2 =	veq.s32 v9, v7;
	v9 =	vand.u32 $0xFF, v11  }
0x253: {  	vm0 =	vmand vm0, vm2;
	vm2 =	veq.s32 v9, v7;
	v9 =	vand.u32 $0xFF, v13  }
0x254: {  	p2 =	por $0x0, $0x0;
	s25 =	simm.s32 $0x5060;
	v15 =	vmpcnt.ones.xlane vm0;
	vm6 =	vmand vm1, vm2;
	vm7 =	veq.s32 v9, v7  }
0x255: {  	v10 =	vld [tilespmem:s25+$0x10]  }
0x256: {  	v13 =	vmpcnt.ones.xlane vm6;
	vm1 =	vmand vm5, vm7;
	vm2 =	veq.s32 v14, v7;
	v9 =	vld [tilespmem:s25+$0x0]  }
0x257: {  	v11 =	vld [tilespmem:s25+$0xFFFFFFE0];
	v14 =	vmpcnt.ones.xlane vm1;
	vm2 =	vmand vm4, vm2;
	(v2sf) =	vpush v15, $0x0  }
0x258: {  	vm3 =	vmmov vm6;
	s29 =	simm.s32 $0x50;
	v15 =	vmpcnt.ones.xlane vm2;
	(v2sf) =	vpush v13, $0x0;
	v13 =	vld [tilespmem:s25+$0xFFFFFFF0];
	s25 =	simm.s32 $0x40  }
0x259: {  	s26 =	simm.s32 $0x60;
	v16 =	vor.u32 s29, v2;
	(v2sf) =	vpush v14, $0x0;
	v14 =	vor.u32 s25, v2  }
0x25a: {  	s28 =	simm.s32 $0x70;
	(v2sf) =	vpush v15, $0x0;
	vm6 =	vlt.s32 v14, v8;
	v14 =	vor.u32 s26, v2  }
0x25b: {  	p3 =	sgt.s32 s21, $0x8;
	vm7 =	vlt.s32 v16, v8;
	v15 =	vor.u32 s28, v2;
	vm5 =	vlt.s32 v14, v8  }
.Ltmp19:
0x25c: {  	vm4 =	vlt.s32 v15, v8;
	v14 =	vshra.s32 v11, v3;
	v15 =	vshra.s32 v10, v3;
	(pc) =	sbr.rel @!p3 .LBB2_35-.Ltmp19, $4  }
0x25d: {  	v17 =	vshra.s32 v9, v3;
	v14 =	vand.u32 $0xFF, v14;
	v16 =	vshra.s32 v13, v3  }
0x25e: {  	[tilespmem:s19+$0x6080] =	vst.msk vm0, v12;
	v12 =	vand.u32 $0xFF, v17;
	vm8 =	veq.s32 v14, v7;
	v16 =	vand.u32 $0xFF, v16  }
0x25f: {  	p2 =	por $0x1, $0x1;
	v14 =	vand.u32 $0xFF, v15;
	vm0 =	vmand vm6, vm8;
	vm6 =	veq.s32 v16, v7  }
0x260: {  	s29 =	simm.s32 $0x50A0;
	s28 =	simm.s32 $0x8;
	s26 =	simm.s32 $0x0;
	v15 =	vmpcnt.ones.xlane vm0;
	vm6 =	vmand vm7, vm6;
	vm7 =	veq.s32 v12, v7  }
.LBB2_36:
0x261: {  	v16 =	vmpcnt.ones.xlane vm6;
	vm10 =	veq.s32 v14, v7;
	vm8 =	vmmov vm1  }
0x262: {  	v12 =	vld [tilespmem:s29+$0x10];
	vm1 =	vmand vm5, vm7;
	vm7 =	vmmov vm2;
	vm9 =	vmmov vm3  }
0x263: {  	v17 =	vld [tilespmem:s29+$0x0];
	v14 =	vmpcnt.ones.xlane vm1;
	vm2 =	vmand vm4, vm10;
	(v2sf) =	vpush v15, $0x0  }
0x264: {  	s28 =	sadd.s32 $0x4, s28;
	vm3 =	vmmov vm6;
	v15 =	vld [tilespmem:s29+$0xFFFFFFE0];
	v18 =	vmpcnt.ones.xlane vm2;
	(v2sf) =	vpush v16, $0x0  }
0x265: {  	s25 =	sadd.s32 $0x40, s25;
	p3 =	slt.s32 s28, s21;
	v16 =	vld [tilespmem:s29+$0xFFFFFFF0];
	(v2sf) =	vpush v14, $0x0  }
0x266: {  	s30 =	sadd.s32 $0x20, s25;
	s31 =	sadd.s32 $0x30, s25;
	v14 =	vor.u32 s25, v2;
	(v2sf) =	vpush v18, $0x0;
	s0 =	spop (v2sf)  }
0x267: {  	s1 =	sadd.s32 $0x10, s25;
	vm6 =	vlt.s32 v14, v8;
	v14 =	vor.u32 s30, v2;
	v18 =	vor.u32 s31, v2;
	s0 =	sadd.s32 s26, s0;
	s26 =	spop (v2sf)  }
0x268: {  	v19 =	vor.u32 s1, v2;
	vm5 =	vlt.s32 v14, v8;
	vm4 =	vlt.s32 v18, v8;
	[tilespmem:s0+$0x6080] =	vst.msk vm9, v5;
	s0 =	sadd.s32 s0, s26;
	s1 =	spop (v2sf);
	v5 =	vmovc v13  }
.Ltmp20:
0x269: {  	v14 =	vshra.s32 v12, v3;
	vm9 =	vlt.s32 v19, v8;
	v13 =	vshra.s32 v15, v3;
	[tilespmem:s0+$0x6080] =	vst.msk vm8, v6;
	s0 =	sadd.s32 s0, s1;
	s1 =	spop (v2sf);
	(pc) =	sbr.rel @p3 .LBB2_36-.Ltmp20, $4  }
0x26a: {  	v18 =	vshra.s32 v17, v3;
	v19 =	vand.u32 $0xFF, v13;
	v13 =	vshra.s32 v16, v3;
	[tilespmem:s0+$0x6080] =	vst.msk vm7, v4;
	s26 =	sadd.s32 s0, s1;
	v4 =	vmovc v10  }
0x26b: {  	v14 =	vand.u32 $0xFF, v14;
	v6 =	vmovc v9;
	v10 =	vmovc v12;
	vm7 =	veq.s32 v19, v7;
	v19 =	vand.u32 $0xFF, v13;
	[tilespmem:s26+$0x6080] =	vst.msk vm0, v11  }
0x26c: {  	v9 =	vmovc v17;
	v12 =	vand.u32 $0xFF, v18;
	v11 =	vmovc v15;
	vm0 =	vmand vm6, vm7;
	vm6 =	veq.s32 v19, v7  }
0x26d: {  	s29 =	sadd.s32 $0x40, s29;
	vm7 =	veq.s32 v12, v7;
	v15 =	vmpcnt.ones.xlane vm0;
	vm6 =	vmand vm9, vm6;
	v13 =	vmovc v16  }
0x26e: {  	v8 =	vmov v5;
	v16 =	vmov v6  }
0x26f: {  	v17 =	vmovc v4;
	v5 =	vmovc v13;
	v4 =	vmov v10;
	v12 =	vmov v11;
	v6 =	vmov v9  }
.LBB2_38:
0x270: {  	v9 =	vmpcnt.ones.xlane vm6;
	vm5 =	vmand vm5, vm7;
	vm11 =	veq.s32 v14, v7  }
0x271: {  	(v2sf) =	vpush v15, $0x0;
	v63 =	vmpcnt.ones.xlane vm5;
	vm4 =	vmand vm4, vm11  }
0x272: {  	v10 =	vmpcnt.ones.xlane vm4;
	(v2sf) =	vpush v9, $0x0  }
0x273: {  	(v2sf) =	vpush v63, $0x0  }
0x274: {  	(v2sf) =	vpush v10, $0x0;
	_ =	sdelay $0x6  }
0x275: {  	s0 =	spop @p2 (v2sf)  }
0x276: {  	s0 =	sadd.s32 @p2 s26, s0;
	s1 =	spop @p2 (v2sf)  }
0x277: {  	vm3 =	vmmov @p2 vm3;
	s1 =	sadd.s32 @p2 s0, s1;
	s25 =	spop @p2 (v2sf)  }
0x278: {  	vm1 =	vmmov @p2 vm1;
	[tilespmem:s0+$0x6080] =	vst.msk @p2 vm3, v8;
	s0 =	sadd.s32 @p2 s1, s25;
	s25 =	spop @p2 (v2sf)  }
0x279: {  	[tilespmem:s1+$0x6080] =	vst.msk @p2 vm1, v16;
	vm1 =	vmmov @p2 vm2;
	s1 =	sadd.s32 @p2 s0, s25  }
.Ltmp21:
0x27a: {  	vm12 =	vmmov vm6;
	[tilespmem:s0+$0x6080] =	vst.msk @p2 vm1, v17;
	s19 =	smov.u32 @p2 s1;
	s28 =	spop (v2sf);
	(pc) =	sbr.rel .LBB2_28-.Ltmp21, $4  }
0x27b: {  	vm13 =	vmmov vm12;
	[tilespmem:s19+$0x6080] =	vst.msk vm0, v12;
	s0 =	sadd.s32 s19, s28;
	s29 =	spop (v2sf)  }
0x27c: {  	vm14 =	vmmov vm5;
	[tilespmem:s0+$0x6080] =	vst.msk vm13, v5;
	s0 =	sadd.s32 s0, s29;
	s30 =	spop (v2sf)  }
0x27d: {  	vm15 =	vmmov vm4;
	[tilespmem:s0+$0x6080] =	vst.msk vm14, v6;
	s0 =	sadd.s32 s0, s30;
	s31 =	spop (v2sf)  }
0x27e: {  	[tilespmem:s0+$0x6080] =	vst.msk vm15, v4;
	s19 =	sadd.s32 s0, s31  }
.LBB2_39:
0x27f: {  	p2 =	slt.s32 s24, $0x11;
	p3 =	por !p1, !p1  }
0x280: {  	p2 =	por p3, p2  }
.Ltmp22:
0x281: {  	_ = 	snop;
	(pc) =	sbr.rel @p2 .LBB2_45-.Ltmp22, $1  }
0x282: {  	_ =	sdelay $0x3  }
0x283: {  	s0 =	sadd.s32 $0xF, s22  }
0x284: {  	s1 =	sand.u32 $0xF, s0  }
0x285: {  	s31 =	sshra.s32 s0, $0x1F;
	p3 =	slt.s32 s0, $0x1;
	p2 =	sne.s32 s1, $0x0  }
0x286: {  	s1 =	sshrl.u32 s31, $0x1C;
	p2 =	por !p3, !p2  }
0x287: {  	s0 =	sadd.s32 s1, s0;
	s1 =	simm.s32 $0x1;
	p2 =	por !p2, !p2  }
0x288: {  	s0 =	sshra.s32 s0, $0x4;
	s1 =	simm.s32 @!p2 $0x0  }
0x289: {  	s24 =	ssub.s32 s0, s1  }
0x28a: {  	s0 =	sshrl.u32 s24, $0x1E  }
0x28b: {  	s0 =	sadd.s32 s0, s24  }
0x28c: {  	s25 =	sand.u32 $0xFFFFFFFC, s0  }
0x28d: {  	p2 =	slt.s32 s25, $0x1  }
.Ltmp23:
0x28e: {  	_ = 	snop;
	(pc) =	sbr.rel @p2 .LBB2_41-.Ltmp23, $3  }
0x28f: {  	_ =	sdelay $0x1  }
0x290: {  	v3 =	vmov s26  }
0x291: {  	v4 =	vmov s19;
	v5 =	vmov s23;
	v6 =	vmov s22;
	s19 =	simm.s32 $0x0  }
0x292: {  	s22 =	simm.s32 $0x5020  }
0x293: {  	v7 =	vld [tilespmem:s22+$0x10]  }
0x294: {  	v8 =	vld [tilespmem:s22+$0x0]  }
0x295: {  	v10 =	vld [tilespmem:s22+$0xFFFFFFE0]  }
0x296: {  	v9 =	vld [tilespmem:s22+$0xFFFFFFF0]  }
0x297: {  	v11 =	vor.u32 s19, v2;
	s0 =	simm.s32 $0x20;
	s1 =	simm.s32 $0x30  }
0x298: {  	s31 =	simm.s32 $0x10;
	vm0 =	vlt.s32 v11, v6;
	v11 =	vor.u32 s0, v2;
	v12 =	vor.u32 s1, v2  }
0x299: {  	v13 =	vor.u32 s31, v2;
	vm2 =	vlt.s32 v11, v6;
	vm3 =	vlt.s32 v12, v6  }
0x29a: {  	vm1 =	vlt.s32 v13, v6;
	v11 =	vshra.s32 v10, v4;
	v12 =	vshra.s32 v7, v4  }
0x29b: {  	v13 =	vshra.s32 v9, v4;
	v14 =	vshra.s32 v8, v4;
	v11 =	vand.u32 $0xFF, v11  }
0x29c: {  	v12 =	vand.u32 $0xFF, v12;
	vm4 =	veq.s32 v11, v5;
	v11 =	vand.u32 $0xFF, v13  }
0x29d: {  	vm0 =	vmand vm0, vm4;
	vm4 =	veq.s32 v11, v5;
	v11 =	vand.u32 $0xFF, v14  }
0x29e: {  	v13 =	vmpcnt.ones.xlane vm0;
	vm1 =	vmand vm1, vm4;
	vm4 =	veq.s32 v11, v5  }
0x29f: {  	p2 =	sgt.s32 s25, $0x4;
	v11 =	vmpcnt.ones.xlane vm1;
	vm2 =	vmand vm2, vm4;
	vm4 =	veq.s32 v12, v5  }
.Ltmp24:
0x2a0: {  	v12 =	vmpcnt.ones.xlane vm2;
	vm4 =	vmand vm3, vm4;
	(v2sf) =	vpush v13, $0x0;
	(pc) =	sbr.rel @!p2 .LBB2_49-.Ltmp24, $4  }
0x2a1: {  	v15 =	vshra.s32 v8, v3;
	v14 =	vmpcnt.ones.xlane vm4;
	(v2sf) =	vpush v11, $0x0  }
0x2a2: {  	v16 =	vshra.s32 v7, v3;
	v13 =	vshra.s32 v10, v3;
	(v2sf) =	vpush v12, $0x0  }
0x2a3: {  	v11 =	vshra.s32 v9, v3;
	v12 =	vshll.u32 v13, $0x4;
	(v2sf) =	vpush v14, $0x0  }
0x2a4: {  	s23 =	simm.s32 $0x5060;
	s26 =	simm.s32 $0x0;
	s22 =	simm.s32 $0x4;
	v11 =	vshll.u32 v11, $0x4;
	v13 =	vshll.u32 v15, $0x4;
	v14 =	vshll.u32 v16, $0x4  }
.LBB2_48:
0x2a5: {  	v15 =	vld [tilespmem:s23+$0x10];
	[tilespmem:s19+$0x6080] =	vst.msk vm0, v10;
	v10 =	vor.u32 v2, v12;
	v11 =	vor.u32 v2, v11;
	v12 =	vor.u32 v2, v13  }
0x2a6: {  	v13 =	vld [tilespmem:s23+$0x0];
	v16 =	vand.u32 $0xFFF, v10;
	v17 =	vand.u32 $0xFFF, v11;
	v11 =	vor.u32 v2, v14  }
0x2a7: {  	s22 =	sadd.s32 $0x4, s22;
	vm3 =	vmmov vm1;
	v14 =	vand.u32 $0xFFF, v12;
	v10 =	vld [tilespmem:s23+$0xFFFFFFE0];
	v11 =	vand.u32 $0xFFF, v11  }
0x2a8: {  	s26 =	sadd.s32 $0x40, s26;
	vm5 =	vmmov vm2;
	vm6 =	vmmov vm4;
	p2 =	slt.s32 s22, s25;
	v12 =	vld [tilespmem:s23+$0xFFFFFFF0]  }
0x2a9: {  	v18 =	vor.u32 s26, v2;
	s0 =	sadd.s32 $0x20, s26;
	s1 =	sadd.s32 $0x30, s26  }
0x2aa: {  	s28 =	sadd.s32 $0x10, s26;
	vm1 =	vlt.s32 v18, v6;
	v18 =	vor.u32 s0, v2;
	v19 =	vor.u32 s1, v2  }
0x2ab: {  	v20 =	vor.u32 s28, v2;
	vm2 =	vlt.s32 v18, v6;
	vm4 =	vlt.s32 v19, v6;
	[tilespmem:v16+s14+$0x0] =	vst.idx.add.s32.msk vm0, v1  }
0x2ac: {  	vm7 =	vlt.s32 v20, v6;
	v18 =	vshra.s32 v15, v4;
	v16 =	vshra.s32 v10, v4  }
0x2ad: {  	v20 =	vshra.s32 v13, v4;
	v16 =	vand.u32 $0xFF, v16;
	v19 =	vshra.s32 v12, v4  }
0x2ae: {  	v18 =	vand.u32 $0xFF, v18;
	vm0 =	veq.s32 v16, v5;
	v16 =	vand.u32 $0xFF, v19  }
0x2af: {  	vm0 =	vmand vm1, vm0;
	vm1 =	veq.s32 v16, v5;
	v16 =	vand.u32 $0xFF, v20;
	s0 =	spop (v2sf)  }
0x2b0: {  	v19 =	vmpcnt.ones.xlane vm0;
	vm1 =	vmand vm7, vm1;
	vm7 =	veq.s32 v16, v5;
	s0 =	sadd.s32 s19, s0;
	s1 =	spop (v2sf)  }
0x2b1: {  	v16 =	vmpcnt.ones.xlane vm1;
	vm2 =	vmand vm2, vm7;
	vm7 =	veq.s32 v18, v5;
	[tilespmem:s0+$0x6080] =	vst.msk vm3, v9;
	s0 =	sadd.s32 s0, s1;
	s1 =	spop (v2sf);
	v9 =	vmovc v12  }
.Ltmp25:
0x2b2: {  	v12 =	vmpcnt.ones.xlane vm2;
	vm4 =	vmand vm4, vm7;
	(v2sf) =	vpush v19, $0x0;
	[tilespmem:s0+$0x6080] =	vst.msk vm5, v8;
	s0 =	sadd.s32 s0, s1;
	s1 =	spop (v2sf);
	v8 =	vmovc v13;
	(pc) =	sbr.rel @p2 .LBB2_48-.Ltmp25, $4  }
0x2b3: {  	v13 =	vshra.s32 v10, v3;
	v18 =	vmpcnt.ones.xlane vm4;
	(v2sf) =	vpush v16, $0x0;
	[tilespmem:s0+$0x6080] =	vst.msk vm6, v7;
	s19 =	sadd.s32 s0, s1;
	v7 =	vmovc v15  }
0x2b4: {  	v15 =	vshra.s32 v9, v3;
	v16 =	vshra.s32 v8, v3;
	(v2sf) =	vpush v12, $0x0;
	[tilespmem:v11+s14+$0x0] =	vst.idx.add.s32.msk vm6, v1  }
0x2b5: {  	v12 =	vshll.u32 v13, $0x4;
	v19 =	vshra.s32 v7, v3;
	(v2sf) =	vpush v18, $0x0;
	[tilespmem:v14+s14+$0x0] =	vst.idx.add.s32.msk vm5, v1  }
0x2b6: {  	s23 =	sadd.s32 $0x40, s23;
	v11 =	vshll.u32 v15, $0x4;
	v13 =	vshll.u32 v16, $0x4;
	v14 =	vshll.u32 v19, $0x4;
	[tilespmem:v17+s14+$0x0] =	vst.idx.add.s32.msk vm3, v1  }
.LBB2_49:
0x2b7: {  	_ =	sdelay $0x4  }
0x2b8: {  	v12 =	vor.u32 v2, v12  }
0x2b9: {  	v12 =	vand.u32 $0xFFF, v12;
	_ =	sdelay $0x1  }
0x2ba: {  	v11 =	vor.u32 v2, v11;
	vm1 =	vmmov vm1  }
0x2bb: {  	v11 =	vand.u32 $0xFFF, v11  }
0x2bc: {  	[tilespmem:s19+$0x6080] =	vst.msk vm0, v10;
	v62 =	vor.u32 v2, v13;
	vm2 =	vmmov vm2;
	s0 =	spop (v2sf)  }
0x2bd: {  	v14 =	vor.u32 v2, v14;
	v10 =	vand.u32 $0xFFF, v62;
	[tilespmem:v12+s14+$0x0] =	vst.idx.add.s32.msk vm0, v1;
	s0 =	sadd.s32 s19, s0;
	s1 =	spop (v2sf)  }
0x2be: {  	v63 =	vand.u32 $0xFFF, v14;
	[tilespmem:s0+$0x6080] =	vst.msk vm1, v9;
	s0 =	sadd.s32 s0, s1  }
0x2bf: {  	s30 =	spop (v2sf);
	[tilespmem:s0+$0x6080] =	vst.msk vm2, v8  }
0x2c0: {  	vm3 =	vmmov vm4;
	s0 =	sadd.s32 s0, s30;
	[tilespmem:v11+s14+$0x0] =	vst.idx.add.s32.msk vm1, v1  }
0x2c1: {  	[tilespmem:s0+$0x6080] =	vst.msk vm3, v7  }
0x2c2: {  	s31 =	spop (v2sf);
	[tilespmem:v10+s14+$0x0] =	vst.idx.add.s32.msk vm2, v1  }
0x2c3: {  	s19 =	sadd.s32 s0, s31;
	[tilespmem:v63+s14+$0x0] =	vst.idx.add.s32.msk vm4, v1  }
.LBB2_41:
0x2c4: {  	s0 =	ssub.s32 s24, s25  }
0x2c5: {  	p2 =	slt.s32 s0, $0x1  }
.Ltmp26:
0x2c6: {  	_ = 	snop;
	(pc) =	sbr.rel @p2 .LBB2_44-.Ltmp26, $1  }
0x2c7: {  	_ =	sdelay $0x3  }
0x2c8: {  	s0 =	sshll.u32 s25, $0x6  }
0x2c9: {  	s0 =	sshra.s32 s0, $0x2  }
0x2ca: {  	s23 =	sshll.u32 s25, $0x4;
	s22 =	sadd.s32 $0x5000, s0  }
.LBB2_43:
0x2cb: {  	v7 =	vld [tilespmem:s22+$0x0];
	_ =	sdelay $0x4  }
0x2cc: {  	v8 =	vshra.s32 v7, v4  }
0x2cd: {  	v9 =	vor.u32 s23, v2;
	v8 =	vand.u32 $0xFF, v8  }
0x2ce: {  	vm1 =	vlt.s32 v9, v6;
	vm0 =	veq.s32 v8, v5  }
0x2cf: {  	vm0 =	vmand vm1, vm0  }
0x2d0: {  	v8 =	vmpcnt.ones.xlane vm0;
	_ =	sdelay $0x1  }
0x2d1: {  	(v2sf) =	vpush v8, $0x0;
	_ =	sdelay $0x7  }
0x2d2: {  	v8 =	vshra.s32 v7, v3  }
0x2d3: {  	v8 =	vshll.u32 v8, $0x4  }
0x2d4: {  	s25 =	sadd.s32 $0x1, s25;
	v8 =	vor.u32 v2, v8  }
0x2d5: {  	p2 =	slt.s32 s25, s24;
	v8 =	vand.u32 $0xFFF, v8  }
.Ltmp27:
0x2d6: {  	_ = 	snop;
	(pc) =	sbr.rel @p2 .LBB2_43-.Ltmp27, $3  }
0x2d7: {  	_ =	sdelay $0x1  }
0x2d8: {  	[tilespmem:s19+$0x6080] =	vst.msk vm0, v7;
	s0 =	spop (v2sf)  }
0x2d9: {  	s22 =	sadd.s32 $0x10, s22;
	s23 =	sadd.s32 $0x10, s23;
	[tilespmem:v8+s14+$0x0] =	vst.idx.add.s32.msk vm0, v1;
	s19 =	sadd.s32 s19, s0  }
.LBB2_44:
.Ltmp28:
0x2da: {  	(pc) =	sbr.rel .LBB2_45-.Ltmp28, $2  }
0x2db: {  	_ =	sdelay $0x2  }
0x2dc: {  	[smem:$0x0] =	sst s19  }
.LBB2_27:
0x2dd: {  	s19 =	simm.s32 $0x0  }
.LBB2_28:
0x2de: {  	s25 =	ssub.s32 s20, s21  }
0x2df: {  	p2 =	slt.s32 s25, $0x1  }
.Ltmp29:
0x2e0: {  	_ = 	snop;
	(pc) =	sbr.rel @p2 .LBB2_31-.Ltmp29, $1  }
0x2e1: {  	_ =	sdelay $0x3  }
0x2e2: {  	s25 =	sshll.u32 s21, $0x6  }
0x2e3: {  	s25 =	sshra.s32 s25, $0x2  }
0x2e4: {  	v4 =	vmov s23;
	v5 =	vmov s22;
	s23 =	sshll.u32 s21, $0x4;
	s22 =	sadd.s32 $0x5000, s25  }
.LBB2_30:
0x2e5: {  	v6 =	vld [tilespmem:s22+$0x0];
	_ =	sdelay $0x4  }
0x2e6: {  	v7 =	vshra.s32 v6, v3  }
0x2e7: {  	v8 =	vor.u32 s23, v2;
	v7 =	vand.u32 $0xFF, v7  }
0x2e8: {  	vm1 =	vlt.s32 v8, v5;
	vm0 =	veq.s32 v7, v4  }
0x2e9: {  	vm0 =	vmand vm1, vm0  }
0x2ea: {  	v7 =	vmpcnt.ones.xlane vm0;
	_ =	sdelay $0x1  }
0x2eb: {  	(v2sf) =	vpush v7, $0x0;
	_ =	sdelay $0x9  }
0x2ec: {  	s21 =	sadd.s32 $0x1, s21  }
0x2ed: {  	p2 =	slt.s32 s21, s20  }
.Ltmp30:
0x2ee: {  	_ = 	snop;
	(pc) =	sbr.rel @p2 .LBB2_30-.Ltmp30, $3  }
0x2ef: {  	_ =	sdelay $0x1  }
0x2f0: {  	s0 =	spop (v2sf)  }
0x2f1: {  	s22 =	sadd.s32 $0x10, s22;
	s23 =	sadd.s32 $0x10, s23;
	[tilespmem:s19+$0x6080] =	vst.msk vm0, v6;
	s19 =	sadd.s32 s19, s0  }
.LBB2_31:
0x2f2: {  	v3 =	vld [tilespmem:$0x6080];
	_ =	sdelay $0x3  }
0x2f3: {  	v4 =	vmov s24  }
0x2f4: {  	vm0 =	vgt.s32 v4, v2;
	v63 =	vxor.u32 $0x80000000, v3  }
0x2f5: {  	(xrf1) =	vsort.dscd.msk.u32 vm0, v63, v3;
	_ =	sdelay $0xd  }
0x2f6: {  	v4, _, _ =	vpop (xrf1)  }
0x2f7: {  	v4 =	vxor.u32 $0x80000000, v4  }
0x2f8: {  	[tilespmem:$0x6080] =	vst v4  }
0x2f9: {  	v4 =	vld [tilespmem:s18+$0x607F];
	_ =	sdelay $0x4  }
0x2fa: {  	v5 =	vbroadcast v4, $0x0;
	_ =	sdelay $0x1  }
0x2fb: {  	vm1 =	vgt.s32 v3, v5  }
0x2fc: {  	vm0 =	vmand vm0, vm1  }
0x2fd: {  	v3 =	vsel vm0, $0x1, v0  }
0x2fe: {  	(xrf0) =	vadd.scan.msk.s32 $0xffff, v3;
	_ =	sdelay $0x5  }
0x2ff: {  	(v2sf) =	vpush v4, $0x0;
	v3, _, _ =	vpop (xrf0)  }
0x300: {  	(v2sf) =	vpush v3, $0xF;
	_ =	sdelay $0xd  }
0x301: {  	s20 =	spop (v2sf)  }
0x302: {  	s0 =	spop (v2sf)  }
0x303: {  	s18 =	ssub.s32 s18, s0  }
0x304: {  	[smem:$0x1] =	sst s18  }
0x305: {  	s21 =	simm.s32 $0x0;
	[smem:$0x2] =	sst s20  }
0x306: {  	[smem:$0x3] =	sst s21  }
0x307: {  	[smem:$0x4] =	sst s13  }
.LBB2_45:
.Ltmp31:
0x308: {  	(pc) =	sbr.rel @!p1 .LBB2_46-.Ltmp31, $1  }
0x309: {  	_ =	sdelay $0x3  }
0x30a: {  	s0 =	sld [smem:$0x4];
	_ =	sdelay $0x2  }
0x30b: {  	p1 =	sne.s32 s0, $0x0  }
.Ltmp32:
0x30c: {  	_ = 	snop;
	(pc) =	sbr.rel @!p1 .LBB2_52-.Ltmp32, $1  }
0x30d: {  	_ =	sdelay $0x3  }
.Ltmp33:
0x30e: {  	(pc) =	sbr.rel .LBB2_90-.Ltmp33, $2  }
0x30f: {  	_ =	sdelay $0x2  }
0x310: {  	s19 =	smov.u32 s21  }
.LBB2_46:
0x311: {  	s19 =	smov.u32 s21  }
.LBB2_89:
0x312: {  	[smem:$0x4] =	sst s13  }
.LBB2_90:
0x313: {  	s0 =	simm.s32 $0x4020  }
0x314: {  	v3 =	vld [tilespmem:s0+$0xFFFFFFF0]  }
0x315: {  	v6 =	vld [tilespmem:s0+$0x10]  }
0x316: {  	v7 =	vld [tilespmem:s0+$0xFFFFFFE0];
	_ =	sdelay $0x1  }
0x317: {  	v5 =	vmov s19;
	v8 =	vld [tilespmem:s0+$0x0]  }
0x318: {  	v4 =	vmov s20;
	v9 =	vshra.s32 v3, v5  }
0x319: {  	v6 =	vshra.s32 v6, v5;
	vm1 =	veq.s32 v9, v4  }
0x31a: {  	v7 =	vshra.s32 v7, v5;
	vm0 =	veq.s32 v6, v4;
	v3 =	vsel vm1, $0x1, v0  }
0x31b: {  	vm6 =	veq.s32 v7, v4;
	v10 =	vsel vm0, $0x1, v0;
	(xrf0) =	vadd.scan.msk.s32 $0xffff, v3  }
0x31c: {  	v8 =	vshra.s32 v8, v5;
	v3 =	vsel vm6, $0x1, v0;
	(xrf0) =	vadd.scan.msk.s32 $0xffff, v10  }
0x31d: {  	vm2 =	veq.s32 v8, v4;
	(xrf0) =	vadd.scan.msk.s32 $0xffff, v3  }
0x31e: {  	vm3 =	vgt.s32 v8, v4;
	v10 =	vsel vm2, $0x1, v0  }
0x31f: {  	s29 =	simm.s32 $0x4060;
	vm4 =	vgt.s32 v6, v4;
	vm9 =	vgt.s32 v9, v4;
	v11 =	vmpcnt.ones.xlane vm6;
	(xrf0) =	vadd.scan.msk.s32 $0xffff, v10  }
0x320: {  	v13 =	vld [tilespmem:s29+$0xFFFFFFF0];
	v12 =	vmpcnt.ones.xlane vm1;
	vm5 =	vmmov vm0;
	v10 =	vimm.s32 $0x0  }
0x321: {  	v8 =	vld [tilespmem:s29+$0x10];
	v14 =	vmpcnt.ones.xlane vm2;
	v15 =	vmpcnt.ones.xlane vm5;
	v11 =	vadd.s32 v10, v11;
	v6, _, _ =	vpop (xrf0)  }
0x322: {  	v17 =	vld [tilespmem:s29+$0x0];
	v3 =	vmov s18;
	v9 =	vadd.s32 v11, v12;
	v16, _, _ =	vpop (xrf0);
	v6 =	vadd.s32 v11, v6  }
0x323: {  	vm8 =	vgt.s32 v7, v4;
	vm7 =	vle.s32 v6, v3;
	v6 =	vadd.s32 v9, v14;
	v7, _, _ =	vpop (xrf0)  }
0x324: {  	v11 =	vld [tilespmem:s29+$0xFFFFFFE0];
	v10 =	vadd.s32 v10, v7;
	v12 =	vadd.s32 v6, v16;
	v6 =	vadd.s32 v6, v15  }
0x325: {  	v14, _, _ =	vpop (xrf0);
	v7 =	vshra.s32 v13, v5;
	vm11 =	vmand vm1, vm7;
	vm10 =	vle.s32 v10, v3  }
0x326: {  	v13 =	vadd.s32 v9, v14;
	vm0 =	veq.s32 v7, v4;
	v9 =	vshra.s32 v8, v5  }
0x327: {  	v10 =	vshra.s32 v17, v5;
	vm9 =	vmor vm9, vm11;
	vm11 =	vle.s32 v12, v3  }
0x328: {  	vm7 =	veq.s32 v9, v4;
	vm12 =	vle.s32 v13, v3;
	v13 =	vsel vm0, $0x1, v0  }
0x329: {  	s19 =	simm.s32 $0x30;
	s20 =	simm.s32 $0x4;
	vm6 =	vmand vm6, vm10;
	v14 =	vsel vm7, $0x1, v0;
	v8 =	vshra.s32 v11, v5;
	(xrf0) =	vadd.scan.msk.s32 $0xffff, v13  }
0x32a: {  	s30 =	simm.s32 $0x0;
	s22 =	simm.s32 $0x10;
	s23 =	simm.s32 $0x20;
	vm1 =	veq.s32 v10, v4;
	vm10 =	vmand vm2, vm12;
	vm2 =	veq.s32 v8, v4;
	(xrf0) =	vadd.scan.msk.s32 $0xffff, v14  }
0x32b: {  	s1 =	sand.u32 $0x70, s19;
	s21 =	sand.u32 $0xF80, s30;
	s18 =	sadd.s32 $0x9100, s17;
	v12 =	vmpcnt.ones.xlane vm0;
	vm5 =	vmand vm5, vm11;
	v11 =	vsel vm2, $0x1, v0  }
0x32c: {  	s0 =	sand.u32 $0x40, s30;
	s31 =	sand.u32 $0x50, s22;
	s24 =	sadd.s32 s21, s18;
	vm6 =	vmor vm8, vm6;
	vm4 =	vmor vm4, vm5;
	v14 =	vsel vm1, $0x1, v0;
	(xrf0) =	vadd.scan.msk.s32 $0xffff, v11  }
0x32d: {  	s23 =	sand.u32 $0x60, s23;
	s21 =	simm.s32 $0x40A0;
	s0 =	sadd.s32 s0, s24;
	vm8 =	vmor vm3, vm10;
	vm3 =	vmmov vm7;
	(xrf0) =	vadd.scan.msk.s32 $0xffff, v14;
	v14 =	vsel vm6, $0x1, v0  }
0x32e: {  	s22 =	sadd.s32 s31, s24;
	s23 =	sadd.s32 s23, s24;
	s24 =	sadd.s32 s1, s24;
	v13 =	vmpcnt.ones.xlane vm2;
	v11 =	vsel vm9, $0x1, v0;
	[tilespmem:s0+$0x0] =	vst v14;
	v14 =	vsel vm4, $0x1, v0  }
.LBB2_91:
0x32f: {  	v15 =	vld [tilespmem:s21+$0xFFFFFFF0];
	s20 =	sadd.s32 $0x4, s20;
	vm4 =	vgt.s32 v10, v4;
	vm5 =	vgt.s32 v9, v4;
	v9, _, _ =	vpop (xrf0);
	v10 =	vsel vm8, $0x1, v0;
	[tilespmem:s24+$0x0] =	vst v14;
	s19 =	sadd.s32 $0x40, s19  }
0x330: {  	v13 =	vadd.s32 v6, v13;
	v16 =	vmpcnt.ones.xlane vm1;
	v17 =	vmpcnt.ones.xlane vm3;
	v14 =	vld [tilespmem:s21+$0x10];
	p1 =	slt.u32 s20, $0xFC;
	v18, _, _ =	vpop (xrf0);
	[tilespmem:s23+$0x0] =	vst v10  }
0x331: {  	vm8 =	vgt.s32 v7, v4;
	v7 =	vadd.s32 v13, v9;
	v9 =	vadd.s32 v13, v12;
	v10 =	vld [tilespmem:s21+$0x0];
	[tilespmem:s22+$0x0] =	vst v11  }
0x332: {  	vm7 =	vgt.s32 v8, v4;
	vm6 =	vle.s32 v7, v3;
	v7 =	vadd.s32 v9, v16;
	v11 =	vld [tilespmem:s21+$0xFFFFFFE0];
	v8, _, _ =	vpop (xrf0)  }
0x333: {  	v12 =	vadd.s32 v7, v18;
	v8 =	vadd.s32 v6, v8;
	v6 =	vadd.s32 v7, v17;
	v13, _, _ =	vpop (xrf0)  }
0x334: {  	v7 =	vshra.s32 v15, v5;
	vm9 =	vle.s32 v8, v3;
	v8 =	vadd.s32 v9, v13  }
0x335: {  	vm10 =	vmand vm0, vm6;
	v9 =	vshra.s32 v14, v5;
	vm0 =	veq.s32 v7, v4  }
0x336: {  	vm11 =	vle.s32 v8, v3;
	v10 =	vshra.s32 v10, v5;
	vm6 =	veq.s32 v9, v4  }
0x337: {  	vm12 =	vmand vm2, vm9;
	v13 =	vsel vm0, $0x1, v0;
	v14 =	vsel vm6, $0x1, v0  }
0x338: {  	vm9 =	vmand vm1, vm11;
	v8 =	vshra.s32 v11, v5;
	vm1 =	veq.s32 v10, v4;
	(xrf0) =	vadd.scan.msk.s32 $0xffff, v13  }
.Ltmp34:
0x339: {  	s0 =	sadd.s32 $0xFFFFFFD0, s19;
	s1 =	sand.u32 $0x70, s19;
	vm8 =	vmor vm8, vm10;
	vm10 =	vle.s32 v12, v3;
	vm2 =	veq.s32 v8, v4;
	(xrf0) =	vadd.scan.msk.s32 $0xffff, v14;
	(pc) =	sbr.rel @p1 .LBB2_91-.Ltmp34, $4  }
0x33a: {  	s23 =	sadd.s32 $0xFFFFFFE0, s19;
	s24 =	sadd.s32 $0xFFFFFFF0, s19;
	s22 =	sand.u32 $0xF80, s0;
	v11 =	vsel vm2, $0x1, v0;
	v13 =	vmpcnt.ones.xlane vm2;
	v14 =	vsel vm1, $0x1, v0  }
0x33b: {  	s0 =	sand.u32 $0x40, s0;
	s25 =	sadd.s32 s22, s18;
	s22 =	sand.u32 $0x50, s23;
	vm3 =	vmand vm3, vm10;
	v12 =	vmpcnt.ones.xlane vm0;
	vm7 =	vmor vm7, vm12;
	(xrf0) =	vadd.scan.msk.s32 $0xffff, v11  }
0x33c: {  	s23 =	sand.u32 $0x60, s24;
	s0 =	sadd.s32 s0, s25;
	s22 =	sadd.s32 s22, s25;
	vm3 =	vmor vm5, vm3;
	v11 =	vsel vm8, $0x1, v0;
	(xrf0) =	vadd.scan.msk.s32 $0xffff, v14;
	v14 =	vsel vm7, $0x1, v0  }
0x33d: {  	s21 =	sadd.s32 $0x40, s21;
	s23 =	sadd.s32 s23, s25;
	s24 =	sadd.s32 s1, s25;
	vm8 =	vmor vm4, vm9;
	[tilespmem:s0+$0x0] =	vst v14;
	v14 =	vsel vm3, $0x1, v0;
	vm3 =	vmmov vm6  }
0x33e: {  	_ = 	snop  }
0x33f: {  	vm4 =	vgt.s32 v10, v4;
	v5, _, _ =	vpop (xrf0);
	v54 =	vadd.s32 v6, v13  }
0x340: {  	v55 =	vmpcnt.ones.xlane vm1;
	vm6 =	vgt.s32 v9, v4;
	vm5 =	vgt.s32 v7, v4;
	v56, _, _ =	vpop (xrf0)  }
0x341: {  	vm7 =	vgt.s32 v8, v4;
	v58 =	vsel vm8, $0x1, v0;
	v10 =	vadd.s32 v54, v12;
	v57, _, _ =	vpop (xrf0)  }
0x342: {  	s0 =	sadd.s32 $0x40, s19;
	v5 =	vadd.s32 v54, v5;
	v59 =	vadd.s32 v10, v55;
	v4 =	vadd.s32 v6, v57  }
0x343: {  	s1 =	sadd.s32 $0xFFFFFFD0, s0;
	vm8 =	vle.s32 v5, v3;
	v60 =	vadd.s32 v59, v56;
	v61, _, _ =	vpop (xrf0);
	vm9 =	vle.s32 v4, v3  }
0x344: {  	[tilespmem:s24+$0x0] =	vst v14;
	s30 =	sor.u32 s3, s17;
	s26 =	sand.u32 $0xF80, s1;
	vm12 =	vle.s32 v60, v3;
	v62 =	vadd.s32 v10, v61;
	vm2 =	vmand vm2, vm9  }
0x345: {  	[tilespmem:s22+$0x0] =	vst v11;
	s20 =	sand.u32 $0x70, s0;
	s1 =	sand.u32 $0x40, s1;
	s19 =	sadd.s32 s26, s18;
	vm3 =	vmand vm3, vm12;
	vm13 =	vle.s32 v62, v3;
	vm2 =	vmor vm7, vm2  }
0x346: {  	[tilespmem:s23+$0x0] =	vst v58;
	s21 =	sadd.s32 $0xFFFFFFF0, s0;
	s0 =	sadd.s32 $0xFFFFFFE0, s0;
	s1 =	sadd.s32 s1, s19;
	vm15 =	vmor vm6, vm3;
	vm14 =	vmand vm1, vm13;
	v3 =	vsel vm2, $0x1, v0  }
.Ltmp35:
0x347: {  	s21 =	sand.u32 $0x60, s21;
	vm0 =	vmand vm0, vm8;
	s28 =	sadd.s32 s20, s19;
	vm1 =	vmor vm4, vm14;
	[tilespmem:s1+$0x0] =	vst v3;
	v3 =	vsel vm15, $0x1, v0;
	(pc) =	sbr.rel @p0 .LBB2_4-.Ltmp35, $4  }
.Ltmp36:
0x348: {  	s0 =	sand.u32 $0x50, s0;
	vm0 =	vmor vm5, vm0;
	s29 =	sadd.s32 s21, s19;
	v63 =	vsel vm1, $0x1, v0;
	[tilespmem:s28+$0x0] =	vst v3;
	(pc) =	sbr.rel @!p0 .LBB2_93-.Ltmp36, $4  }
0x349: {  	s17 =	simm.s32 $0x1000;
	s0 =	sadd.s32 s0, s19;
	s1 =	sshrl.u32 s30, $0x3;
	v3 =	vsel vm0, $0x1, v0;
	[tilespmem:s29+$0x0] =	vst v63  }
0x34a: {  	p1 =	por $0x0, $0x0;
	p2 =	por $0x1, $0x1;
	s31 =	sadd.s32 s4, s1;
	[tilespmem:s0+$0x0] =	vst v3  }
0x34b: {  	[hbm4b:s31+s2] =	stream.linear.scatter [tilespmem:s18], [sflag:$0x3], $0x1000, $0x38;
	[tilespmem:$0xB100] =	vst v63  }
0x34c: {  	_ = 	snop  }
.LBB2_52:
0x34d: {  	s19 =	simm.s32 $0x80F0  }
0x34e: {  	v3 =	vld [tilespmem:s19+$0x0]  }
0x34f: {  	v4 =	vld [tilespmem:s19+$0xFFFFFFF0];
	_ =	sdelay $0x2  }
0x350: {  	v6 =	vimm.s32 $0x0  }
0x351: {  	s20 =	simm.s32 $0x90F0;
	v5 =	vld [tilespmem:s19+$0xFFFFFFE0];
	v3 =	vadd.s32 v6, v3  }
0x352: {  	[tilespmem:s20+$0x0] =	vst v3;
	v4 =	vadd.s32 v3, v4;
	v3 =	vld [tilespmem:s19+$0xFFFFFFD0];
	_ =	sdelay $0x3  }
0x353: {  	s22 =	sld [smem:$0x0];
	s23 =	simm.s32 $0x0;
	s24 =	simm.s32 $0x80B0;
	[tilespmem:s20+$0xFFFFFFF0] =	vst v4;
	v4 =	vadd.s32 v4, v5  }
.LBB2_53:
0x354: {  	v5 =	vld [tilespmem:s24+$0x0];
	s23 =	sadd.s32 $0x4, s23;
	[tilespmem:s20+$0xFFFFFFE0] =	vst v4;
	v4 =	vadd.s32 v4, v3  }
0x355: {  	v6 =	vld [tilespmem:s24+$0xFFFFFFF0];
	p1 =	slt.u32 s23, $0xFC;
	[tilespmem:s20+$0xFFFFFFD0] =	vst v4  }
0x356: {  	v7 =	vld [tilespmem:s24+$0xFFFFFFE0];
	[tilespmem:s19+$0xFFFFFFD0] =	vst v0  }
.Ltmp37:
0x357: {  	v3 =	vld [tilespmem:s24+$0xFFFFFFD0];
	[tilespmem:s19+$0xFFFFFFE0] =	vst v0;
	(pc) =	sbr.rel @p1 .LBB2_53-.Ltmp37, $4  }
0x358: {  	[tilespmem:s19+$0xFFFFFFF0] =	vst v0  }
0x359: {  	s20 =	sadd.s32 $0xFFFFFFC0, s20;
	v4 =	vadd.s32 v4, v5;
	[tilespmem:s19+$0x0] =	vst v0;
	s19 =	smov.u32 s24  }
0x35a: {  	[tilespmem:s20+$0x0] =	vst v4;
	v4 =	vadd.s32 v4, v6  }
0x35b: {  	s24 =	sadd.s32 $0xFFFFFFC0, s24;
	[tilespmem:s20+$0xFFFFFFF0] =	vst v4;
	v4 =	vadd.s32 v4, v7  }
0x35c: {  	[tilespmem:s20+$0xFFFFFFE0] =	vst v4  }
0x35d: {  	[tilespmem:s19+$0xFFFFFFF0] =	vst v0  }
0x35e: {  	v3 =	vadd.s32 v4, v3;
	[tilespmem:s19+$0x0] =	vst v0  }
0x35f: {  	[tilespmem:s20+$0xFFFFFFD0] =	vst v3  }
0x360: {  	[tilespmem:s19+$0xFFFFFFE0] =	vst v0  }
0x361: {  	[tilespmem:s19+$0xFFFFFFD0] =	vst v0  }
0x362: {  	v3 =	vld [tilespmem:$0x8900];
	_ =	sdelay $0x4  }
0x363: {  	(xrf0) =	vadd.scan.msk.s32 $0xffff, v3;
	_ =	sdelay $0x5  }
0x364: {  	v3, _, _ =	vpop (xrf0)  }
0x365: {  	(v2sf) =	vpush v3, $0xF;
	_ =	sdelay $0xe  }
0x366: {  	s0 =	spop (v2sf)  }
0x367: {  	p1 =	slt.s32 s0, s18;
	s0 =	simm.s32 $0x0  }
0x368: {  	s0 =	simm.s32 @!p1 $0x80  }
0x369: {  	s1 =	sor.u32 $0x40, s0  }
0x36a: {  	s31 =	sshll.u32 s1, $0x4  }
0x36b: {  	v3 =	vld [tilespmem:s31+$0x8100];
	_ =	sdelay $0x4  }
0x36c: {  	(xrf0) =	vadd.scan.msk.s32 $0xffff, v3;
	_ =	sdelay $0x5  }
0x36d: {  	v3, _, _ =	vpop (xrf0)  }
0x36e: {  	(v2sf) =	vpush v3, $0xF;
	_ =	sdelay $0xe  }
0x36f: {  	s20 =	spop (v2sf)  }
0x370: {  	p1 =	slt.s32 s20, s18  }
0x371: {  	s1 =	smov.u32 @p1 s0  }
0x372: {  	s0 =	sor.u32 $0x20, s1  }
0x373: {  	s23 =	sshll.u32 s0, $0x4  }
0x374: {  	v3 =	vld [tilespmem:s23+$0x8100];
	_ =	sdelay $0x4  }
0x375: {  	(xrf0) =	vadd.scan.msk.s32 $0xffff, v3;
	_ =	sdelay $0x5  }
0x376: {  	v3, _, _ =	vpop (xrf0)  }
0x377: {  	(v2sf) =	vpush v3, $0xF;
	_ =	sdelay $0xe  }
0x378: {  	s24 =	spop (v2sf)  }
0x379: {  	p1 =	slt.s32 s24, s18  }
0x37a: {  	s0 =	smov.u32 @p1 s1  }
0x37b: {  	s1 =	sor.u32 $0x10, s0  }
0x37c: {  	s25 =	sshll.u32 s1, $0x4  }
0x37d: {  	s19 =	sand.u32 $0x3FFFFFF0, s25  }
0x37e: {  	v3 =	vld [tilespmem:s19+$0x8100];
	_ =	sdelay $0x4  }
0x37f: {  	(xrf0) =	vadd.scan.msk.s32 $0xffff, v3;
	_ =	sdelay $0x5  }
0x380: {  	v3, _, _ =	vpop (xrf0)  }
0x381: {  	(v2sf) =	vpush v3, $0xF;
	_ =	sdelay $0xe  }
0x382: {  	s26 =	spop (v2sf)  }
0x383: {  	p1 =	slt.s32 s26, s18  }
0x384: {  	s1 =	smov.u32 @p1 s0  }
0x385: {  	s0 =	sadd.s32 $0x8, s1  }
0x386: {  	s28 =	smin.u32 s0, $0xFF  }
0x387: {  	s19 =	sshll.u32 s28, $0x4  }
0x388: {  	v3 =	vld [tilespmem:s19+$0x8100];
	_ =	sdelay $0x4  }
0x389: {  	(xrf0) =	vadd.scan.msk.s32 $0xffff, v3;
	_ =	sdelay $0x5  }
0x38a: {  	v3, _, _ =	vpop (xrf0)  }
0x38b: {  	(v2sf) =	vpush v3, $0xF;
	_ =	sdelay $0xe  }
0x38c: {  	s29 =	spop (v2sf)  }
0x38d: {  	p1 =	slt.s32 s29, s18  }
0x38e: {  	s0 =	smov.u32 @p1 s1  }
0x38f: {  	s1 =	sadd.s32 $0x4, s0  }
0x390: {  	s30 =	smin.u32 s1, $0xFF  }
0x391: {  	s19 =	sshll.u32 s30, $0x4  }
0x392: {  	v3 =	vld [tilespmem:s19+$0x8100];
	_ =	sdelay $0x4  }
0x393: {  	(xrf0) =	vadd.scan.msk.s32 $0xffff, v3;
	_ =	sdelay $0x5  }
0x394: {  	v3, _, _ =	vpop (xrf0)  }
0x395: {  	(v2sf) =	vpush v3, $0xF;
	_ =	sdelay $0xe  }
0x396: {  	s31 =	spop (v2sf)  }
0x397: {  	p1 =	slt.s32 s31, s18  }
0x398: {  	s1 =	smov.u32 @p1 s0  }
0x399: {  	s0 =	sadd.s32 $0x2, s1  }
0x39a: {  	s20 =	smin.u32 s0, $0xFF  }
0x39b: {  	s19 =	sshll.u32 s20, $0x4  }
0x39c: {  	v3 =	vld [tilespmem:s19+$0x8100];
	_ =	sdelay $0x4  }
0x39d: {  	(xrf0) =	vadd.scan.msk.s32 $0xffff, v3;
	_ =	sdelay $0x5  }
0x39e: {  	v3, _, _ =	vpop (xrf0)  }
0x39f: {  	(v2sf) =	vpush v3, $0xF;
	_ =	sdelay $0xe  }
0x3a0: {  	s23 =	spop (v2sf)  }
0x3a1: {  	p1 =	slt.s32 s23, s18  }
0x3a2: {  	s0 =	smov.u32 @p1 s1  }
0x3a3: {  	s23 =	sadd.s32 $0x1, s0  }
0x3a4: {  	s24 =	smin.u32 s23, $0xFF  }
0x3a5: {  	s1 =	sshll.u32 s24, $0x4  }
0x3a6: {  	v3 =	vld [tilespmem:s1+$0x8100];
	_ =	sdelay $0x4  }
0x3a7: {  	(xrf0) =	vadd.scan.msk.s32 $0xffff, v3;
	_ =	sdelay $0x5  }
0x3a8: {  	v3, _, _ =	vpop (xrf0)  }
0x3a9: {  	(v2sf) =	vpush v3, $0xF;
	_ =	sdelay $0xe  }
0x3aa: {  	s25 =	spop (v2sf)  }
0x3ab: {  	p1 =	slt.s32 s25, s18  }
0x3ac: {  	s23 =	smov.u32 @p1 s0  }
0x3ad: {  	s0 =	sshll.u32 s23, $0x4  }
0x3ae: {  	s26 =	smin.u32 s23, $0xFE;
	s0 =	sand.u32 $0x3FFFFFF0, s0  }
0x3af: {  	s28 =	sshll.u32 s26, $0x4;
	v3 =	vld [tilespmem:s0+$0x8100]  }
0x3b0: {  	v63 =	vld [tilespmem:s28+$0x8110];
	_ =	sdelay $0x3  }
0x3b1: {  	(xrf0) =	vadd.scan.msk.s32 $0xffff, v3  }
0x3b2: {  	(xrf0) =	vadd.scan.msk.s32 $0xffff, v63;
	_ =	sdelay $0x4  }
0x3b3: {  	v3, _, _ =	vpop (xrf0)  }
0x3b4: {  	(v2sf) =	vpush v3, $0xF;
	v3, _, _ =	vpop (xrf0)  }
0x3b5: {  	(v2sf) =	vpush v3, $0xF;
	_ =	sdelay $0xd  }
0x3b6: {  	p2 =	sgt.s32 s21, $0x7;
	s29 =	spop (v2sf)  }
0x3b7: {  	p1 =	slt.u32 s23, $0xFF;
	s19 =	spop (v2sf);
	p6 =	sne.s32 s18, s29  }
0x3b8: {  	s19 =	simm.s32 @!p1 $0x0;
	p1 =	por !p2, !p6  }
0x3b9: {  	s30 =	sld [smem:$0x2];
	s24 =	ssub.s32 s29, s19;
	p1 =	por !p1, !p1  }
0x3ba: {  	p2 =	sgt.s32 @p1 s24, $0x10  }
0x3bb: {  	p2 =	por !p1, p2  }
.Ltmp38:
0x3bc: {  	s31 =	sshll.u32 s30, $0x8;
	(pc) =	sbr.rel @p2 .LBB2_68-.Ltmp38, $4  }
0x3bd: {  	s20 =	sadd.s32 s23, s31;
	s18 =	ssub.s32 s18, s19  }
0x3be: {  	s26 =	sadd.s32 $0xFFFFFFF8, s21;
	s19 =	smov.u32 s21;
	[smem:$0x1] =	sst s18  }
0x3bf: {  	s19 =	smov.u32 @p1 s26;
	[smem:$0x2] =	sst s20  }
0x3c0: {  	[smem:$0x3] =	sst s19  }
0x3c1: {  	s0 =	sadd.s32 $0xF, s22  }
0x3c2: {  	s1 =	sand.u32 $0xF, s0  }
0x3c3: {  	s31 =	sshra.s32 s0, $0x1F;
	p3 =	slt.s32 s0, $0x1;
	p2 =	sne.s32 s1, $0x0  }
0x3c4: {  	s1 =	sshrl.u32 s31, $0x1C;
	p2 =	por !p3, !p2  }
0x3c5: {  	s0 =	sadd.s32 s1, s0;
	s1 =	simm.s32 $0x1;
	p2 =	por !p2, !p2  }
0x3c6: {  	s0 =	sshra.s32 s0, $0x4;
	s1 =	simm.s32 @!p2 $0x0  }
0x3c7: {  	s19 =	ssub.s32 s0, s1  }
0x3c8: {  	s0 =	sshrl.u32 s19, $0x1E  }
0x3c9: {  	s0 =	sadd.s32 s0, s19  }
0x3ca: {  	s20 =	sand.u32 $0xFFFFFFFC, s0  }
0x3cb: {  	p2 =	slt.s32 s20, $0x1  }
.Ltmp39:
0x3cc: {  	_ = 	snop;
	(pc) =	sbr.rel @p2 .LBB2_56-.Ltmp39, $2  }
0x3cd: {  	_ =	sdelay $0x2  }
0x3ce: {  	v3 =	vmov s21  }
0x3cf: {  	s25 =	simm.s32 $0x60A0  }
0x3d0: {  	v4 =	vld [tilespmem:s25+$0x10]  }
0x3d1: {  	v6 =	vld [tilespmem:s25+$0x0]  }
0x3d2: {  	v12 =	vld [tilespmem:s25+$0xFFFFFFE0]  }
0x3d3: {  	s21 =	simm.s32 $0x0;
	v5 =	vld [tilespmem:s25+$0xFFFFFFF0]  }
0x3d4: {  	v7 =	vmov s23;
	v8 =	vmov s22;
	s1 =	simm.s32 $0x30;
	s31 =	simm.s32 $0x10;
	v9 =	vor.u32 s21, v2  }
0x3d5: {  	s0 =	simm.s32 $0x20;
	v10 =	vor.u32 s1, v2;
	v11 =	vor.u32 s31, v2;
	vm0 =	vlt.s32 v9, v8  }
0x3d6: {  	p3 =	sgt.s32 s20, $0x4;
	v9 =	vor.u32 s0, v2;
	vm4 =	vlt.s32 v10, v8;
	vm1 =	vlt.s32 v11, v8  }
.Ltmp40:
0x3d7: {  	vm5 =	vlt.s32 v9, v8;
	v9 =	vshra.s32 v12, v3;
	v10 =	vshra.s32 v4, v3;
	(pc) =	sbr.rel @!p3 .LBB2_62-.Ltmp40, $4  }
0x3d8: {  	v11 =	vshra.s32 v5, v3;
	v13 =	vshra.s32 v6, v3;
	v9 =	vand.u32 $0xFF, v9  }
0x3d9: {  	v14 =	vand.u32 $0xFF, v10;
	vm2 =	veq.s32 v9, v7;
	v9 =	vand.u32 $0xFF, v11  }
0x3da: {  	vm0 =	vmand vm0, vm2;
	vm2 =	veq.s32 v9, v7;
	v9 =	vand.u32 $0xFF, v13  }
0x3db: {  	p2 =	por $0x0, $0x0;
	s25 =	simm.s32 $0x60E0;
	v15 =	vmpcnt.ones.xlane vm0;
	vm6 =	vmand vm1, vm2;
	vm7 =	veq.s32 v9, v7  }
0x3dc: {  	v10 =	vld [tilespmem:s25+$0x10]  }
0x3dd: {  	v13 =	vmpcnt.ones.xlane vm6;
	vm1 =	vmand vm5, vm7;
	vm2 =	veq.s32 v14, v7;
	v9 =	vld [tilespmem:s25+$0x0]  }
0x3de: {  	v11 =	vld [tilespmem:s25+$0xFFFFFFE0];
	v14 =	vmpcnt.ones.xlane vm1;
	vm2 =	vmand vm4, vm2;
	(v2sf) =	vpush v15, $0x0  }
0x3df: {  	vm3 =	vmmov vm6;
	s26 =	simm.s32 $0x50;
	v15 =	vmpcnt.ones.xlane vm2;
	(v2sf) =	vpush v13, $0x0;
	v13 =	vld [tilespmem:s25+$0xFFFFFFF0];
	s25 =	simm.s32 $0x40  }
0x3e0: {  	s0 =	simm.s32 $0x60;
	v16 =	vor.u32 s26, v2;
	(v2sf) =	vpush v14, $0x0;
	v14 =	vor.u32 s25, v2  }
0x3e1: {  	s1 =	simm.s32 $0x70;
	(v2sf) =	vpush v15, $0x0;
	vm6 =	vlt.s32 v14, v8;
	v14 =	vor.u32 s0, v2  }
0x3e2: {  	p3 =	sgt.s32 s20, $0x8;
	vm7 =	vlt.s32 v16, v8;
	v15 =	vor.u32 s1, v2;
	vm5 =	vlt.s32 v14, v8  }
.Ltmp41:
0x3e3: {  	vm4 =	vlt.s32 v15, v8;
	v14 =	vshra.s32 v11, v3;
	v15 =	vshra.s32 v10, v3;
	(pc) =	sbr.rel @!p3 .LBB2_64-.Ltmp41, $4  }
0x3e4: {  	v17 =	vshra.s32 v9, v3;
	v14 =	vand.u32 $0xFF, v14;
	v16 =	vshra.s32 v13, v3  }
0x3e5: {  	[tilespmem:s21+$0x5000] =	vst.msk vm0, v12;
	v12 =	vand.u32 $0xFF, v17;
	vm8 =	veq.s32 v14, v7;
	v16 =	vand.u32 $0xFF, v16  }
0x3e6: {  	s28 =	simm.s32 $0x8;
	v14 =	vand.u32 $0xFF, v15;
	vm0 =	vmand vm6, vm8;
	vm6 =	veq.s32 v16, v7  }
0x3e7: {  	s29 =	simm.s32 $0x6120;
	p2 =	por $0x1, $0x1;
	s26 =	simm.s32 $0x0;
	v15 =	vmpcnt.ones.xlane vm0;
	vm6 =	vmand vm7, vm6;
	vm7 =	veq.s32 v12, v7  }
.LBB2_65:
0x3e8: {  	v16 =	vmpcnt.ones.xlane vm6;
	vm10 =	veq.s32 v14, v7;
	vm8 =	vmmov vm1  }
0x3e9: {  	v12 =	vld [tilespmem:s29+$0x10];
	vm1 =	vmand vm5, vm7;
	vm7 =	vmmov vm2;
	vm9 =	vmmov vm3  }
0x3ea: {  	v17 =	vld [tilespmem:s29+$0x0];
	v14 =	vmpcnt.ones.xlane vm1;
	vm2 =	vmand vm4, vm10;
	(v2sf) =	vpush v15, $0x0  }
0x3eb: {  	s28 =	sadd.s32 $0x4, s28;
	vm3 =	vmmov vm6;
	v15 =	vld [tilespmem:s29+$0xFFFFFFE0];
	v18 =	vmpcnt.ones.xlane vm2;
	(v2sf) =	vpush v16, $0x0  }
0x3ec: {  	s25 =	sadd.s32 $0x40, s25;
	p3 =	slt.s32 s28, s20;
	v16 =	vld [tilespmem:s29+$0xFFFFFFF0];
	(v2sf) =	vpush v14, $0x0  }
0x3ed: {  	s0 =	sadd.s32 $0x20, s25;
	s1 =	sadd.s32 $0x30, s25;
	v14 =	vor.u32 s25, v2;
	(v2sf) =	vpush v18, $0x0;
	s30 =	spop (v2sf)  }
0x3ee: {  	s31 =	sadd.s32 $0x10, s25;
	vm6 =	vlt.s32 v14, v8;
	v14 =	vor.u32 s0, v2;
	v18 =	vor.u32 s1, v2;
	s0 =	sadd.s32 s26, s30;
	s1 =	spop (v2sf)  }
0x3ef: {  	v19 =	vor.u32 s31, v2;
	vm5 =	vlt.s32 v14, v8;
	vm4 =	vlt.s32 v18, v8;
	[tilespmem:s0+$0x5000] =	vst.msk vm9, v5;
	s0 =	sadd.s32 s0, s1;
	s1 =	spop (v2sf);
	v5 =	vmovc v13  }
.Ltmp42:
0x3f0: {  	v14 =	vshra.s32 v12, v3;
	vm9 =	vlt.s32 v19, v8;
	v13 =	vshra.s32 v15, v3;
	[tilespmem:s0+$0x5000] =	vst.msk vm8, v6;
	s0 =	sadd.s32 s0, s1;
	s1 =	spop (v2sf);
	(pc) =	sbr.rel @p3 .LBB2_65-.Ltmp42, $4  }
0x3f1: {  	v18 =	vshra.s32 v17, v3;
	v19 =	vand.u32 $0xFF, v13;
	v13 =	vshra.s32 v16, v3;
	[tilespmem:s0+$0x5000] =	vst.msk vm7, v4;
	s26 =	sadd.s32 s0, s1;
	v4 =	vmovc v10  }
0x3f2: {  	v14 =	vand.u32 $0xFF, v14;
	v6 =	vmovc v9;
	v10 =	vmovc v12;
	vm7 =	veq.s32 v19, v7;
	v19 =	vand.u32 $0xFF, v13;
	[tilespmem:s26+$0x5000] =	vst.msk vm0, v11  }
0x3f3: {  	v9 =	vmovc v17;
	v12 =	vand.u32 $0xFF, v18;
	v11 =	vmovc v15;
	vm0 =	vmand vm6, vm7;
	vm6 =	veq.s32 v19, v7  }
0x3f4: {  	s29 =	sadd.s32 $0x40, s29;
	vm7 =	veq.s32 v12, v7;
	v15 =	vmpcnt.ones.xlane vm0;
	vm6 =	vmand vm9, vm6;
	v13 =	vmovc v16  }
0x3f5: {  	v8 =	vmov v5;
	v16 =	vmov v6  }
0x3f6: {  	v17 =	vmovc v4;
	v5 =	vmovc v13;
	v4 =	vmov v10;
	v12 =	vmov v11;
	v6 =	vmov v9  }
.LBB2_67:
0x3f7: {  	v9 =	vmpcnt.ones.xlane vm6;
	vm5 =	vmand vm5, vm7;
	vm11 =	veq.s32 v14, v7  }
0x3f8: {  	(v2sf) =	vpush v15, $0x0;
	v63 =	vmpcnt.ones.xlane vm5;
	vm4 =	vmand vm4, vm11  }
0x3f9: {  	v10 =	vmpcnt.ones.xlane vm4;
	(v2sf) =	vpush v9, $0x0  }
0x3fa: {  	(v2sf) =	vpush v63, $0x0  }
0x3fb: {  	(v2sf) =	vpush v10, $0x0;
	_ =	sdelay $0x6  }
0x3fc: {  	s0 =	spop @p2 (v2sf)  }
0x3fd: {  	s0 =	sadd.s32 @p2 s26, s0;
	s1 =	spop @p2 (v2sf)  }
0x3fe: {  	vm3 =	vmmov @p2 vm3;
	s1 =	sadd.s32 @p2 s0, s1;
	s25 =	spop @p2 (v2sf)  }
0x3ff: {  	vm1 =	vmmov @p2 vm1;
	[tilespmem:s0+$0x5000] =	vst.msk @p2 vm3, v8;
	s0 =	sadd.s32 @p2 s1, s25;
	s25 =	spop @p2 (v2sf)  }
0x400: {  	[tilespmem:s1+$0x5000] =	vst.msk @p2 vm1, v16;
	vm1 =	vmmov @p2 vm2;
	s1 =	sadd.s32 @p2 s0, s25  }
.Ltmp43:
0x401: {  	vm12 =	vmmov vm6;
	[tilespmem:s0+$0x5000] =	vst.msk @p2 vm1, v17;
	s21 =	smov.u32 @p2 s1;
	s28 =	spop (v2sf);
	(pc) =	sbr.rel .LBB2_57-.Ltmp43, $4  }
0x402: {  	vm13 =	vmmov vm12;
	[tilespmem:s21+$0x5000] =	vst.msk vm0, v12;
	s0 =	sadd.s32 s21, s28;
	s29 =	spop (v2sf)  }
0x403: {  	vm14 =	vmmov vm5;
	[tilespmem:s0+$0x5000] =	vst.msk vm13, v5;
	s0 =	sadd.s32 s0, s29;
	s30 =	spop (v2sf)  }
0x404: {  	vm15 =	vmmov vm4;
	[tilespmem:s0+$0x5000] =	vst.msk vm14, v6;
	s0 =	sadd.s32 s0, s30;
	s31 =	spop (v2sf)  }
0x405: {  	[tilespmem:s0+$0x5000] =	vst.msk vm15, v4;
	s21 =	sadd.s32 s0, s31  }
.LBB2_68:
0x406: {  	p2 =	slt.s32 s24, $0x11;
	p3 =	por !p1, !p1  }
0x407: {  	p2 =	por p3, p2  }
.Ltmp44:
0x408: {  	_ = 	snop;
	(pc) =	sbr.rel @p2 .LBB2_74-.Ltmp44, $1  }
0x409: {  	_ =	sdelay $0x3  }
0x40a: {  	s0 =	sadd.s32 $0xF, s22  }
0x40b: {  	s1 =	sand.u32 $0xF, s0  }
0x40c: {  	s31 =	sshra.s32 s0, $0x1F;
	p3 =	slt.s32 s0, $0x1;
	p2 =	sne.s32 s1, $0x0  }
0x40d: {  	s1 =	sshrl.u32 s31, $0x1C;
	p2 =	por !p3, !p2  }
0x40e: {  	s0 =	sadd.s32 s1, s0;
	s1 =	simm.s32 $0x1;
	p2 =	por !p2, !p2  }
0x40f: {  	s0 =	sshra.s32 s0, $0x4;
	s1 =	simm.s32 @!p2 $0x0  }
0x410: {  	s24 =	ssub.s32 s0, s1  }
0x411: {  	s0 =	sshrl.u32 s24, $0x1E  }
0x412: {  	s0 =	sadd.s32 s0, s24  }
0x413: {  	s25 =	sand.u32 $0xFFFFFFFC, s0  }
0x414: {  	p2 =	slt.s32 s25, $0x1  }
.Ltmp45:
0x415: {  	_ = 	snop;
	(pc) =	sbr.rel @p2 .LBB2_70-.Ltmp45, $3  }
0x416: {  	_ =	sdelay $0x1  }
0x417: {  	v3 =	vmov s26  }
0x418: {  	v4 =	vmov s21;
	v5 =	vmov s23;
	v6 =	vmov s22;
	s21 =	simm.s32 $0x0  }
0x419: {  	s22 =	simm.s32 $0x60A0  }
0x41a: {  	v7 =	vld [tilespmem:s22+$0x10]  }
0x41b: {  	v8 =	vld [tilespmem:s22+$0x0]  }
0x41c: {  	v10 =	vld [tilespmem:s22+$0xFFFFFFE0]  }
0x41d: {  	v9 =	vld [tilespmem:s22+$0xFFFFFFF0]  }
0x41e: {  	v11 =	vor.u32 s21, v2;
	s0 =	simm.s32 $0x20;
	s1 =	simm.s32 $0x30  }
0x41f: {  	s31 =	simm.s32 $0x10;
	vm0 =	vlt.s32 v11, v6;
	v11 =	vor.u32 s0, v2;
	v12 =	vor.u32 s1, v2  }
0x420: {  	v13 =	vor.u32 s31, v2;
	vm2 =	vlt.s32 v11, v6;
	vm3 =	vlt.s32 v12, v6  }
0x421: {  	vm1 =	vlt.s32 v13, v6;
	v11 =	vshra.s32 v10, v4;
	v12 =	vshra.s32 v7, v4  }
0x422: {  	v13 =	vshra.s32 v9, v4;
	v14 =	vshra.s32 v8, v4;
	v11 =	vand.u32 $0xFF, v11  }
0x423: {  	v12 =	vand.u32 $0xFF, v12;
	vm4 =	veq.s32 v11, v5;
	v11 =	vand.u32 $0xFF, v13  }
0x424: {  	vm0 =	vmand vm0, vm4;
	vm4 =	veq.s32 v11, v5;
	v11 =	vand.u32 $0xFF, v14  }
0x425: {  	v13 =	vmpcnt.ones.xlane vm0;
	vm1 =	vmand vm1, vm4;
	vm4 =	veq.s32 v11, v5  }
0x426: {  	p2 =	sgt.s32 s25, $0x4;
	v11 =	vmpcnt.ones.xlane vm1;
	vm2 =	vmand vm2, vm4;
	vm4 =	veq.s32 v12, v5  }
.Ltmp46:
0x427: {  	v12 =	vmpcnt.ones.xlane vm2;
	vm4 =	vmand vm3, vm4;
	(v2sf) =	vpush v13, $0x0;
	(pc) =	sbr.rel @!p2 .LBB2_82-.Ltmp46, $4  }
0x428: {  	v15 =	vshra.s32 v8, v3;
	v14 =	vmpcnt.ones.xlane vm4;
	(v2sf) =	vpush v11, $0x0  }
0x429: {  	v16 =	vshra.s32 v7, v3;
	v13 =	vshra.s32 v10, v3;
	(v2sf) =	vpush v12, $0x0  }
0x42a: {  	v11 =	vshra.s32 v9, v3;
	v12 =	vshll.u32 v13, $0x4;
	(v2sf) =	vpush v14, $0x0  }
0x42b: {  	s23 =	simm.s32 $0x60E0;
	s26 =	simm.s32 $0x0;
	s22 =	simm.s32 $0x4;
	v11 =	vshll.u32 v11, $0x4;
	v13 =	vshll.u32 v15, $0x4;
	v14 =	vshll.u32 v16, $0x4  }
.LBB2_81:
0x42c: {  	v15 =	vld [tilespmem:s23+$0x10];
	[tilespmem:s21+$0x5000] =	vst.msk vm0, v10;
	v10 =	vor.u32 v2, v12;
	v11 =	vor.u32 v2, v11;
	v12 =	vor.u32 v2, v13  }
0x42d: {  	v13 =	vld [tilespmem:s23+$0x0];
	v16 =	vand.u32 $0xFFF, v10;
	v17 =	vand.u32 $0xFFF, v11;
	v11 =	vor.u32 v2, v14  }
0x42e: {  	s22 =	sadd.s32 $0x4, s22;
	vm3 =	vmmov vm1;
	v14 =	vand.u32 $0xFFF, v12;
	v10 =	vld [tilespmem:s23+$0xFFFFFFE0];
	v11 =	vand.u32 $0xFFF, v11  }
0x42f: {  	s26 =	sadd.s32 $0x40, s26;
	vm5 =	vmmov vm2;
	vm6 =	vmmov vm4;
	p2 =	slt.s32 s22, s25;
	v12 =	vld [tilespmem:s23+$0xFFFFFFF0]  }
0x430: {  	v18 =	vor.u32 s26, v2;
	s0 =	sadd.s32 $0x20, s26;
	s1 =	sadd.s32 $0x30, s26  }
0x431: {  	s28 =	sadd.s32 $0x10, s26;
	vm1 =	vlt.s32 v18, v6;
	v18 =	vor.u32 s0, v2;
	v19 =	vor.u32 s1, v2  }
0x432: {  	v20 =	vor.u32 s28, v2;
	vm2 =	vlt.s32 v18, v6;
	vm4 =	vlt.s32 v19, v6;
	[tilespmem:v16+s14+$0x0] =	vst.idx.add.s32.msk vm0, v1  }
0x433: {  	vm7 =	vlt.s32 v20, v6;
	v18 =	vshra.s32 v15, v4;
	v16 =	vshra.s32 v10, v4  }
0x434: {  	v20 =	vshra.s32 v13, v4;
	v16 =	vand.u32 $0xFF, v16;
	v19 =	vshra.s32 v12, v4  }
0x435: {  	v18 =	vand.u32 $0xFF, v18;
	vm0 =	veq.s32 v16, v5;
	v16 =	vand.u32 $0xFF, v19  }
0x436: {  	vm0 =	vmand vm1, vm0;
	vm1 =	veq.s32 v16, v5;
	v16 =	vand.u32 $0xFF, v20;
	s0 =	spop (v2sf)  }
0x437: {  	v19 =	vmpcnt.ones.xlane vm0;
	vm1 =	vmand vm7, vm1;
	vm7 =	veq.s32 v16, v5;
	s0 =	sadd.s32 s21, s0;
	s1 =	spop (v2sf)  }
0x438: {  	v16 =	vmpcnt.ones.xlane vm1;
	vm2 =	vmand vm2, vm7;
	vm7 =	veq.s32 v18, v5;
	[tilespmem:s0+$0x5000] =	vst.msk vm3, v9;
	s0 =	sadd.s32 s0, s1;
	s1 =	spop (v2sf);
	v9 =	vmovc v12  }
.Ltmp47:
0x439: {  	v12 =	vmpcnt.ones.xlane vm2;
	vm4 =	vmand vm4, vm7;
	(v2sf) =	vpush v19, $0x0;
	[tilespmem:s0+$0x5000] =	vst.msk vm5, v8;
	s0 =	sadd.s32 s0, s1;
	s1 =	spop (v2sf);
	v8 =	vmovc v13;
	(pc) =	sbr.rel @p2 .LBB2_81-.Ltmp47, $4  }
0x43a: {  	v13 =	vshra.s32 v10, v3;
	v18 =	vmpcnt.ones.xlane vm4;
	(v2sf) =	vpush v16, $0x0;
	[tilespmem:s0+$0x5000] =	vst.msk vm6, v7;
	s21 =	sadd.s32 s0, s1;
	v7 =	vmovc v15  }
0x43b: {  	v15 =	vshra.s32 v9, v3;
	v16 =	vshra.s32 v8, v3;
	(v2sf) =	vpush v12, $0x0;
	[tilespmem:v11+s14+$0x0] =	vst.idx.add.s32.msk vm6, v1  }
0x43c: {  	v12 =	vshll.u32 v13, $0x4;
	v19 =	vshra.s32 v7, v3;
	(v2sf) =	vpush v18, $0x0;
	[tilespmem:v14+s14+$0x0] =	vst.idx.add.s32.msk vm5, v1  }
0x43d: {  	s23 =	sadd.s32 $0x40, s23;
	v11 =	vshll.u32 v15, $0x4;
	v13 =	vshll.u32 v16, $0x4;
	v14 =	vshll.u32 v19, $0x4;
	[tilespmem:v17+s14+$0x0] =	vst.idx.add.s32.msk vm3, v1  }
.LBB2_82:
0x43e: {  	_ =	sdelay $0x4  }
0x43f: {  	v12 =	vor.u32 v2, v12  }
0x440: {  	v12 =	vand.u32 $0xFFF, v12;
	_ =	sdelay $0x1  }
0x441: {  	v11 =	vor.u32 v2, v11;
	vm1 =	vmmov vm1  }
0x442: {  	v11 =	vand.u32 $0xFFF, v11  }
0x443: {  	[tilespmem:s21+$0x5000] =	vst.msk vm0, v10;
	v62 =	vor.u32 v2, v13;
	vm2 =	vmmov vm2;
	s0 =	spop (v2sf)  }
0x444: {  	v14 =	vor.u32 v2, v14;
	v10 =	vand.u32 $0xFFF, v62;
	[tilespmem:v12+s14+$0x0] =	vst.idx.add.s32.msk vm0, v1;
	s0 =	sadd.s32 s21, s0;
	s1 =	spop (v2sf)  }
0x445: {  	v63 =	vand.u32 $0xFFF, v14;
	[tilespmem:s0+$0x5000] =	vst.msk vm1, v9;
	s0 =	sadd.s32 s0, s1  }
0x446: {  	s30 =	spop (v2sf);
	[tilespmem:s0+$0x5000] =	vst.msk vm2, v8  }
0x447: {  	vm3 =	vmmov vm4;
	s0 =	sadd.s32 s0, s30;
	[tilespmem:v11+s14+$0x0] =	vst.idx.add.s32.msk vm1, v1  }
0x448: {  	[tilespmem:s0+$0x5000] =	vst.msk vm3, v7  }
0x449: {  	s31 =	spop (v2sf);
	[tilespmem:v10+s14+$0x0] =	vst.idx.add.s32.msk vm2, v1  }
0x44a: {  	s21 =	sadd.s32 s0, s31;
	[tilespmem:v63+s14+$0x0] =	vst.idx.add.s32.msk vm4, v1  }
.LBB2_70:
0x44b: {  	s0 =	ssub.s32 s24, s25  }
0x44c: {  	p2 =	slt.s32 s0, $0x1  }
.Ltmp48:
0x44d: {  	_ = 	snop;
	(pc) =	sbr.rel @p2 .LBB2_73-.Ltmp48, $1  }
0x44e: {  	_ =	sdelay $0x3  }
0x44f: {  	s0 =	sshll.u32 s25, $0x6  }
0x450: {  	s0 =	sshra.s32 s0, $0x2  }
0x451: {  	s23 =	sshll.u32 s25, $0x4;
	s22 =	sadd.s32 $0x6080, s0  }
.LBB2_72:
0x452: {  	v7 =	vld [tilespmem:s22+$0x0];
	_ =	sdelay $0x4  }
0x453: {  	v8 =	vshra.s32 v7, v4  }
0x454: {  	v9 =	vor.u32 s23, v2;
	v8 =	vand.u32 $0xFF, v8  }
0x455: {  	vm1 =	vlt.s32 v9, v6;
	vm0 =	veq.s32 v8, v5  }
0x456: {  	vm0 =	vmand vm1, vm0  }
0x457: {  	v8 =	vmpcnt.ones.xlane vm0;
	_ =	sdelay $0x1  }
0x458: {  	(v2sf) =	vpush v8, $0x0;
	_ =	sdelay $0x7  }
0x459: {  	v8 =	vshra.s32 v7, v3  }
0x45a: {  	v8 =	vshll.u32 v8, $0x4  }
0x45b: {  	s25 =	sadd.s32 $0x1, s25;
	v8 =	vor.u32 v2, v8  }
0x45c: {  	p2 =	slt.s32 s25, s24;
	v8 =	vand.u32 $0xFFF, v8  }
.Ltmp49:
0x45d: {  	_ = 	snop;
	(pc) =	sbr.rel @p2 .LBB2_72-.Ltmp49, $3  }
0x45e: {  	_ =	sdelay $0x1  }
0x45f: {  	[tilespmem:s21+$0x5000] =	vst.msk vm0, v7;
	s0 =	spop (v2sf)  }
0x460: {  	s22 =	sadd.s32 $0x10, s22;
	s23 =	sadd.s32 $0x10, s23;
	[tilespmem:v8+s14+$0x0] =	vst.idx.add.s32.msk vm0, v1;
	s21 =	sadd.s32 s21, s0  }
.LBB2_73:
.Ltmp50:
0x461: {  	(pc) =	sbr.rel .LBB2_74-.Ltmp50, $2  }
0x462: {  	_ =	sdelay $0x2  }
0x463: {  	[smem:$0x0] =	sst s21  }
.LBB2_56:
0x464: {  	s21 =	simm.s32 $0x0  }
.LBB2_57:
0x465: {  	s0 =	ssub.s32 s19, s20  }
0x466: {  	p2 =	slt.s32 s0, $0x1  }
.Ltmp51:
0x467: {  	_ = 	snop;
	(pc) =	sbr.rel @p2 .LBB2_60-.Ltmp51, $1  }
0x468: {  	_ =	sdelay $0x3  }
0x469: {  	s0 =	sshll.u32 s20, $0x6  }
0x46a: {  	s0 =	sshra.s32 s0, $0x2  }
0x46b: {  	v4 =	vmov s23;
	v5 =	vmov s22;
	s23 =	sshll.u32 s20, $0x4;
	s22 =	sadd.s32 $0x6080, s0  }
.LBB2_59:
0x46c: {  	v6 =	vld [tilespmem:s22+$0x0];
	_ =	sdelay $0x4  }
0x46d: {  	v7 =	vshra.s32 v6, v3  }
0x46e: {  	v8 =	vor.u32 s23, v2;
	v7 =	vand.u32 $0xFF, v7  }
0x46f: {  	vm1 =	vlt.s32 v8, v5;
	vm0 =	veq.s32 v7, v4  }
0x470: {  	vm0 =	vmand vm1, vm0  }
0x471: {  	v7 =	vmpcnt.ones.xlane vm0;
	_ =	sdelay $0x1  }
0x472: {  	(v2sf) =	vpush v7, $0x0;
	_ =	sdelay $0x9  }
0x473: {  	s20 =	sadd.s32 $0x1, s20  }
0x474: {  	p2 =	slt.s32 s20, s19  }
.Ltmp52:
0x475: {  	_ = 	snop;
	(pc) =	sbr.rel @p2 .LBB2_59-.Ltmp52, $3  }
0x476: {  	_ =	sdelay $0x1  }
0x477: {  	s0 =	spop (v2sf)  }
0x478: {  	s22 =	sadd.s32 $0x10, s22;
	s23 =	sadd.s32 $0x10, s23;
	[tilespmem:s21+$0x5000] =	vst.msk vm0, v6;
	s21 =	sadd.s32 s21, s0  }
.LBB2_60:
0x479: {  	v3 =	vld [tilespmem:$0x5000];
	_ =	sdelay $0x3  }
0x47a: {  	v4 =	vmov s24  }
0x47b: {  	vm0 =	vgt.s32 v4, v2;
	v63 =	vxor.u32 $0x80000000, v3  }
0x47c: {  	(xrf1) =	vsort.dscd.msk.u32 vm0, v63, v3;
	_ =	sdelay $0xd  }
0x47d: {  	v4, _, _ =	vpop (xrf1)  }
0x47e: {  	v4 =	vxor.u32 $0x80000000, v4  }
0x47f: {  	[tilespmem:$0x5000] =	vst v4  }
0x480: {  	v4 =	vld [tilespmem:s18+$0x4FFF];
	_ =	sdelay $0x4  }
0x481: {  	v5 =	vbroadcast v4, $0x0;
	_ =	sdelay $0x1  }
0x482: {  	vm1 =	vgt.s32 v3, v5  }
0x483: {  	vm0 =	vmand vm0, vm1  }
0x484: {  	v3 =	vsel vm0, $0x1, v0  }
0x485: {  	(xrf0) =	vadd.scan.msk.s32 $0xffff, v3;
	_ =	sdelay $0x5  }
0x486: {  	(v2sf) =	vpush v4, $0x0;
	v3, _, _ =	vpop (xrf0)  }
0x487: {  	(v2sf) =	vpush v3, $0xF;
	_ =	sdelay $0xd  }
0x488: {  	s20 =	spop (v2sf)  }
0x489: {  	s0 =	spop (v2sf)  }
0x48a: {  	s18 =	ssub.s32 s18, s0  }
0x48b: {  	[smem:$0x1] =	sst s18  }
0x48c: {  	s19 =	simm.s32 $0x0;
	[smem:$0x2] =	sst s20  }
0x48d: {  	[smem:$0x3] =	sst s19  }
0x48e: {  	[smem:$0x4] =	sst s13  }
.LBB2_74:
.Ltmp53:
0x48f: {  	(pc) =	sbr.rel @!p1 .LBB2_89-.Ltmp53, $1  }
0x490: {  	_ =	sdelay $0x3  }
0x491: {  	s0 =	sld [smem:$0x4];
	_ =	sdelay $0x2  }
0x492: {  	p1 =	sne.s32 s0, $0x0  }
.Ltmp54:
0x493: {  	_ = 	snop;
	(pc) =	sbr.rel @p1 .LBB2_90-.Ltmp54, $1  }
0x494: {  	_ =	sdelay $0x3  }
0x495: {  	s20 =	simm.s32 $0x80F0  }
0x496: {  	v3 =	vld [tilespmem:s20+$0x0]  }
0x497: {  	v4 =	vld [tilespmem:s20+$0xFFFFFFF0];
	_ =	sdelay $0x2  }
0x498: {  	v6 =	vimm.s32 $0x0  }
0x499: {  	s21 =	simm.s32 $0x90F0;
	v5 =	vld [tilespmem:s20+$0xFFFFFFE0];
	v3 =	vadd.s32 v6, v3  }
0x49a: {  	[tilespmem:s21+$0x0] =	vst v3;
	v4 =	vadd.s32 v3, v4;
	v3 =	vld [tilespmem:s20+$0xFFFFFFD0];
	_ =	sdelay $0x3  }
0x49b: {  	s23 =	sld [smem:$0x0];
	s22 =	simm.s32 $0x0;
	s24 =	simm.s32 $0x80B0;
	[tilespmem:s21+$0xFFFFFFF0] =	vst v4;
	v4 =	vadd.s32 v4, v5  }
.LBB2_77:
0x49c: {  	v5 =	vld [tilespmem:s24+$0x0];
	s22 =	sadd.s32 $0x4, s22;
	[tilespmem:s21+$0xFFFFFFE0] =	vst v4;
	v4 =	vadd.s32 v4, v3  }
0x49d: {  	v6 =	vld [tilespmem:s24+$0xFFFFFFF0];
	p1 =	slt.u32 s22, $0xFC;
	[tilespmem:s21+$0xFFFFFFD0] =	vst v4  }
0x49e: {  	v7 =	vld [tilespmem:s24+$0xFFFFFFE0];
	[tilespmem:s20+$0xFFFFFFD0] =	vst v0  }
.Ltmp55:
0x49f: {  	v3 =	vld [tilespmem:s24+$0xFFFFFFD0];
	[tilespmem:s20+$0xFFFFFFE0] =	vst v0;
	(pc) =	sbr.rel @p1 .LBB2_77-.Ltmp55, $4  }
0x4a0: {  	[tilespmem:s20+$0xFFFFFFF0] =	vst v0  }
0x4a1: {  	s21 =	sadd.s32 $0xFFFFFFC0, s21;
	v4 =	vadd.s32 v4, v5;
	[tilespmem:s20+$0x0] =	vst v0;
	s20 =	smov.u32 s24  }
0x4a2: {  	[tilespmem:s21+$0x0] =	vst v4;
	v4 =	vadd.s32 v4, v6  }
0x4a3: {  	s24 =	sadd.s32 $0xFFFFFFC0, s24;
	[tilespmem:s21+$0xFFFFFFF0] =	vst v4;
	v4 =	vadd.s32 v4, v7  }
0x4a4: {  	[tilespmem:s21+$0xFFFFFFE0] =	vst v4  }
0x4a5: {  	[tilespmem:s20+$0xFFFFFFF0] =	vst v0  }
0x4a6: {  	v3 =	vadd.s32 v4, v3;
	[tilespmem:s20+$0x0] =	vst v0  }
0x4a7: {  	[tilespmem:s21+$0xFFFFFFD0] =	vst v3  }
0x4a8: {  	[tilespmem:s20+$0xFFFFFFE0] =	vst v0  }
0x4a9: {  	[tilespmem:s20+$0xFFFFFFD0] =	vst v0  }
0x4aa: {  	v3 =	vld [tilespmem:$0x8900];
	_ =	sdelay $0x4  }
0x4ab: {  	(xrf0) =	vadd.scan.msk.s32 $0xffff, v3;
	_ =	sdelay $0x5  }
0x4ac: {  	v3, _, _ =	vpop (xrf0)  }
0x4ad: {  	(v2sf) =	vpush v3, $0xF;
	_ =	sdelay $0xe  }
0x4ae: {  	s0 =	spop (v2sf)  }
0x4af: {  	p1 =	slt.s32 s0, s18;
	s0 =	simm.s32 $0x0  }
0x4b0: {  	s0 =	simm.s32 @!p1 $0x80  }
0x4b1: {  	s1 =	sor.u32 $0x40, s0  }
0x4b2: {  	s30 =	sshll.u32 s1, $0x4  }
0x4b3: {  	v3 =	vld [tilespmem:s30+$0x8100];
	_ =	sdelay $0x4  }
0x4b4: {  	(xrf0) =	vadd.scan.msk.s32 $0xffff, v3;
	_ =	sdelay $0x5  }
0x4b5: {  	v3, _, _ =	vpop (xrf0)  }
0x4b6: {  	(v2sf) =	vpush v3, $0xF;
	_ =	sdelay $0xe  }
0x4b7: {  	s31 =	spop (v2sf)  }
0x4b8: {  	p1 =	slt.s32 s31, s18  }
0x4b9: {  	s1 =	smov.u32 @p1 s0  }
0x4ba: {  	s0 =	sor.u32 $0x20, s1  }
0x4bb: {  	s21 =	sshll.u32 s0, $0x4  }
0x4bc: {  	v3 =	vld [tilespmem:s21+$0x8100];
	_ =	sdelay $0x4  }
0x4bd: {  	(xrf0) =	vadd.scan.msk.s32 $0xffff, v3;
	_ =	sdelay $0x5  }
0x4be: {  	v3, _, _ =	vpop (xrf0)  }
0x4bf: {  	(v2sf) =	vpush v3, $0xF;
	_ =	sdelay $0xe  }
0x4c0: {  	s22 =	spop (v2sf)  }
0x4c1: {  	p1 =	slt.s32 s22, s18  }
0x4c2: {  	s0 =	smov.u32 @p1 s1  }
0x4c3: {  	s1 =	sor.u32 $0x10, s0  }
0x4c4: {  	s24 =	sshll.u32 s1, $0x4  }
0x4c5: {  	s20 =	sand.u32 $0x3FFFFFF0, s24  }
0x4c6: {  	v3 =	vld [tilespmem:s20+$0x8100];
	_ =	sdelay $0x4  }
0x4c7: {  	(xrf0) =	vadd.scan.msk.s32 $0xffff, v3;
	_ =	sdelay $0x5  }
0x4c8: {  	v3, _, _ =	vpop (xrf0)  }
0x4c9: {  	(v2sf) =	vpush v3, $0xF;
	_ =	sdelay $0xe  }
0x4ca: {  	s25 =	spop (v2sf)  }
0x4cb: {  	p1 =	slt.s32 s25, s18  }
0x4cc: {  	s1 =	smov.u32 @p1 s0  }
0x4cd: {  	s0 =	sadd.s32 $0x8, s1  }
0x4ce: {  	s26 =	smin.u32 s0, $0xFF  }
0x4cf: {  	s20 =	sshll.u32 s26, $0x4  }
0x4d0: {  	v3 =	vld [tilespmem:s20+$0x8100];
	_ =	sdelay $0x4  }
0x4d1: {  	(xrf0) =	vadd.scan.msk.s32 $0xffff, v3;
	_ =	sdelay $0x5  }
0x4d2: {  	v3, _, _ =	vpop (xrf0)  }
0x4d3: {  	(v2sf) =	vpush v3, $0xF;
	_ =	sdelay $0xe  }
0x4d4: {  	s28 =	spop (v2sf)  }
0x4d5: {  	p1 =	slt.s32 s28, s18  }
0x4d6: {  	s0 =	smov.u32 @p1 s1  }
0x4d7: {  	s1 =	sadd.s32 $0x4, s0  }
0x4d8: {  	s29 =	smin.u32 s1, $0xFF  }
0x4d9: {  	s20 =	sshll.u32 s29, $0x4  }
0x4da: {  	v3 =	vld [tilespmem:s20+$0x8100];
	_ =	sdelay $0x4  }
0x4db: {  	(xrf0) =	vadd.scan.msk.s32 $0xffff, v3;
	_ =	sdelay $0x5  }
0x4dc: {  	v3, _, _ =	vpop (xrf0)  }
0x4dd: {  	(v2sf) =	vpush v3, $0xF;
	_ =	sdelay $0xe  }
0x4de: {  	s30 =	spop (v2sf)  }
0x4df: {  	p1 =	slt.s32 s30, s18  }
0x4e0: {  	s1 =	smov.u32 @p1 s0  }
0x4e1: {  	s0 =	sadd.s32 $0x2, s1  }
0x4e2: {  	s31 =	smin.u32 s0, $0xFF  }
0x4e3: {  	s20 =	sshll.u32 s31, $0x4  }
0x4e4: {  	v3 =	vld [tilespmem:s20+$0x8100];
	_ =	sdelay $0x4  }
0x4e5: {  	(xrf0) =	vadd.scan.msk.s32 $0xffff, v3;
	_ =	sdelay $0x5  }
0x4e6: {  	v3, _, _ =	vpop (xrf0)  }
0x4e7: {  	(v2sf) =	vpush v3, $0xF;
	_ =	sdelay $0xe  }
0x4e8: {  	s21 =	spop (v2sf)  }
0x4e9: {  	p1 =	slt.s32 s21, s18  }
0x4ea: {  	s0 =	smov.u32 @p1 s1  }
0x4eb: {  	s24 =	sadd.s32 $0x1, s0  }
0x4ec: {  	s22 =	smin.u32 s24, $0xFF  }
0x4ed: {  	s1 =	sshll.u32 s22, $0x4  }
0x4ee: {  	v3 =	vld [tilespmem:s1+$0x8100];
	_ =	sdelay $0x4  }
0x4ef: {  	(xrf0) =	vadd.scan.msk.s32 $0xffff, v3;
	_ =	sdelay $0x5  }
0x4f0: {  	v3, _, _ =	vpop (xrf0)  }
0x4f1: {  	(v2sf) =	vpush v3, $0xF;
	_ =	sdelay $0xe  }
0x4f2: {  	s25 =	spop (v2sf)  }
0x4f3: {  	p1 =	slt.s32 s25, s18  }
0x4f4: {  	s24 =	smov.u32 @p1 s0  }
0x4f5: {  	s0 =	sshll.u32 s24, $0x4  }
0x4f6: {  	s26 =	smin.u32 s24, $0xFE;
	s0 =	sand.u32 $0x3FFFFFF0, s0  }
0x4f7: {  	s28 =	sshll.u32 s26, $0x4;
	v3 =	vld [tilespmem:s0+$0x8100]  }
0x4f8: {  	v63 =	vld [tilespmem:s28+$0x8110];
	_ =	sdelay $0x3  }
0x4f9: {  	(xrf0) =	vadd.scan.msk.s32 $0xffff, v3  }
0x4fa: {  	(xrf0) =	vadd.scan.msk.s32 $0xffff, v63;
	_ =	sdelay $0x4  }
0x4fb: {  	v3, _, _ =	vpop (xrf0)  }
0x4fc: {  	(v2sf) =	vpush v3, $0xF;
	v3, _, _ =	vpop (xrf0)  }
0x4fd: {  	(v2sf) =	vpush v3, $0xF;
	_ =	sdelay $0xd  }
0x4fe: {  	p2 =	sgt.s32 s19, $0x7;
	s29 =	spop (v2sf)  }
0x4ff: {  	p1 =	slt.u32 s24, $0xFF;
	s20 =	spop (v2sf);
	p6 =	sne.s32 s18, s29  }
0x500: {  	s20 =	simm.s32 @!p1 $0x0;
	p1 =	por !p2, !p6  }
0x501: {  	s21 =	ssub.s32 s29, s20;
	p1 =	por !p1, !p1  }
0x502: {  	s30 =	sld [smem:$0x2];
	p2 =	sgt.s32 @p1 s21, $0x10  }
0x503: {  	p2 =	por !p1, p2  }
.Ltmp56:
0x504: {  	_ = 	snop;
	(pc) =	sbr.rel @p2 .LBB2_79-.Ltmp56, $4  }
0x505: {  	s31 =	sshll.u32 s30, $0x8;
	s22 =	smov.u32 s19;
	s18 =	ssub.s32 s18, s20  }
0x506: {  	s0 =	sadd.s32 $0xFFFFFFF8, s19;
	s20 =	sadd.s32 s24, s31;
	[smem:$0x1] =	sst s18  }
0x507: {  	s22 =	smov.u32 @p1 s0;
	[smem:$0x2] =	sst s20  }
0x508: {  	[smem:$0x3] =	sst s22  }
0x509: {  	s0 =	sadd.s32 $0xF, s23  }
0x50a: {  	s1 =	sand.u32 $0xF, s0  }
0x50b: {  	s31 =	sshra.s32 s0, $0x1F;
	p3 =	slt.s32 s0, $0x1;
	p2 =	sne.s32 s1, $0x0  }
0x50c: {  	s1 =	sshrl.u32 s31, $0x1C;
	p2 =	por !p3, !p2  }
0x50d: {  	s0 =	sadd.s32 s1, s0;
	s1 =	simm.s32 $0x1;
	p2 =	por !p2, !p2  }
0x50e: {  	s0 =	sshra.s32 s0, $0x4;
	s1 =	simm.s32 @!p2 $0x0  }
0x50f: {  	s20 =	ssub.s32 s0, s1  }
0x510: {  	s0 =	sshrl.u32 s20, $0x1E  }
0x511: {  	s0 =	sadd.s32 s0, s20  }
0x512: {  	s22 =	sand.u32 $0xFFFFFFFC, s0  }
0x513: {  	p2 =	slt.s32 s22, $0x1  }
.Ltmp57:
0x514: {  	_ = 	snop;
	(pc) =	sbr.rel @p2 .LBB2_84-.Ltmp57, $2  }
0x515: {  	_ =	sdelay $0x2  }
0x516: {  	v3 =	vmov s19;
	v4 =	vmov s24;
	v5 =	vmov s23;
	s19 =	simm.s32 $0x0  }
0x517: {  	s23 =	simm.s32 $0x5020  }
0x518: {  	v6 =	vld [tilespmem:s23+$0x10]  }
0x519: {  	v8 =	vld [tilespmem:s23+$0x0]  }
0x51a: {  	v12 =	vld [tilespmem:s23+$0xFFFFFFE0]  }
0x51b: {  	v7 =	vld [tilespmem:s23+$0xFFFFFFF0]  }
0x51c: {  	v9 =	vor.u32 s19, v2;
	s0 =	simm.s32 $0x20;
	s1 =	simm.s32 $0x30  }
0x51d: {  	s31 =	simm.s32 $0x10;
	vm0 =	vlt.s32 v9, v5;
	v9 =	vor.u32 s0, v2;
	v10 =	vor.u32 s1, v2  }
0x51e: {  	p3 =	sgt.s32 s22, $0x4;
	v11 =	vor.u32 s31, v2;
	vm5 =	vlt.s32 v9, v5;
	vm4 =	vlt.s32 v10, v5  }
.Ltmp58:
0x51f: {  	vm1 =	vlt.s32 v11, v5;
	v9 =	vshra.s32 v12, v3;
	v10 =	vshra.s32 v6, v3;
	(pc) =	sbr.rel @!p3 .LBB2_96-.Ltmp58, $4  }
0x520: {  	v11 =	vshra.s32 v7, v3;
	v13 =	vshra.s32 v8, v3;
	v9 =	vand.u32 $0xFF, v9  }
0x521: {  	v14 =	vand.u32 $0xFF, v10;
	vm2 =	veq.s32 v9, v4;
	v9 =	vand.u32 $0xFF, v11  }
0x522: {  	vm0 =	vmand vm0, vm2;
	vm2 =	veq.s32 v9, v4;
	v9 =	vand.u32 $0xFF, v13  }
0x523: {  	p2 =	por $0x0, $0x0;
	s23 =	simm.s32 $0x5060;
	v15 =	vmpcnt.ones.xlane vm0;
	vm6 =	vmand vm1, vm2;
	vm7 =	veq.s32 v9, v4  }
0x524: {  	v10 =	vld [tilespmem:s23+$0x10]  }
0x525: {  	v13 =	vmpcnt.ones.xlane vm6;
	vm1 =	vmand vm5, vm7;
	vm2 =	veq.s32 v14, v4;
	v9 =	vld [tilespmem:s23+$0x0]  }
0x526: {  	v11 =	vld [tilespmem:s23+$0xFFFFFFE0];
	v14 =	vmpcnt.ones.xlane vm1;
	vm2 =	vmand vm4, vm2;
	(v2sf) =	vpush v15, $0x0  }
0x527: {  	vm3 =	vmmov vm6;
	s24 =	simm.s32 $0x50;
	v15 =	vmpcnt.ones.xlane vm2;
	(v2sf) =	vpush v13, $0x0;
	v13 =	vld [tilespmem:s23+$0xFFFFFFF0];
	s23 =	simm.s32 $0x40  }
0x528: {  	s0 =	simm.s32 $0x60;
	v16 =	vor.u32 s24, v2;
	(v2sf) =	vpush v14, $0x0;
	v14 =	vor.u32 s23, v2  }
0x529: {  	s1 =	simm.s32 $0x70;
	(v2sf) =	vpush v15, $0x0;
	vm6 =	vlt.s32 v14, v5;
	v14 =	vor.u32 s0, v2  }
0x52a: {  	p3 =	sgt.s32 s22, $0x8;
	vm7 =	vlt.s32 v16, v5;
	v15 =	vor.u32 s1, v2;
	vm5 =	vlt.s32 v14, v5  }
.Ltmp59:
0x52b: {  	vm4 =	vlt.s32 v15, v5;
	v14 =	vshra.s32 v11, v3;
	v15 =	vshra.s32 v10, v3;
	(pc) =	sbr.rel @!p3 .LBB2_98-.Ltmp59, $4  }
0x52c: {  	v17 =	vshra.s32 v9, v3;
	v14 =	vand.u32 $0xFF, v14;
	v16 =	vshra.s32 v13, v3  }
0x52d: {  	[tilespmem:s19+$0x6080] =	vst.msk vm0, v12;
	v12 =	vand.u32 $0xFF, v17;
	vm8 =	veq.s32 v14, v4;
	v16 =	vand.u32 $0xFF, v16  }
0x52e: {  	s25 =	simm.s32 $0x8;
	v14 =	vand.u32 $0xFF, v15;
	vm0 =	vmand vm6, vm8;
	vm6 =	veq.s32 v16, v4  }
0x52f: {  	s26 =	simm.s32 $0x50A0;
	p2 =	por $0x1, $0x1;
	s24 =	simm.s32 $0x0;
	v15 =	vmpcnt.ones.xlane vm0;
	vm6 =	vmand vm7, vm6;
	vm7 =	veq.s32 v12, v4  }
.LBB2_99:
0x530: {  	v16 =	vmpcnt.ones.xlane vm6;
	vm10 =	veq.s32 v14, v4;
	vm8 =	vmmov vm1  }
0x531: {  	v12 =	vld [tilespmem:s26+$0x10];
	vm1 =	vmand vm5, vm7;
	vm7 =	vmmov vm2;
	vm9 =	vmmov vm3  }
0x532: {  	v17 =	vld [tilespmem:s26+$0x0];
	v14 =	vmpcnt.ones.xlane vm1;
	vm2 =	vmand vm4, vm10;
	(v2sf) =	vpush v15, $0x0  }
0x533: {  	s25 =	sadd.s32 $0x4, s25;
	vm3 =	vmmov vm6;
	v15 =	vld [tilespmem:s26+$0xFFFFFFE0];
	v18 =	vmpcnt.ones.xlane vm2;
	(v2sf) =	vpush v16, $0x0  }
0x534: {  	s23 =	sadd.s32 $0x40, s23;
	p3 =	slt.s32 s25, s22;
	v16 =	vld [tilespmem:s26+$0xFFFFFFF0];
	(v2sf) =	vpush v14, $0x0  }
0x535: {  	s0 =	sadd.s32 $0x20, s23;
	s1 =	sadd.s32 $0x30, s23;
	v14 =	vor.u32 s23, v2;
	(v2sf) =	vpush v18, $0x0;
	s28 =	spop (v2sf)  }
0x536: {  	s29 =	sadd.s32 $0x10, s23;
	vm6 =	vlt.s32 v14, v5;
	v14 =	vor.u32 s0, v2;
	v18 =	vor.u32 s1, v2;
	s0 =	sadd.s32 s24, s28;
	s1 =	spop (v2sf)  }
0x537: {  	v19 =	vor.u32 s29, v2;
	vm5 =	vlt.s32 v14, v5;
	vm4 =	vlt.s32 v18, v5;
	[tilespmem:s0+$0x6080] =	vst.msk vm9, v7;
	s0 =	sadd.s32 s0, s1;
	s1 =	spop (v2sf);
	v7 =	vmovc v13  }
.Ltmp60:
0x538: {  	v14 =	vshra.s32 v12, v3;
	vm9 =	vlt.s32 v19, v5;
	v13 =	vshra.s32 v15, v3;
	[tilespmem:s0+$0x6080] =	vst.msk vm8, v8;
	s0 =	sadd.s32 s0, s1;
	s1 =	spop (v2sf);
	(pc) =	sbr.rel @p3 .LBB2_99-.Ltmp60, $4  }
0x539: {  	v18 =	vshra.s32 v17, v3;
	v19 =	vand.u32 $0xFF, v13;
	v13 =	vshra.s32 v16, v3;
	[tilespmem:s0+$0x6080] =	vst.msk vm7, v6;
	s24 =	sadd.s32 s0, s1;
	v6 =	vmovc v10  }
0x53a: {  	v14 =	vand.u32 $0xFF, v14;
	v8 =	vmovc v9;
	v10 =	vmovc v12;
	vm7 =	veq.s32 v19, v4;
	v19 =	vand.u32 $0xFF, v13;
	[tilespmem:s24+$0x6080] =	vst.msk vm0, v11  }
0x53b: {  	v9 =	vmovc v17;
	v12 =	vand.u32 $0xFF, v18;
	v11 =	vmovc v15;
	vm0 =	vmand vm6, vm7;
	vm6 =	veq.s32 v19, v4  }
0x53c: {  	s26 =	sadd.s32 $0x40, s26;
	vm7 =	veq.s32 v12, v4;
	v15 =	vmpcnt.ones.xlane vm0;
	vm6 =	vmand vm9, vm6;
	v13 =	vmovc v16  }
0x53d: {  	v16 =	vmov v7;
	v17 =	vmov v8  }
0x53e: {  	v18 =	vmovc v6;
	v7 =	vmovc v13;
	v6 =	vmov v10;
	v12 =	vmov v11;
	v8 =	vmov v9  }
.LBB2_101:
0x53f: {  	v9 =	vmpcnt.ones.xlane vm6;
	vm5 =	vmand vm5, vm7;
	vm11 =	veq.s32 v14, v4  }
0x540: {  	(v2sf) =	vpush v15, $0x0;
	v10 =	vmpcnt.ones.xlane vm5;
	vm4 =	vmand vm4, vm11  }
0x541: {  	v11 =	vmpcnt.ones.xlane vm4;
	(v2sf) =	vpush v9, $0x0  }
0x542: {  	(v2sf) =	vpush v10, $0x0  }
0x543: {  	(v2sf) =	vpush v11, $0x0;
	_ =	sdelay $0x6  }
0x544: {  	s0 =	spop @p2 (v2sf)  }
0x545: {  	s0 =	sadd.s32 @p2 s24, s0;
	s1 =	spop @p2 (v2sf)  }
0x546: {  	vm3 =	vmmov @p2 vm3;
	s1 =	sadd.s32 @p2 s0, s1;
	s23 =	spop @p2 (v2sf)  }
0x547: {  	vm1 =	vmmov @p2 vm1;
	[tilespmem:s0+$0x6080] =	vst.msk @p2 vm3, v16;
	s0 =	sadd.s32 @p2 s1, s23;
	s23 =	spop @p2 (v2sf)  }
0x548: {  	[tilespmem:s1+$0x6080] =	vst.msk @p2 vm1, v17;
	vm1 =	vmmov @p2 vm2;
	s1 =	sadd.s32 @p2 s0, s23  }
0x549: {  	vm12 =	vmmov vm6;
	[tilespmem:s0+$0x6080] =	vst.msk @p2 vm1, v18;
	s19 =	smov.u32 @p2 s1;
	s28 =	spop (v2sf)  }
0x54a: {  	vm13 =	vmmov vm12;
	[tilespmem:s19+$0x6080] =	vst.msk vm0, v12;
	s0 =	sadd.s32 s19, s28;
	s29 =	spop (v2sf)  }
0x54b: {  	vm14 =	vmmov vm5;
	[tilespmem:s0+$0x6080] =	vst.msk vm13, v7;
	s0 =	sadd.s32 s0, s29;
	s30 =	spop (v2sf)  }
0x54c: {  	vm15 =	vmmov vm4;
	[tilespmem:s0+$0x6080] =	vst.msk vm14, v8;
	s0 =	sadd.s32 s0, s30;
	s31 =	spop (v2sf)  }
0x54d: {  	[tilespmem:s0+$0x6080] =	vst.msk vm15, v6;
	s19 =	sadd.s32 s0, s31  }
.LBB2_84:
0x54e: {  	s0 =	ssub.s32 s20, s22  }
0x54f: {  	p2 =	slt.s32 s0, $0x1  }
.Ltmp61:
0x550: {  	_ = 	snop;
	(pc) =	sbr.rel @p2 .LBB2_87-.Ltmp61, $1  }
0x551: {  	_ =	sdelay $0x3  }
0x552: {  	s0 =	sshll.u32 s22, $0x6  }
0x553: {  	s0 =	sshra.s32 s0, $0x2  }
0x554: {  	s24 =	sshll.u32 s22, $0x4;
	s23 =	sadd.s32 $0x5000, s0  }
.LBB2_86:
0x555: {  	v6 =	vld [tilespmem:s23+$0x0];
	_ =	sdelay $0x4  }
0x556: {  	v7 =	vshra.s32 v6, v3  }
0x557: {  	v8 =	vor.u32 s24, v2;
	v7 =	vand.u32 $0xFF, v7  }
0x558: {  	vm1 =	vlt.s32 v8, v5;
	vm0 =	veq.s32 v7, v4  }
0x559: {  	vm0 =	vmand vm1, vm0  }
0x55a: {  	v7 =	vmpcnt.ones.xlane vm0;
	_ =	sdelay $0x1  }
0x55b: {  	(v2sf) =	vpush v7, $0x0;
	_ =	sdelay $0x9  }
0x55c: {  	s22 =	sadd.s32 $0x1, s22  }
0x55d: {  	p2 =	slt.s32 s22, s20  }
.Ltmp62:
0x55e: {  	_ = 	snop;
	(pc) =	sbr.rel @p2 .LBB2_86-.Ltmp62, $3  }
0x55f: {  	_ =	sdelay $0x1  }
0x560: {  	s0 =	spop (v2sf)  }
0x561: {  	s23 =	sadd.s32 $0x10, s23;
	s24 =	sadd.s32 $0x10, s24;
	[tilespmem:s19+$0x6080] =	vst.msk vm0, v6;
	s19 =	sadd.s32 s19, s0  }
.LBB2_87:
0x562: {  	v3 =	vld [tilespmem:$0x6080];
	_ =	sdelay $0x3  }
0x563: {  	v4 =	vmov s21  }
0x564: {  	vm0 =	vgt.s32 v4, v2;
	v63 =	vxor.u32 $0x80000000, v3  }
0x565: {  	(xrf1) =	vsort.dscd.msk.u32 vm0, v63, v3;
	_ =	sdelay $0xd  }
0x566: {  	v4, _, _ =	vpop (xrf1)  }
0x567: {  	v4 =	vxor.u32 $0x80000000, v4  }
0x568: {  	[tilespmem:$0x6080] =	vst v4  }
0x569: {  	v4 =	vld [tilespmem:s18+$0x607F];
	_ =	sdelay $0x4  }
0x56a: {  	v5 =	vbroadcast v4, $0x0;
	_ =	sdelay $0x1  }
0x56b: {  	vm1 =	vgt.s32 v3, v5  }
0x56c: {  	vm0 =	vmand vm0, vm1  }
0x56d: {  	v3 =	vsel vm0, $0x1, v0  }
0x56e: {  	(xrf0) =	vadd.scan.msk.s32 $0xffff, v3;
	_ =	sdelay $0x5  }
0x56f: {  	(v2sf) =	vpush v4, $0x0;
	v3, _, _ =	vpop (xrf0)  }
0x570: {  	(v2sf) =	vpush v3, $0xF;
	_ =	sdelay $0xd  }
0x571: {  	s20 =	spop (v2sf)  }
0x572: {  	s0 =	spop (v2sf)  }
.Ltmp63:
0x573: {  	s18 =	ssub.s32 s18, s0;
	(pc) =	sbr.rel .LBB2_88-.Ltmp63, $4  }
0x574: {  	[smem:$0x1] =	sst s18  }
0x575: {  	s19 =	simm.s32 $0x0;
	[smem:$0x2] =	sst s20  }
0x576: {  	[smem:$0x3] =	sst s19  }
0x577: {  	[smem:$0x4] =	sst s13  }
.LBB2_79:
0x578: {  	s22 =	smov.u32 @p1 s22  }
0x579: {  	s18 =	smov.u32 @p1 s18;
	s20 =	smov.u32 @p1 s20;
	s19 =	smov.u32 s22  }
.LBB2_88:
.Ltmp64:
0x57a: {  	(pc) =	sbr.rel @p1 .LBB2_90-.Ltmp64, $4  }
.Ltmp65:
0x57b: {  	(pc) =	sbr.rel @!p1 .LBB2_89-.Ltmp65, $4  }
0x57c: {  	_ = 	snop  }
0x57d: {  	_ = 	snop  }
0x57e: {  	_ = 	snop  }
0x57f: {  	_ = 	snop  }
.LBB2_33:
.Ltmp66:
0x580: {  	(pc) =	sbr.rel .LBB2_38-.Ltmp66, $2  }
0x581: {  	_ =	sdelay $0x2  }
0x582: {  	s26 =	simm.s32 $0x0  }
.LBB2_35:
.Ltmp67:
0x583: {  	(pc) =	sbr.rel .LBB2_38-.Ltmp67, $3  }
0x584: {  	_ =	sdelay $0x1  }
0x585: {  	v8 =	vmov v5;
	v16 =	vmov v6  }
0x586: {  	v17 =	vmovc v4;
	s26 =	simm.s32 $0x0;
	v5 =	vmovc v13;
	v4 =	vmov v10;
	v12 =	vmov v11;
	v6 =	vmov v9  }
.LBB2_62:
.Ltmp68:
0x587: {  	(pc) =	sbr.rel .LBB2_67-.Ltmp68, $2  }
0x588: {  	_ =	sdelay $0x2  }
0x589: {  	s26 =	simm.s32 $0x0  }
.LBB2_64:
.Ltmp69:
0x58a: {  	(pc) =	sbr.rel .LBB2_67-.Ltmp69, $3  }
0x58b: {  	_ =	sdelay $0x1  }
0x58c: {  	v8 =	vmov v5;
	v16 =	vmov v6  }
0x58d: {  	v17 =	vmovc v4;
	s26 =	simm.s32 $0x0;
	v5 =	vmovc v13;
	v4 =	vmov v10;
	v12 =	vmov v11;
	v6 =	vmov v9  }
.LBB2_96:
.Ltmp70:
0x58e: {  	(pc) =	sbr.rel .LBB2_101-.Ltmp70, $2  }
0x58f: {  	_ =	sdelay $0x2  }
0x590: {  	s24 =	simm.s32 $0x0  }
.LBB2_98:
.Ltmp71:
0x591: {  	(pc) =	sbr.rel .LBB2_101-.Ltmp71, $3  }
0x592: {  	_ =	sdelay $0x1  }
0x593: {  	v16 =	vmov v7;
	v17 =	vmov v8  }
0x594: {  	v18 =	vmovc v6;
	s24 =	simm.s32 $0x0;
	v7 =	vmovc v13;
	v6 =	vmov v10;
	v12 =	vmov v11;
	v8 =	vmov v9  }
.LBB2_94:
0x595: {  	_ =	sfence.sel $0x180000  }
0x596: {  	[bflag:$0x0] =	sbarrier.arrive $0xFFFF  }
0x597: {  	_ =	strace $0x90000047  }
0x598: {  	s0 =	stileid.u32;
	[bflag:$0x2] =	sbarrier.arrive $0xFFFF  }
0x599: {  	p0 =	sne.s32 s0, $0x0;
	s0 =	rddreg [dreg:$0x1]  }
0x59a: {  	s0 =	sadd.s32 @!p0 $0x100000, s0  }
0x59b: {  	[sflag:s0] =	ssyncadd.tile.s32 @!p0 $0x1;
	_ =	shalt  }
.Lfunc_end2:
_tile_overlayer_lowered:
.L_overlay_start_2:
0x59c: {  	(tag) =	ssettag $0x2  }
0x59d: {  	s0 =	rddreg [dreg:$0x0];
	s2 =	stileid.u32  }
0x59e: {  	s1 =	rddreg [dreg:$0x1];
	p0 =	sne.s32 s2, $0x0  }
0x59f: {  	s3 =	rddreg [dreg:$0x2];
	[bflag:$0x3] =	sbarrier.arrive $0xFFFF;
	s2 =	simm.s32 @!p0 $0x1C04  }
0x5a0: {  	[timem:s3], [sflag:s2] =	dma.local @!p0 [hbm:s0], s1  }
0x5a1: {  	s0 =	simm.s32 @!p0 $0x4  }
0x5a2: {  	_ =	swait.ge @!p0 [sflag:s0], s1  }
0x5a3: {  	s1 =	ssub.s32 @!p0 $0x0, s1;
	[sflag:s0] =	ssyncset.done @!p0 $0x0  }
0x5a4: {  	[sflag:s0] =	ssyncadd.s32 @!p0 s1  }
0x5a5: {  	[bflag:$0x3] =	sbarrier.arrive $0xFFFF  }
0x5a6: {  	_ =	shalt  }

</sc_bundles>
